<compile_context>
chip_gen: v7x
topology: tpu7x:2x2x1
jax: 0.10.2.dev20260603
libtpu: 0.0.44.dev20260713+nightly
codegen_flags: <defaults>
</compile_context>

<pallas_src>
import jax
import jax.numpy as jnp
from jax import lax
from jax.experimental import pallas as pl
from jax.experimental.pallas import tpu as pltpu
from jax.experimental.pallas import tpu_sc as plsc

_N_PAPER = 100000
_N_AUTHOR = 50000
_N_FIELD = 10000
_EMBED = 128
_TOTAL = _N_PAPER + _N_AUTHOR + _N_FIELD
_NW = 32
_ROWS_PER_W = _TOTAL // _NW
_CH = 200
_NCH = _ROWS_PER_W // _CH
_NBUF = 5
_LOOKAHEAD = 3


def _copy_range(src, out, sbase, obase, bufs, sin, son):
    in_cp = [None] * _NBUF
    out_cp = [None] * _NBUF

    def make_in(c):
        b = c % _NBUF
        cp = pltpu.make_async_copy(
            src.at[pl.ds(sbase + c * _CH, _CH)], bufs[b], sin[b])
        cp.start()
        in_cp[b] = cp

    for c in range(min(_LOOKAHEAD, _NCH)):
        make_in(c)
    for c in range(_NCH):
        b = c % _NBUF
        in_cp[b].wait()
        ocp = pltpu.make_async_copy(
            bufs[b], out.at[pl.ds(obase + c * _CH, _CH)], son[b])
        ocp.start()
        out_cp[b] = ocp
        n = c + _LOOKAHEAD
        if n < _NCH:
            nb = n % _NBUF
            if out_cp[nb] is not None:
                out_cp[nb].wait()
                out_cp[nb] = None
            make_in(n)
    for b in range(_NBUF):
        if out_cp[b] is not None:
            out_cp[b].wait()


def _sc_body(p_hbm, a_hbm, f_hbm, out_hbm, buf0, buf1, buf2, buf3, buf4,
             si0, si1, si2, si3, si4, so0, so1, so2, so3, so4):
    wid = lax.axis_index("s") * 2 + lax.axis_index("c")
    bufs = (buf0, buf1, buf2, buf3, buf4)
    sin = (si0, si1, si2, si3, si4)
    son = (so0, so1, so2, so3, so4)
    pb_w = _N_PAPER // _ROWS_PER_W
    ab_w = _N_AUTHOR // _ROWS_PER_W

    @pl.when(wid < pb_w)
    def _():
        _copy_range(p_hbm, out_hbm, wid * _ROWS_PER_W, wid * _ROWS_PER_W,
                    bufs, sin, son)

    @pl.when(jnp.logical_and(wid >= pb_w, wid < pb_w + ab_w))
    def _():
        r = (wid - pb_w) * _ROWS_PER_W
        _copy_range(a_hbm, out_hbm, r, _N_PAPER + r, bufs, sin, son)

    @pl.when(wid >= pb_w + ab_w)
    def _():
        r = (wid - pb_w - ab_w) * _ROWS_PER_W
        _copy_range(f_hbm, out_hbm, r, _N_PAPER + _N_AUTHOR + r,
                    bufs, sin, son)


def kernel(embed_paper, embed_author, embed_field):
    k = pl.kernel(
        _sc_body,
        out_type=jax.ShapeDtypeStruct((_TOTAL, _EMBED), jnp.float32),
        mesh=plsc.VectorSubcoreMesh(core_axis_name="c", subcore_axis_name="s"),
        scratch_types=(
            [pltpu.VMEM((_CH, _EMBED), jnp.float32)] * _NBUF
            + [pltpu.SemaphoreType.DMA] * (2 * _NBUF)
        ),
    )
    return k(embed_paper, embed_author, embed_field)

# --- scband reference (transcript-rebuilt; emitter-appended) ---
"""Pipeline reference for scband-rel-graph-embed-19198503813688 (READ-ONLY COPY).

The authoritative reference and input builder live on the scoring server;
editing this copy changes nothing except your own understanding.
"""

import jax, jax.numpy as jnp
import numpy as np

NUM_NODES = {"paper": 100000, "author": 50000, "field": 10000}
EMBED_SIZE = 128


def _xavier_uniform(key, n, d):
    bound = float(np.sqrt(6.0 / (n + d)))
    return jax.random.uniform(key, (n, d), minval=-bound, maxval=bound, dtype=jnp.float32)


def setup_inputs(seed: int = 0) -> dict:
    key = jax.random.key(seed)
    inp = {}
    for i, (ntype, n) in enumerate(NUM_NODES.items()):
        k = jax.random.fold_in(key, i)
        inp[f"embed_{ntype}"] = _xavier_uniform(k, n, EMBED_SIZE)
    return inp


def reference(embed_paper, embed_author, embed_field):
    # RelGraphEmbed.forward simply returns the ParameterDict of per-ntype
    # embedding tables (the whole table, no index gather). We represent the
    # dict output as the concatenation of all node-type tables along axis 0
    # (ordering: paper, author, field) so the output is a single array.
    return jnp.concatenate([embed_paper, embed_author, embed_field], axis=0)

if __name__ == "__main__":
    import jax
    _d = setup_inputs()
    print(jax.jit(kernel)(*tuple(_d.values())))

</pallas_src>

<mosaic_0001>
#map = affine_map<(d0, d1) -> (0, 0)>
module attributes {stable_mosaic.version = 14 : i64} {
  func.func @_sc_body(%arg0: i32, %arg1: i32, %arg2: memref<100000x128xf32, #tpu.memory_space<hbm>>, %arg3: memref<50000x128xf32, #tpu.memory_space<hbm>>, %arg4: memref<10000x128xf32, #tpu.memory_space<hbm>>, %arg5: memref<160000x128xf32, #tpu.memory_space<hbm>>, %arg6: memref<200x128xf32, #tpu.memory_space<vmem>>, %arg7: memref<200x128xf32, #tpu.memory_space<vmem>>, %arg8: memref<200x128xf32, #tpu.memory_space<vmem>>, %arg9: memref<200x128xf32, #tpu.memory_space<vmem>>, %arg10: memref<200x128xf32, #tpu.memory_space<vmem>>, %arg11: memref<!tpu.dma_semaphore, #tpu.memory_space<semaphore_mem>>, %arg12: memref<!tpu.dma_semaphore, #tpu.memory_space<semaphore_mem>>, %arg13: memref<!tpu.dma_semaphore, #tpu.memory_space<semaphore_mem>>, %arg14: memref<!tpu.dma_semaphore, #tpu.memory_space<semaphore_mem>>, %arg15: memref<!tpu.dma_semaphore, #tpu.memory_space<semaphore_mem>>, %arg16: memref<!tpu.dma_semaphore, #tpu.memory_space<semaphore_mem>>, %arg17: memref<!tpu.dma_semaphore, #tpu.memory_space<semaphore_mem>>, %arg18: memref<!tpu.dma_semaphore, #tpu.memory_space<semaphore_mem>>, %arg19: memref<!tpu.dma_semaphore, #tpu.memory_space<semaphore_mem>>, %arg20: memref<!tpu.dma_semaphore, #tpu.memory_space<semaphore_mem>>) attributes {dimension_semantics = [#tpu.dimension_semantics<core_parallel>, #tpu.dimension_semantics<subcore_parallel>], iteration_bounds = array<i64: 2, 16>, scalar_prefetch = 0 : i64, scratch_operands = 15 : i64, tpu.core_type = #tpu.core_type<sc_vector_subcore>, window_params = [{transform_indices = #map}, {transform_indices = #map}, {transform_indices = #map}, {transform_indices = #map}]} {
    %mul3A = arith.constant 2 : i32
    %mul3A_0 = arith.muli %arg1, %mul3A : i32
    %add3A = arith.addi %mul3A_0, %arg0 : i32
    %lt3A = arith.constant 20 : i32
    %lt3A_1 = arith.cmpi slt, %add3A, %lt3A : i32
    %convert_element_type3A = arith.extui %lt3A_1 : i1 to i32
    %cond3A = arith.constant 0 : i32
    %cond3A_2 = arith.cmpi ne, %convert_element_type3A, %cond3A : i32
    scf.if %cond3A_2 {
      %mul3A_14 = arith.constant 5000 : i32
      %mul3A_15 = arith.muli %add3A, %mul3A_14 : i32
      %mul3A_16 = arith.constant 5000 : i32
      %mul3A_17 = arith.muli %add3A, %mul3A_16 : i32
      %add3A_18 = arith.constant 0 : i32
      %add3A_19 = arith.addi %mul3A_15, %add3A_18 : i32
      %dma_start3A = arith.constant 0 : i32
      %dma_start3A_20 = tpu.memref_slice %arg2[%add3A_19, %dma_start3A] : memref<100000x128xf32, #tpu.memory_space<hbm>> -> memref<200x128xf32, #tpu.memory_space<hbm>>
      %dma_start3A_21 = arith.constant 0 : i32
      %dma_start3A_22 = tpu.memref_slice %arg2[%add3A_19, %dma_start3A_21] : memref<100000x128xf32, #tpu.memory_space<hbm>> -> memref<200x128xf32, #tpu.memory_space<hbm>>
      tpu.enqueue_dma source(%dma_start3A_22 : memref<200x128xf32, #tpu.memory_space<hbm>>) target(%arg6 : memref<200x128xf32, #tpu.memory_space<vmem>>) target_semaphore(%arg11 : memref<!tpu.dma_semaphore, #tpu.memory_space<semaphore_mem>>)
      %add3A_23 = arith.constant 200 : i32
      %add3A_24 = arith.addi %mul3A_15, %add3A_23 : i32
      %dma_start3A_25 = arith.constant 0 : i32
      %dma_start3A_26 = tpu.memref_slice %arg2[%add3A_24, %dma_start3A_25] : memref<100000x128xf32, #tpu.memory_space<hbm>> -> memref<200x128xf32, #tpu.memory_space<hbm>>
      %dma_start3A_27 = arith.constant 0 : i32
      %dma_start3A_28 = tpu.memref_slice %arg2[%add3A_24, %dma_start3A_27] : memref<100000x128xf32, #tpu.memory_space<hbm>> -> memref<200x128xf32, #tpu.memory_space<hbm>>
      tpu.enqueue_dma source(%dma_start3A_28 : memref<200x128xf32, #tpu.memory_space<hbm>>) target(%arg7 : memref<200x128xf32, #tpu.memory_space<vmem>>) target_semaphore(%arg12 : memref<!tpu.dma_semaphore, #tpu.memory_space<semaphore_mem>>)
      %add3A_29 = arith.constant 400 : i32
      %add3A_30 = arith.addi %mul3A_15, %add3A_29 : i32
      %dma_start3A_31 = arith.constant 0 : i32
      %dma_start3A_32 = tpu.memref_slice %arg2[%add3A_30, %dma_start3A_31] : memref<100000x128xf32, #tpu.memory_space<hbm>> -> memref<200x128xf32, #tpu.memory_space<hbm>>
      %dma_start3A_33 = arith.constant 0 : i32
      %dma_start3A_34 = tpu.memref_slice %arg2[%add3A_30, %dma_start3A_33] : memref<100000x128xf32, #tpu.memory_space<hbm>> -> memref<200x128xf32, #tpu.memory_space<hbm>>
      tpu.enqueue_dma source(%dma_start3A_34 : memref<200x128xf32, #tpu.memory_space<hbm>>) target(%arg8 : memref<200x128xf32, #tpu.memory_space<vmem>>) target_semaphore(%arg13 : memref<!tpu.dma_semaphore, #tpu.memory_space<semaphore_mem>>)
      %dma_wait3A = arith.constant 0 : i32
      %dma_wait3A_35 = tpu.memref_slice %arg2[%add3A_19, %dma_wait3A] : memref<100000x128xf32, #tpu.memory_space<hbm>> -> memref<200x128xf32, #tpu.memory_space<hbm>>
      %dma_wait3A_36 = arith.constant 0 : i32
      %dma_wait3A_37 = tpu.memref_slice %arg2[%add3A_19, %dma_wait3A_36] : memref<100000x128xf32, #tpu.memory_space<hbm>> -> memref<200x128xf32, #tpu.memory_space<hbm>>
      tpu.wait_dma2 semaphore(%arg11 : memref<!tpu.dma_semaphore, #tpu.memory_space<semaphore_mem>>) src(%dma_wait3A_37 : memref<200x128xf32, #tpu.memory_space<hbm>>) dst(%arg6 : memref<200x128xf32, #tpu.memory_space<vmem>>)
      %add3A_38 = arith.constant 0 : i32
      %add3A_39 = arith.addi %mul3A_17, %add3A_38 : i32
      %dma_start3A_40 = arith.constant 0 : i32
      %dma_start3A_41 = tpu.memref_slice %arg5[%add3A_39, %dma_start3A_40] : memref<160000x128xf32, #tpu.memory_space<hbm>> -> memref<200x128xf32, #tpu.memory_space<hbm>>
      %dma_start3A_42 = arith.constant 0 : i32
      %dma_start3A_43 = tpu.memref_slice %arg5[%add3A_39, %dma_start3A_42] : memref<160000x128xf32, #tpu.memory_space<hbm>> -> memref<200x128xf32, #tpu.memory_space<hbm>>
      tpu.enqueue_dma source(%arg6 : memref<200x128xf32, #tpu.memory_space<vmem>>) target(%dma_start3A_43 : memref<200x128xf32, #tpu.memory_space<hbm>>) target_semaphore(%arg16 : memref<!tpu.dma_semaphore, #tpu.memory_space<semaphore_mem>>)
      %add3A_44 = arith.constant 600 : i32
      %add3A_45 = arith.addi %mul3A_15, %add3A_44 : i32
      %dma_start3A_46 = arith.constant 0 : i32
      %dma_start3A_47 = tpu.memref_slice %arg2[%add3A_45, %dma_start3A_46] : memref<100000x128xf32, #tpu.memory_space<hbm>> -> memref<200x128xf32, #tpu.memory_space<hbm>>
      %dma_start3A_48 = arith.constant 0 : i32
      %dma_start3A_49 = tpu.memref_slice %arg2[%add3A_45, %dma_start3A_48] : memref<100000x128xf32, #tpu.memory_space<hbm>> -> memref<200x128xf32, #tpu.memory_space<hbm>>
      tpu.enqueue_dma source(%dma_start3A_49 : memref<200x128xf32, #tpu.memory_space<hbm>>) target(%arg9 : memref<200x128xf32, #tpu.memory_space<vmem>>) target_semaphore(%arg14 : memref<!tpu.dma_semaphore, #tpu.memory_space<semaphore_mem>>)
      %dma_wait3A_50 = arith.constant 0 : i32
      %dma_wait3A_51 = tpu.memref_slice %arg2[%add3A_24, %dma_wait3A_50] : memref<100000x128xf32, #tpu.memory_space<hbm>> -> memref<200x128xf32, #tpu.memory_space<hbm>>
      %dma_wait3A_52 = arith.constant 0 : i32
      %dma_wait3A_53 = tpu.memref_slice %arg2[%add3A_24, %dma_wait3A_52] : memref<100000x128xf32, #tpu.memory_space<hbm>> -> memref<200x128xf32, #tpu.memory_space<hbm>>
      tpu.wait_dma2 semaphore(%arg12 : memref<!tpu.dma_semaphore, #tpu.memory_space<semaphore_mem>>) src(%dma_wait3A_53 : memref<200x128xf32, #tpu.memory_space<hbm>>) dst(%arg7 : memref<200x128xf32, #tpu.memory_space<vmem>>)
      %add3A_54 = arith.constant 200 : i32
      %add3A_55 = arith.addi %mul3A_17, %add3A_54 : i32
      %dma_start3A_56 = arith.constant 0 : i32
      %dma_start3A_57 = tpu.memref_slice %arg5[%add3A_55, %dma_start3A_56] : memref<160000x128xf32, #tpu.memory_space<hbm>> -> memref<200x128xf32, #tpu.memory_space<hbm>>
      %dma_start3A_58 = arith.constant 0 : i32
      %dma_start3A_59 = tpu.memref_slice %arg5[%add3A_55, %dma_start3A_58] : memref<160000x128xf32, #tpu.memory_space<hbm>> -> memref<200x128xf32, #tpu.memory_space<hbm>>
      tpu.enqueue_dma source(%arg7 : memref<200x128xf32, #tpu.memory_space<vmem>>) target(%dma_start3A_59 : memref<200x128xf32, #tpu.memory_space<hbm>>) target_semaphore(%arg17 : memref<!tpu.dma_semaphore, #tpu.memory_space<semaphore_mem>>)
      %add3A_60 = arith.constant 800 : i32
      %add3A_61 = arith.addi %mul3A_15, %add3A_60 : i32
      %dma_start3A_62 = arith.constant 0 : i32
      %dma_start3A_63 = tpu.memref_slice %arg2[%add3A_61, %dma_start3A_62] : memref<100000x128xf32, #tpu.memory_space<hbm>> -> memref<200x128xf32, #tpu.memory_space<hbm>>
      %dma_start3A_64 = arith.constant 0 : i32
      %dma_start3A_65 = tpu.memref_slice %arg2[%add3A_61, %dma_start3A_64] : memref<100000x128xf32, #tpu.memory_space<hbm>> -> memref<200x128xf32, #tpu.memory_space<hbm>>
      tpu.enqueue_dma source(%dma_start3A_65 : memref<200x128xf32, #tpu.memory_space<hbm>>) target(%arg10 : memref<200x128xf32, #tpu.memory_space<vmem>>) target_semaphore(%arg15 : memref<!tpu.dma_semaphore, #tpu.memory_space<semaphore_mem>>)
      %dma_wait3A_66 = arith.constant 0 : i32
      %dma_wait3A_67 = tpu.memref_slice %arg2[%add3A_30, %dma_wait3A_66] : memref<100000x128xf32, #tpu.memory_space<hbm>> -> memref<200x128xf32, #tpu.memory_space<hbm>>
      %dma_wait3A_68 = arith.constant 0 : i32
      %dma_wait3A_69 = tpu.memref_slice %arg2[%add3A_30, %dma_wait3A_68] : memref<100000x128xf32, #tpu.memory_space<hbm>> -> memref<200x128xf32, #tpu.memory_space<hbm>>
      tpu.wait_dma2 semaphore(%arg13 : memref<!tpu.dma_semaphore, #tpu.memory_space<semaphore_mem>>) src(%dma_wait3A_69 : memref<200x128xf32, #tpu.memory_space<hbm>>) dst(%arg8 : memref<200x128xf32, #tpu.memory_space<vmem>>)
      %add3A_70 = arith.constant 400 : i32
      %add3A_71 = arith.addi %mul3A_17, %add3A_70 : i32
      %dma_start3A_72 = arith.constant 0 : i32
      %dma_start3A_73 = tpu.memref_slice %arg5[%add3A_71, %dma_start3A_72] : memref<160000x128xf32, #tpu.memory_space<hbm>> -> memref<200x128xf32, #tpu.memory_space<hbm>>
      %dma_start3A_74 = arith.constant 0 : i32
      %dma_start3A_75 = tpu.memref_slice %arg5[%add3A_71, %dma_start3A_74] : memref<160000x128xf32, #tpu.memory_space<hbm>> -> memref<200x128xf32, #tpu.memory_space<hbm>>
      tpu.enqueue_dma source(%arg8 : memref<200x128xf32, #tpu.memory_space<vmem>>) target(%dma_start3A_75 : memref<200x128xf32, #tpu.memory_space<hbm>>) target_semaphore(%arg18 : memref<!tpu.dma_semaphore, #tpu.memory_space<semaphore_mem>>)
      %dma_wait3A_76 = arith.constant 0 : i32
      %dma_wait3A_77 = tpu.memref_slice %arg5[%add3A_39, %dma_wait3A_76] : memref<160000x128xf32, #tpu.memory_space<hbm>> -> memref<200x128xf32, #tpu.memory_space<hbm>>
      %dma_wait3A_78 = arith.constant 0 : i32
      %dma_wait3A_79 = tpu.memref_slice %arg5[%add3A_39, %dma_wait3A_78] : memref<160000x128xf32, #tpu.memory_space<hbm>> -> memref<200x128xf32, #tpu.memory_space<hbm>>
      tpu.wait_dma2 semaphore(%arg16 : memref<!tpu.dma_semaphore, #tpu.memory_space<semaphore_mem>>) src(%arg6 : memref<200x128xf32, #tpu.memory_space<vmem>>) dst(%dma_wait3A_79 : memref<200x128xf32, #tpu.memory_space<hbm>>)
      %add3A_80 = arith.constant 1000 : i32
      %add3A_81 = arith.addi %mul3A_15, %add3A_80 : i32
      %dma_start3A_82 = arith.constant 0 : i32
      %dma_start3A_83 = tpu.memref_slice %arg2[%add3A_81, %dma_start3A_82] : memref<100000x128xf32, #tpu.memory_space<hbm>> -> memref<200x128xf32, #tpu.memory_space<hbm>>
      %dma_start3A_84 = arith.constant 0 : i32
      %dma_start3A_85 = tpu.memref_slice %arg2[%add3A_81, %dma_start3A_84] : memref<100000x128xf32, #tpu.memory_space<hbm>> -> memref<200x128xf32, #tpu.memory_space<hbm>>
      tpu.enqueue_dma source(%dma_start3A_85 : memref<200x128xf32, #tpu.memory_space<hbm>>) target(%arg6 : memref<200x128xf32, #tpu.memory_space<vmem>>) target_semaphore(%arg11 : memref<!tpu.dma_semaphore, #tpu.memory_space<semaphore_mem>>)
      %dma_wait3A_86 = arith.constant 0 : i32
      %dma_wait3A_87 = tpu.memref_slice %arg2[%add3A_45, %dma_wait3A_86] : memref<100000x128xf32, #tpu.memory_space<hbm>> -> memref<200x128xf32, #tpu.memory_space<hbm>>
      %dma_wait3A_88 = arith.constant 0 : i32
      %dma_wait3A_89 = tpu.memref_slice %arg2[%add3A_45, %dma_wait3A_88] : memref<100000x128xf32, #tpu.memory_space<hbm>> -> memref<200x128xf32, #tpu.memory_space<hbm>>
      tpu.wait_dma2 semaphore(%arg14 : memref<!tpu.dma_semaphore, #tpu.memory_space<semaphore_mem>>) src(%dma_wait3A_89 : memref<200x128xf32, #tpu.memory_space<hbm>>) dst(%arg9 : memref<200x128xf32, #tpu.memory_space<vmem>>)
      %add3A_90 = arith.constant 600 : i32
      %add3A_91 = arith.addi %mul3A_17, %add3A_90 : i32
      %dma_start3A_92 = arith.constant 0 : i32
      %dma_start3A_93 = tpu.memref_slice %arg5[%add3A_91, %dma_start3A_92] : memref<160000x128xf32, #tpu.memory_space<hbm>> -> memref<200x128xf32, #tpu.memory_space<hbm>>
      %dma_start3A_94 = arith.constant 0 : i32
      %dma_start3A_95 = tpu.memref_slice %arg5[%add3A_91, %dma_start3A_94] : memref<160000x128xf32, #tpu.memory_space<hbm>> -> memref<200x128xf32, #tpu.memory_space<hbm>>
      tpu.enqueue_dma source(%arg9 : memref<200x128xf32, #tpu.memory_space<vmem>>) target(%dma_start3A_95 : memref<200x128xf32, #tpu.memory_space<hbm>>) target_semaphore(%arg19 : memref<!tpu.dma_semaphore, #tpu.memory_space<semaphore_mem>>)
      %dma_wait3A_96 = arith.constant 0 : i32
      %dma_wait3A_97 = tpu.memref_slice %arg5[%add3A_55, %dma_wait3A_96] : memref<160000x128xf32, #tpu.memory_space<hbm>> -> memref<200x128xf32, #tpu.memory_space<hbm>>
      %dma_wait3A_98 = arith.constant 0 : i32
      %dma_wait3A_99 = tpu.memref_slice %arg5[%add3A_55, %dma_wait3A_98] : memref<160000x128xf32, #tpu.memory_space<hbm>> -> memref<200x128xf32, #tpu.memory_space<hbm>>
      tpu.wait_dma2 semaphore(%arg17 : memref<!tpu.dma_semaphore, #tpu.memory_space<semaphore_mem>>) src(%arg7 : memref<200x128xf32, #tpu.memory_space<vmem>>) dst(%dma_wait3A_99 : memref<200x128xf32, #tpu.memory_space<hbm>>)
      %add3A_100 = arith.constant 1200 : i32
      %add3A_101 = arith.addi %mul3A_15, %add3A_100 : i32
      %dma_start3A_102 = arith.constant 0 : i32
      %dma_start3A_103 = tpu.memref_slice %arg2[%add3A_101, %dma_start3A_102] : memref<100000x128xf32, #tpu.memory_space<hbm>> -> memref<200x128xf32, #tpu.memory_space<hbm>>
      %dma_start3A_104 = arith.constant 0 : i32
      %dma_start3A_105 = tpu.memref_slice %arg2[%add3A_101, %dma_start3A_104] : memref<100000x128xf32, #tpu.memory_space<hbm>> -> memref<200x128xf32, #tpu.memory_space<hbm>>
      tpu.enqueue_dma source(%dma_start3A_105 : memref<200x128xf32, #tpu.memory_space<hbm>>) target(%arg7 : memref<200x128xf32, #tpu.memory_space<vmem>>) target_semaphore(%arg12 : memref<!tpu.dma_semaphore, #tpu.memory_space<semaphore_mem>>)
      %dma_wait3A_106 = arith.constant 0 : i32
      %dma_wait3A_107 = tpu.memref_slice %arg2[%add3A_61, %dma_wait3A_106] : memref<100000x128xf32, #tpu.memory_space<hbm>> -> memref<200x128xf32, #tpu.memory_space<hbm>>
      %dma_wait3A_108 = arith.constant 0 : i32
      %dma_wait3A_109 = tpu.memref_slice %arg2[%add3A_61, %dma_wait3A_108] : memref<100000x128xf32, #tpu.memory_space<hbm>> -> memref<200x128xf32, #tpu.memory_space<hbm>>
      tpu.wait_dma2 semaphore(%arg15 : memref<!tpu.dma_semaphore, #tpu.memory_space<semaphore_mem>>) src(%dma_wait3A_109 : memref<200x128xf32, #tpu.memory_space<hbm>>) dst(%arg10 : memref<200x128xf32, #tpu.memory_space<vmem>>)
      %add3A_110 = arith.constant 800 : i32
      %add3A_111 = arith.addi %mul3A_17, %add3A_110 : i32
      %dma_start3A_112 = arith.constant 0 : i32
      %dma_start3A_113 = tpu.memref_slice %arg5[%add3A_111, %dma_start3A_112] : memref<160000x128xf32, #tpu.memory_space<hbm>> -> memref<200x128xf32, #tpu.memory_space<hbm>>
      %dma_start3A_114 = arith.constant 0 : i32
      %dma_start3A_115 = tpu.memref_slice %arg5[%add3A_111, %dma_start3A_114] : memref<160000x128xf32, #tpu.memory_space<hbm>> -> memref<200x128xf32, #tpu.memory_space<hbm>>
      tpu.enqueue_dma source(%arg10 : memref<200x128xf32, #tpu.memory_space<vmem>>) target(%dma_start3A_115 : memref<200x128xf32, #tpu.memory_space<hbm>>) target_semaphore(%arg20 : memref<!tpu.dma_semaphore, #tpu.memory_space<semaphore_mem>>)
      %dma_wait3A_116 = arith.constant 0 : i32
      %dma_wait3A_117 = tpu.memref_slice %arg5[%add3A_71, %dma_wait3A_116] : memref<160000x128xf32, #tpu.memory_space<hbm>> -> memref<200x128xf32, #tpu.memory_space<hbm>>
      %dma_wait3A_118 = arith.constant 0 : i32
      %dma_wait3A_119 = tpu.memref_slice %arg5[%add3A_71, %dma_wait3A_118] : memref<160000x128xf32, #tpu.memory_space<hbm>> -> memref<200x128xf32, #tpu.memory_space<hbm>>
      tpu.wait_dma2 semaphore(%arg18 : memref<!tpu.dma_semaphore, #tpu.memory_space<semaphore_mem>>) src(%arg8 : memref<200x128xf32, #tpu.memory_space<vmem>>) dst(%dma_wait3A_119 : memref<200x128xf32, #tpu.memory_space<hbm>>)
      %add3A_120 = arith.constant 1400 : i32
      %add3A_121 = arith.addi %mul3A_15, %add3A_120 : i32
      %dma_start3A_122 = arith.constant 0 : i32
      %dma_start3A_123 = tpu.memref_slice %arg2[%add3A_121, %dma_start3A_122] : memref<100000x128xf32, #tpu.memory_space<hbm>> -> memref<200x128xf32, #tpu.memory_space<hbm>>
      %dma_start3A_124 = arith.constant 0 : i32
      %dma_start3A_125 = tpu.memref_slice %arg2[%add3A_121, %dma_start3A_124] : memref<100000x128xf32, #tpu.memory_space<hbm>> -> memref<200x128xf32, #tpu.memory_space<hbm>>
      tpu.enqueue_dma source(%dma_start3A_125 : memref<200x128xf32, #tpu.memory_space<hbm>>) target(%arg8 : memref<200x128xf32, #tpu.memory_space<vmem>>) target_semaphore(%arg13 : memref<!tpu.dma_semaphore, #tpu.memory_space<semaphore_mem>>)
      %dma_wait3A_126 = arith.constant 0 : i32
      %dma_wait3A_127 = tpu.memref_slice %arg2[%add3A_81, %dma_wait3A_126] : memref<100000x128xf32, #tpu.memory_space<hbm>> -> memref<200x128xf32, #tpu.memory_space<hbm>>
      %dma_wait3A_128 = arith.constant 0 : i32
      %dma_wait3A_129 = tpu.memref_slice %arg2[%add3A_81, %dma_wait3A_128] : memref<100000x128xf32, #tpu.memory_space<hbm>> -> memref<200x128xf32, #tpu.memory_space<hbm>>
      tpu.wait_dma2 semaphore(%arg11 : memref<!tpu.dma_semaphore, #tpu.memory_space<semaphore_mem>>) src(%dma_wait3A_129 : memref<200x128xf32, #tpu.memory_space<hbm>>) dst(%arg6 : memref<200x128xf32, #tpu.memory_space<vmem>>)
      %add3A_130 = arith.constant 1000 : i32
      %add3A_131 = arith.addi %mul3A_17, %add3A_130 : i32
      %dma_start3A_132 = arith.constant 0 : i32
      %dma_start3A_133 = tpu.memref_slice %arg5[%add3A_131, %dma_start3A_132] : memref<160000x128xf32, #tpu.memory_space<hbm>> -> memref<200x128xf32, #tpu.memory_space<hbm>>
      %dma_start3A_134 = arith.constant 0 : i32
      %dma_start3A_135 = tpu.memref_slice %arg5[%add3A_131, %dma_start3A_134] : memref<160000x128xf32, #tpu.memory_space<hbm>> -> memref<200x128xf32, #tpu.memory_space<hbm>>
      tpu.enqueue_dma source(%arg6 : memref<200x128xf32, #tpu.memory_space<vmem>>) target(%dma_start3A_135 : memref<200x128xf32, #tpu.memory_space<hbm>>) target_semaphore(%arg16 : memref<!tpu.dma_semaphore, #tpu.memory_space<semaphore_mem>>)
      %dma_wait3A_136 = arith.constant 0 : i32
      %dma_wait3A_137 = tpu.memref_slice %arg5[%add3A_91, %dma_wait3A_136] : memref<160000x128xf32, #tpu.memory_space<hbm>> -> memref<200x128xf32, #tpu.memory_space<hbm>>
      %dma_wait3A_138 = arith.constant 0 : i32
      %dma_wait3A_139 = tpu.memref_slice %arg5[%add3A_91, %dma_wait3A_138] : memref<160000x128xf32, #tpu.memory_space<hbm>> -> memref<200x128xf32, #tpu.memory_space<hbm>>
      tpu.wait_dma2 semaphore(%arg19 : memref<!tpu.dma_semaphore, #tpu.memory_space<semaphore_mem>>) src(%arg9 : memref<200x128xf32, #tpu.memory_space<vmem>>) dst(%dma_wait3A_139 : memref<200x128xf32, #tpu.memory_space<hbm>>)
      %add3A_140 = arith.constant 1600 : i32
      %add3A_141 = arith.addi %mul3A_15, %add3A_140 : i32
      %dma_start3A_142 = arith.constant 0 : i32
      %dma_start3A_143 = tpu.memref_slice %arg2[%add3A_141, %dma_start3A_142] : memref<100000x128xf32, #tpu.memory_space<hbm>> -> memref<200x128xf32, #tpu.memory_space<hbm>>
      %dma_start3A_144 = arith.constant 0 : i32
      %dma_start3A_145 = tpu.memref_slice %arg2[%add3A_141, %dma_start3A_144] : memref<100000x128xf32, #tpu.memory_space<hbm>> -> memref<200x128xf32, #tpu.memory_space<hbm>>
      tpu.enqueue_dma source(%dma_start3A_145 : memref<200x128xf32, #tpu.memory_space<hbm>>) target(%arg9 : memref<200x128xf32, #tpu.memory_space<vmem>>) target_semaphore(%arg14 : memref<!tpu.dma_semaphore, #tpu.memory_space<semaphore_mem>>)
      %dma_wait3A_146 = arith.constant 0 : i32
      %dma_wait3A_147 = tpu.memref_slice %arg2[%add3A_101, %dma_wait3A_146] : memref<100000x128xf32, #tpu.memory_space<hbm>> -> memref<200x128xf32, #tpu.memory_space<hbm>>
      %dma_wait3A_148 = arith.constant 0 : i32
      %dma_wait3A_149 = tpu.memref_slice %arg2[%add3A_101, %dma_wait3A_148] : memref<100000x128xf32, #tpu.memory_space<hbm>> -> memref<200x128xf32, #tpu.memory_space<hbm>>
      tpu.wait_dma2 semaphore(%arg12 : memref<!tpu.dma_semaphore, #tpu.memory_space<semaphore_mem>>) src(%dma_wait3A_149 : memref<200x128xf32, #tpu.memory_space<hbm>>) dst(%arg7 : memref<200x128xf32, #tpu.memory_space<vmem>>)
      %add3A_150 = arith.constant 1200 : i32
      %add3A_151 = arith.addi %mul3A_17, %add3A_150 : i32
      %dma_start3A_152 = arith.constant 0 : i32
      %dma_start3A_153 = tpu.memref_slice %arg5[%add3A_151, %dma_start3A_152] : memref<160000x128xf32, #tpu.memory_space<hbm>> -> memref<200x128xf32, #tpu.memory_space<hbm>>
      %dma_start3A_154 = arith.constant 0 : i32
      %dma_start3A_155 = tpu.memref_slice %arg5[%add3A_151, %dma_start3A_154] : memref<160000x128xf32, #tpu.memory_space<hbm>> -> memref<200x128xf32, #tpu.memory_space<hbm>>
      tpu.enqueue_dma source(%arg7 : memref<200x128xf32, #tpu.memory_space<vmem>>) target(%dma_start3A_155 : memref<200x128xf32, #tpu.memory_space<hbm>>) target_semaphore(%arg17 : memref<!tpu.dma_semaphore, #tpu.memory_space<semaphore_mem>>)
      %dma_wait3A_156 = arith.constant 0 : i32
      %dma_wait3A_157 = tpu.memref_slice %arg5[%add3A_111, %dma_wait3A_156] : memref<160000x128xf32, #tpu.memory_space<hbm>> -> memref<200x128xf32, #tpu.memory_space<hbm>>
      %dma_wait3A_158 = arith.constant 0 : i32
      %dma_wait3A_159 = tpu.memref_slice %arg5[%add3A_111, %dma_wait3A_158] : memref<160000x128xf32, #tpu.memory_space<hbm>> -> memref<200x128xf32, #tpu.memory_space<hbm>>
      tpu.wait_dma2 semaphore(%arg20 : memref<!tpu.dma_semaphore, #tpu.memory_space<semaphore_mem>>) src(%arg10 : memref<200x128xf32, #tpu.memory_space<vmem>>) dst(%dma_wait3A_159 : memref<200x128xf32, #tpu.memory_space<hbm>>)
      %add3A_160 = arith.constant 1800 : i32
      %add3A_161 = arith.addi %mul3A_15, %add3A_160 : i32
      %dma_start3A_162 = arith.constant 0 : i32
      %dma_start3A_163 = tpu.memref_slice %arg2[%add3A_161, %dma_start3A_162] : memref<100000x128xf32, #tpu.memory_space<hbm>> -> memref<200x128xf32, #tpu.memory_space<hbm>>
      %dma_start3A_164 = arith.constant 0 : i32
      %dma_start3A_165 = tpu.memref_slice %arg2[%add3A_161, %dma_start3A_164] : memref<100000x128xf32, #tpu.memory_space<hbm>> -> memref<200x128xf32, #tpu.memory_space<hbm>>
      tpu.enqueue_dma source(%dma_start3A_165 : memref<200x128xf32, #tpu.memory_space<hbm>>) target(%arg10 : memref<200x128xf32, #tpu.memory_space<vmem>>) target_semaphore(%arg15 : memref<!tpu.dma_semaphore, #tpu.memory_space<semaphore_mem>>)
      %dma_wait3A_166 = arith.constant 0 : i32
      %dma_wait3A_167 = tpu.memref_slice %arg2[%add3A_121, %dma_wait3A_166] : memref<100000x128xf32, #tpu.memory_space<hbm>> -> memref<200x128xf32, #tpu.memory_space<hbm>>
      %dma_wait3A_168 = arith.constant 0 : i32
      %dma_wait3A_169 = tpu.memref_slice %arg2[%add3A_121, %dma_wait3A_168] : memref<100000x128xf32, #tpu.memory_space<hbm>> -> memref<200x128xf32, #tpu.memory_space<hbm>>
      tpu.wait_dma2 semaphore(%arg13 : memref<!tpu.dma_semaphore, #tpu.memory_space<semaphore_mem>>) src(%dma_wait3A_169 : memref<200x128xf32, #tpu.memory_space<hbm>>) dst(%arg8 : memref<200x128xf32, #tpu.memory_space<vmem>>)
      %add3A_170 = arith.constant 1400 : i32
      %add3A_171 = arith.addi %mul3A_17, %add3A_170 : i32
      %dma_start3A_172 = arith.constant 0 : i32
      %dma_start3A_173 = tpu.memref_slice %arg5[%add3A_171, %dma_start3A_172] : memref<160000x128xf32, #tpu.memory_space<hbm>> -> memref<200x128xf32, #tpu.memory_space<hbm>>
      %dma_start3A_174 = arith.constant 0 : i32
      %dma_start3A_175 = tpu.memref_slice %arg5[%add3A_171, %dma_start3A_174] : memref<160000x128xf32, #tpu.memory_space<hbm>> -> memref<200x128xf32, #tpu.memory_space<hbm>>
      tpu.enqueue_dma source(%arg8 : memref<200x128xf32, #tpu.memory_space<vmem>>) target(%dma_start3A_175 : memref<200x128xf32, #tpu.memory_space<hbm>>) target_semaphore(%arg18 : memref<!tpu.dma_semaphore, #tpu.memory_space<semaphore_mem>>)
      %dma_wait3A_176 = arith.constant 0 : i32
      %dma_wait3A_177 = tpu.memref_slice %arg5[%add3A_131, %dma_wait3A_176] : memref<160000x128xf32, #tpu.memory_space<hbm>> -> memref<200x128xf32, #tpu.memory_space<hbm>>
      %dma_wait3A_178 = arith.constant 0 : i32
      %dma_wait3A_179 = tpu.memref_slice %arg5[%add3A_131, %dma_wait3A_178] : memref<160000x128xf32, #tpu.memory_space<hbm>> -> memref<200x128xf32, #tpu.memory_space<hbm>>
      tpu.wait_dma2 semaphore(%arg16 : memref<!tpu.dma_semaphore, #tpu.memory_space<semaphore_mem>>) src(%arg6 : memref<200x128xf32, #tpu.memory_space<vmem>>) dst(%dma_wait3A_179 : memref<200x128xf32, #tpu.memory_space<hbm>>)
      %add3A_180 = arith.constant 2000 : i32
      %add3A_181 = arith.addi %mul3A_15, %add3A_180 : i32
      %dma_start3A_182 = arith.constant 0 : i32
      %dma_start3A_183 = tpu.memref_slice %arg2[%add3A_181, %dma_start3A_182] : memref<100000x128xf32, #tpu.memory_space<hbm>> -> memref<200x128xf32, #tpu.memory_space<hbm>>
      %dma_start3A_184 = arith.constant 0 : i32
      %dma_start3A_185 = tpu.memref_slice %arg2[%add3A_181, %dma_start3A_184] : memref<100000x128xf32, #tpu.memory_space<hbm>> -> memref<200x128xf32, #tpu.memory_space<hbm>>
      tpu.enqueue_dma source(%dma_start3A_185 : memref<200x128xf32, #tpu.memory_space<hbm>>) target(%arg6 : memref<200x128xf32, #tpu.memory_space<vmem>>) target_semaphore(%arg11 : memref<!tpu.dma_semaphore, #tpu.memory_space<semaphore_mem>>)
      %dma_wait3A_186 = arith.constant 0 : i32
      %dma_wait3A_187 = tpu.memref_slice %arg2[%add3A_141, %dma_wait3A_186] : memref<100000x128xf32, #tpu.memory_space<hbm>> -> memref<200x128xf32, #tpu.memory_space<hbm>>
      %dma_wait3A_188 = arith.constant 0 : i32
      %dma_wait3A_189 = tpu.memref_slice %arg2[%add3A_141, %dma_wait3A_188] : memref<100000x128xf32, #tpu.memory_space<hbm>> -> memref<200x128xf32, #tpu.memory_space<hbm>>
      tpu.wait_dma2 semaphore(%arg14 : memref<!tpu.dma_semaphore, #tpu.memory_space<semaphore_mem>>) src(%dma_wait3A_189 : memref<200x128xf32, #tpu.memory_space<hbm>>) dst(%arg9 : memref<200x128xf32, #tpu.memory_space<vmem>>)
      %add3A_190 = arith.constant 1600 : i32
      %add3A_191 = arith.addi %mul3A_17, %add3A_190 : i32
      %dma_start3A_192 = arith.constant 0 : i32
      %dma_start3A_193 = tpu.memref_slice %arg5[%add3A_191, %dma_start3A_192] : memref<160000x128xf32, #tpu.memory_space<hbm>> -> memref<200x128xf32, #tpu.memory_space<hbm>>
      %dma_start3A_194 = arith.constant 0 : i32
      %dma_start3A_195 = tpu.memref_slice %arg5[%add3A_191, %dma_start3A_194] : memref<160000x128xf32, #tpu.memory_space<hbm>> -> memref<200x128xf32, #tpu.memory_space<hbm>>
      tpu.enqueue_dma source(%arg9 : memref<200x128xf32, #tpu.memory_space<vmem>>) target(%dma_start3A_195 : memref<200x128xf32, #tpu.memory_space<hbm>>) target_semaphore(%arg19 : memref<!tpu.dma_semaphore, #tpu.memory_space<semaphore_mem>>)
      %dma_wait3A_196 = arith.constant 0 : i32
      %dma_wait3A_197 = tpu.memref_slice %arg5[%add3A_151, %dma_wait3A_196] : memref<160000x128xf32, #tpu.memory_space<hbm>> -> memref<200x128xf32, #tpu.memory_space<hbm>>
      %dma_wait3A_198 = arith.constant 0 : i32
      %dma_wait3A_199 = tpu.memref_slice %arg5[%add3A_151, %dma_wait3A_198] : memref<160000x128xf32, #tpu.memory_space<hbm>> -> memref<200x128xf32, #tpu.memory_space<hbm>>
      tpu.wait_dma2 semaphore(%arg17 : memref<!tpu.dma_semaphore, #tpu.memory_space<semaphore_mem>>) src(%arg7 : memref<200x128xf32, #tpu.memory_space<vmem>>) dst(%dma_wait3A_199 : memref<200x128xf32, #tpu.memory_space<hbm>>)
      %add3A_200 = arith.constant 2200 : i32
      %add3A_201 = arith.addi %mul3A_15, %add3A_200 : i32
      %dma_start3A_202 = arith.constant 0 : i32
      %dma_start3A_203 = tpu.memref_slice %arg2[%add3A_201, %dma_start3A_202] : memref<100000x128xf32, #tpu.memory_space<hbm>> -> memref<200x128xf32, #tpu.memory_space<hbm>>
      %dma_start3A_204 = arith.constant 0 : i32
      %dma_start3A_205 = tpu.memref_slice %arg2[%add3A_201, %dma_start3A_204] : memref<100000x128xf32, #tpu.memory_space<hbm>> -> memref<200x128xf32, #tpu.memory_space<hbm>>
      tpu.enqueue_dma source(%dma_start3A_205 : memref<200x128xf32, #tpu.memory_space<hbm>>) target(%arg7 : memref<200x128xf32, #tpu.memory_space<vmem>>) target_semaphore(%arg12 : memref<!tpu.dma_semaphore, #tpu.memory_space<semaphore_mem>>)
      %dma_wait3A_206 = arith.constant 0 : i32
      %dma_wait3A_207 = tpu.memref_slice %arg2[%add3A_161, %dma_wait3A_206] : memref<100000x128xf32, #tpu.memory_space<hbm>> -> memref<200x128xf32, #tpu.memory_space<hbm>>
      %dma_wait3A_208 = arith.constant 0 : i32
      %dma_wait3A_209 = tpu.memref_slice %arg2[%add3A_161, %dma_wait3A_208] : memref<100000x128xf32, #tpu.memory_space<hbm>> -> memref<200x128xf32, #tpu.memory_space<hbm>>
      tpu.wait_dma2 semaphore(%arg15 : memref<!tpu.dma_semaphore, #tpu.memory_space<semaphore_mem>>) src(%dma_wait3A_209 : memref<200x128xf32, #tpu.memory_space<hbm>>) dst(%arg10 : memref<200x128xf32, #tpu.memory_space<vmem>>)
      %add3A_210 = arith.constant 1800 : i32
      %add3A_211 = arith.addi %mul3A_17, %add3A_210 : i32
      %dma_start3A_212 = arith.constant 0 : i32
      %dma_start3A_213 = tpu.memref_slice %arg5[%add3A_211, %dma_start3A_212] : memref<160000x128xf32, #tpu.memory_space<hbm>> -> memref<200x128xf32, #tpu.memory_space<hbm>>
      %dma_start3A_214 = arith.constant 0 : i32
      %dma_start3A_215 = tpu.memref_slice %arg5[%add3A_211, %dma_start3A_214] : memref<160000x128xf32, #tpu.memory_space<hbm>> -> memref<200x128xf32, #tpu.memory_space<hbm>>
      tpu.enqueue_dma source(%arg10 : memref<200x128xf32, #tpu.memory_space<vmem>>) target(%dma_start3A_215 : memref<200x128xf32, #tpu.memory_space<hbm>>) target_semaphore(%arg20 : memref<!tpu.dma_semaphore, #tpu.memory_space<semaphore_mem>>)
      %dma_wait3A_216 = arith.constant 0 : i32
      %dma_wait3A_217 = tpu.memref_slice %arg5[%add3A_171, %dma_wait3A_216] : memref<160000x128xf32, #tpu.memory_space<hbm>> -> memref<200x128xf32, #tpu.memory_space<hbm>>
      %dma_wait3A_218 = arith.constant 0 : i32
      %dma_wait3A_219 = tpu.memref_slice %arg5[%add3A_171, %dma_wait3A_218] : memref<160000x128xf32, #tpu.memory_space<hbm>> -> memref<200x128xf32, #tpu.memory_space<hbm>>
      tpu.wait_dma2 semaphore(%arg18 : memref<!tpu.dma_semaphore, #tpu.memory_space<semaphore_mem>>) src(%arg8 : memref<200x128xf32, #tpu.memory_space<vmem>>) dst(%dma_wait3A_219 : memref<200x128xf32, #tpu.memory_space<hbm>>)
      %add3A_220 = arith.constant 2400 : i32
      %add3A_221 = arith.addi %mul3A_15, %add3A_220 : i32
      %dma_start3A_222 = arith.constant 0 : i32
      %dma_start3A_223 = tpu.memref_slice %arg2[%add3A_221, %dma_start3A_222] : memref<100000x128xf32, #tpu.memory_space<hbm>> -> memref<200x128xf32, #tpu.memory_space<hbm>>
      %dma_start3A_224 = arith.constant 0 : i32
      %dma_start3A_225 = tpu.memref_slice %arg2[%add3A_221, %dma_start3A_224] : memref<100000x128xf32, #tpu.memory_space<hbm>> -> memref<200x128xf32, #tpu.memory_space<hbm>>
      tpu.enqueue_dma source(%dma_start3A_225 : memref<200x128xf32, #tpu.memory_space<hbm>>) target(%arg8 : memref<200x128xf32, #tpu.memory_space<vmem>>) target_semaphore(%arg13 : memref<!tpu.dma_semaphore, #tpu.memory_space<semaphore_mem>>)
      %dma_wait3A_226 = arith.constant 0 : i32
      %dma_wait3A_227 = tpu.memref_slice %arg2[%add3A_181, %dma_wait3A_226] : memref<100000x128xf32, #tpu.memory_space<hbm>> -> memref<200x128xf32, #tpu.memory_space<hbm>>
      %dma_wait3A_228 = arith.constant 0 : i32
      %dma_wait3A_229 = tpu.memref_slice %arg2[%add3A_181, %dma_wait3A_228] : memref<100000x128xf32, #tpu.memory_space<hbm>> -> memref<200x128xf32, #tpu.memory_space<hbm>>
      tpu.wait_dma2 semaphore(%arg11 : memref<!tpu.dma_semaphore, #tpu.memory_space<semaphore_mem>>) src(%dma_wait3A_229 : memref<200x128xf32, #tpu.memory_space<hbm>>) dst(%arg6 : memref<200x128xf32, #tpu.memory_space<vmem>>)
      %add3A_230 = arith.constant 2000 : i32
      %add3A_231 = arith.addi %mul3A_17, %add3A_230 : i32
      %dma_start3A_232 = arith.constant 0 : i32
      %dma_start3A_233 = tpu.memref_slice %arg5[%add3A_231, %dma_start3A_232] : memref<160000x128xf32, #tpu.memory_space<hbm>> -> memref<200x128xf32, #tpu.memory_space<hbm>>
      %dma_start3A_234 = arith.constant 0 : i32
      %dma_start3A_235 = tpu.memref_slice %arg5[%add3A_231, %dma_start3A_234] : memref<160000x128xf32, #tpu.memory_space<hbm>> -> memref<200x128xf32, #tpu.memory_space<hbm>>
      tpu.enqueue_dma source(%arg6 : memref<200x128xf32, #tpu.memory_space<vmem>>) target(%dma_start3A_235 : memref<200x128xf32, #tpu.memory_space<hbm>>) target_semaphore(%arg16 : memref<!tpu.dma_semaphore, #tpu.memory_space<semaphore_mem>>)
      %dma_wait3A_236 = arith.constant 0 : i32
      %dma_wait3A_237 = tpu.memref_slice %arg5[%add3A_191, %dma_wait3A_236] : memref<160000x128xf32, #tpu.memory_space<hbm>> -> memref<200x128xf32, #tpu.memory_space<hbm>>
      %dma_wait3A_238 = arith.constant 0 : i32
      %dma_wait3A_239 = tpu.memref_slice %arg5[%add3A_191, %dma_wait3A_238] : memref<160000x128xf32, #tpu.memory_space<hbm>> -> memref<200x128xf32, #tpu.memory_space<hbm>>
      tpu.wait_dma2 semaphore(%arg19 : memref<!tpu.dma_semaphore, #tpu.memory_space<semaphore_mem>>) src(%arg9 : memref<200x128xf32, #tpu.memory_space<vmem>>) dst(%dma_wait3A_239 : memref<200x128xf32, #tpu.memory_space<hbm>>)
      %add3A_240 = arith.constant 2600 : i32
      %add3A_241 = arith.addi %mul3A_15, %add3A_240 : i32
      %dma_start3A_242 = arith.constant 0 : i32
      %dma_start3A_243 = tpu.memref_slice %arg2[%add3A_241, %dma_start3A_242] : memref<100000x128xf32, #tpu.memory_space<hbm>> -> memref<200x128xf32, #tpu.memory_space<hbm>>
      %dma_start3A_244 = arith.constant 0 : i32
      %dma_start3A_245 = tpu.memref_slice %arg2[%add3A_241, %dma_start3A_244] : memref<100000x128xf32, #tpu.memory_space<hbm>> -> memref<200x128xf32, #tpu.memory_space<hbm>>
      tpu.enqueue_dma source(%dma_start3A_245 : memref<200x128xf32, #tpu.memory_space<hbm>>) target(%arg9 : memref<200x128xf32, #tpu.memory_space<vmem>>) target_semaphore(%arg14 : memref<!tpu.dma_semaphore, #tpu.memory_space<semaphore_mem>>)
      %dma_wait3A_246 = arith.constant 0 : i32
      %dma_wait3A_247 = tpu.memref_slice %arg2[%add3A_201, %dma_wait3A_246] : memref<100000x128xf32, #tpu.memory_space<hbm>> -> memref<200x128xf32, #tpu.memory_space<hbm>>
      %dma_wait3A_248 = arith.constant 0 : i32
      %dma_wait3A_249 = tpu.memref_slice %arg2[%add3A_201, %dma_wait3A_248] : memref<100000x128xf32, #tpu.memory_space<hbm>> -> memref<200x128xf32, #tpu.memory_space<hbm>>
      tpu.wait_dma2 semaphore(%arg12 : memref<!tpu.dma_semaphore, #tpu.memory_space<semaphore_mem>>) src(%dma_wait3A_249 : memref<200x128xf32, #tpu.memory_space<hbm>>) dst(%arg7 : memref<200x128xf32, #tpu.memory_space<vmem>>)
      %add3A_250 = arith.constant 2200 : i32
      %add3A_251 = arith.addi %mul3A_17, %add3A_250 : i32
      %dma_start3A_252 = arith.constant 0 : i32
      %dma_start3A_253 = tpu.memref_slice %arg5[%add3A_251, %dma_start3A_252] : memref<160000x128xf32, #tpu.memory_space<hbm>> -> memref<200x128xf32, #tpu.memory_space<hbm>>
      %dma_start3A_254 = arith.constant 0 : i32
      %dma_start3A_255 = tpu.memref_slice %arg5[%add3A_251, %dma_start3A_254] : memref<160000x128xf32, #tpu.memory_space<hbm>> -> memref<200x128xf32, #tpu.memory_space<hbm>>
      tpu.enqueue_dma source(%arg7 : memref<200x128xf32, #tpu.memory_space<vmem>>) target(%dma_start3A_255 : memref<200x128xf32, #tpu.memory_space<hbm>>) target_semaphore(%arg17 : memref<!tpu.dma_semaphore, #tpu.memory_space<semaphore_mem>>)
      %dma_wait3A_256 = arith.constant 0 : i32
      %dma_wait3A_257 = tpu.memref_slice %arg5[%add3A_211, %dma_wait3A_256] : memref<160000x128xf32, #tpu.memory_space<hbm>> -> memref<200x128xf32, #tpu.memory_space<hbm>>
      %dma_wait3A_258 = arith.constant 0 : i32
      %dma_wait3A_259 = tpu.memref_slice %arg5[%add3A_211, %dma_wait3A_258] : memref<160000x128xf32, #tpu.memory_space<hbm>> -> memref<200x128xf32, #tpu.memory_space<hbm>>
      tpu.wait_dma2 semaphore(%arg20 : memref<!tpu.dma_semaphore, #tpu.memory_space<semaphore_mem>>) src(%arg10 : memref<200x128xf32, #tpu.memory_space<vmem>>) dst(%dma_wait3A_259 : memref<200x128xf32, #tpu.memory_space<hbm>>)
      %add3A_260 = arith.constant 2800 : i32
      %add3A_261 = arith.addi %mul3A_15, %add3A_260 : i32
      %dma_start3A_262 = arith.constant 0 : i32
      %dma_start3A_263 = tpu.memref_slice %arg2[%add3A_261, %dma_start3A_262] : memref<100000x128xf32, #tpu.memory_space<hbm>> -> memref<200x128xf32, #tpu.memory_space<hbm>>
      %dma_start3A_264 = arith.constant 0 : i32
      %dma_start3A_265 = tpu.memref_slice %arg2[%add3A_261, %dma_start3A_264] : memref<100000x128xf32, #tpu.memory_space<hbm>> -> memref<200x128xf32, #tpu.memory_space<hbm>>
      tpu.enqueue_dma source(%dma_start3A_265 : memref<200x128xf32, #tpu.memory_space<hbm>>) target(%arg10 : memref<200x128xf32, #tpu.memory_space<vmem>>) target_semaphore(%arg15 : memref<!tpu.dma_semaphore, #tpu.memory_space<semaphore_mem>>)
      %dma_wait3A_266 = arith.constant 0 : i32
      %dma_wait3A_267 = tpu.memref_slice %arg2[%add3A_221, %dma_wait3A_266] : memref<100000x128xf32, #tpu.memory_space<hbm>> -> memref<200x128xf32, #tpu.memory_space<hbm>>
      %dma_wait3A_268 = arith.constant 0 : i32
      %dma_wait3A_269 = tpu.memref_slice %arg2[%add3A_221, %dma_wait3A_268] : memref<100000x128xf32, #tpu.memory_space<hbm>> -> memref<200x128xf32, #tpu.memory_space<hbm>>
      tpu.wait_dma2 semaphore(%arg13 : memref<!tpu.dma_semaphore, #tpu.memory_space<semaphore_mem>>) src(%dma_wait3A_269 : memref<200x128xf32, #tpu.memory_space<hbm>>) dst(%arg8 : memref<200x128xf32, #tpu.memory_space<vmem>>)
      %add3A_270 = arith.constant 2400 : i32
      %add3A_271 = arith.addi %mul3A_17, %add3A_270 : i32
      %dma_start3A_272 = arith.constant 0 : i32
      %dma_start3A_273 = tpu.memref_slice %arg5[%add3A_271, %dma_start3A_272] : memref<160000x128xf32, #tpu.memory_space<hbm>> -> memref<200x128xf32, #tpu.memory_space<hbm>>
      %dma_start3A_274 = arith.constant 0 : i32
      %dma_start3A_275 = tpu.memref_slice %arg5[%add3A_271, %dma_start3A_274] : memref<160000x128xf32, #tpu.memory_space<hbm>> -> memref<200x128xf32, #tpu.memory_space<hbm>>
      tpu.enqueue_dma source(%arg8 : memref<200x128xf32, #tpu.memory_space<vmem>>) target(%dma_start3A_275 : memref<200x128xf32, #tpu.memory_space<hbm>>) target_semaphore(%arg18 : memref<!tpu.dma_semaphore, #tpu.memory_space<semaphore_mem>>)
      %dma_wait3A_276 = arith.constant 0 : i32
      %dma_wait3A_277 = tpu.memref_slice %arg5[%add3A_231, %dma_wait3A_276] : memref<160000x128xf32, #tpu.memory_space<hbm>> -> memref<200x128xf32, #tpu.memory_space<hbm>>
      %dma_wait3A_278 = arith.constant 0 : i32
      %dma_wait3A_279 = tpu.memref_slice %arg5[%add3A_231, %dma_wait3A_278] : memref<160000x128xf32, #tpu.memory_space<hbm>> -> memref<200x128xf32, #tpu.memory_space<hbm>>
      tpu.wait_dma2 semaphore(%arg16 : memref<!tpu.dma_semaphore, #tpu.memory_space<semaphore_mem>>) src(%arg6 : memref<200x128xf32, #tpu.memory_space<vmem>>) dst(%dma_wait3A_279 : memref<200x128xf32, #tpu.memory_space<hbm>>)
      %add3A_280 = arith.constant 3000 : i32
      %add3A_281 = arith.addi %mul3A_15, %add3A_280 : i32
      %dma_start3A_282 = arith.constant 0 : i32
      %dma_start3A_283 = tpu.memref_slice %arg2[%add3A_281, %dma_start3A_282] : memref<100000x128xf32, #tpu.memory_space<hbm>> -> memref<200x128xf32, #tpu.memory_space<hbm>>
      %dma_start3A_284 = arith.constant 0 : i32
      %dma_start3A_285 = tpu.memref_slice %arg2[%add3A_281, %dma_start3A_284] : memref<100000x128xf32, #tpu.memory_space<hbm>> -> memref<200x128xf32, #tpu.memory_space<hbm>>
      tpu.enqueue_dma source(%dma_start3A_285 : memref<200x128xf32, #tpu.memory_space<hbm>>) target(%arg6 : memref<200x128xf32, #tpu.memory_space<vmem>>) target_semaphore(%arg11 : memref<!tpu.dma_semaphore, #tpu.memory_space<semaphore_mem>>)
      %dma_wait3A_286 = arith.constant 0 : i32
      %dma_wait3A_287 = tpu.memref_slice %arg2[%add3A_241, %dma_wait3A_286] : memref<100000x128xf32, #tpu.memory_space<hbm>> -> memref<200x128xf32, #tpu.memory_space<hbm>>
      %dma_wait3A_288 = arith.constant 0 : i32
      %dma_wait3A_289 = tpu.memref_slice %arg2[%add3A_241, %dma_wait3A_288] : memref<100000x128xf32, #tpu.memory_space<hbm>> -> memref<200x128xf32, #tpu.memory_space<hbm>>
      tpu.wait_dma2 semaphore(%arg14 : memref<!tpu.dma_semaphore, #tpu.memory_space<semaphore_mem>>) src(%dma_wait3A_289 : memref<200x128xf32, #tpu.memory_space<hbm>>) dst(%arg9 : memref<200x128xf32, #tpu.memory_space<vmem>>)
      %add3A_290 = arith.constant 2600 : i32
      %add3A_291 = arith.addi %mul3A_17, %add3A_290 : i32
      %dma_start3A_292 = arith.constant 0 : i32
      %dma_start3A_293 = tpu.memref_slice %arg5[%add3A_291, %dma_start3A_292] : memref<160000x128xf32, #tpu.memory_space<hbm>> -> memref<200x128xf32, #tpu.memory_space<hbm>>
      %dma_start3A_294 = arith.constant 0 : i32
      %dma_start3A_295 = tpu.memref_slice %arg5[%add3A_291, %dma_start3A_294] : memref<160000x128xf32, #tpu.memory_space<hbm>> -> memref<200x128xf32, #tpu.memory_space<hbm>>
      tpu.enqueue_dma source(%arg9 : memref<200x128xf32, #tpu.memory_space<vmem>>) target(%dma_start3A_295 : memref<200x128xf32, #tpu.memory_space<hbm>>) target_semaphore(%arg19 : memref<!tpu.dma_semaphore, #tpu.memory_space<semaphore_mem>>)
      %dma_wait3A_296 = arith.constant 0 : i32
      %dma_wait3A_297 = tpu.memref_slice %arg5[%add3A_251, %dma_wait3A_296] : memref<160000x128xf32, #tpu.memory_space<hbm>> -> memref<200x128xf32, #tpu.memory_space<hbm>>
      %dma_wait3A_298 = arith.constant 0 : i32
      %dma_wait3A_299 = tpu.memref_slice %arg5[%add3A_251, %dma_wait3A_298] : memref<160000x128xf32, #tpu.memory_space<hbm>> -> memref<200x128xf32, #tpu.memory_space<hbm>>
      tpu.wait_dma2 semaphore(%arg17 : memref<!tpu.dma_semaphore, #tpu.memory_space<semaphore_mem>>) src(%arg7 : memref<200x128xf32, #tpu.memory_space<vmem>>) dst(%dma_wait3A_299 : memref<200x128xf32, #tpu.memory_space<hbm>>)
      %add3A_300 = arith.constant 3200 : i32
      %add3A_301 = arith.addi %mul3A_15, %add3A_300 : i32
      %dma_start3A_302 = arith.constant 0 : i32
      %dma_start3A_303 = tpu.memref_slice %arg2[%add3A_301, %dma_start3A_302] : memref<100000x128xf32, #tpu.memory_space<hbm>> -> memref<200x128xf32, #tpu.memory_space<hbm>>
      %dma_start3A_304 = arith.constant 0 : i32
      %dma_start3A_305 = tpu.memref_slice %arg2[%add3A_301, %dma_start3A_304] : memref<100000x128xf32, #tpu.memory_space<hbm>> -> memref<200x128xf32, #tpu.memory_space<hbm>>
      tpu.enqueue_dma source(%dma_start3A_305 : memref<200x128xf32, #tpu.memory_space<hbm>>) target(%arg7 : memref<200x128xf32, #tpu.memory_space<vmem>>) target_semaphore(%arg12 : memref<!tpu.dma_semaphore, #tpu.memory_space<semaphore_mem>>)
      %dma_wait3A_306 = arith.constant 0 : i32
      %dma_wait3A_307 = tpu.memref_slice %arg2[%add3A_261, %dma_wait3A_306] : memref<100000x128xf32, #tpu.memory_space<hbm>> -> memref<200x128xf32, #tpu.memory_space<hbm>>
      %dma_wait3A_308 = arith.constant 0 : i32
      %dma_wait3A_309 = tpu.memref_slice %arg2[%add3A_261, %dma_wait3A_308] : memref<100000x128xf32, #tpu.memory_space<hbm>> -> memref<200x128xf32, #tpu.memory_space<hbm>>
      tpu.wait_dma2 semaphore(%arg15 : memref<!tpu.dma_semaphore, #tpu.memory_space<semaphore_mem>>) src(%dma_wait3A_309 : memref<200x128xf32, #tpu.memory_space<hbm>>) dst(%arg10 : memref<200x128xf32, #tpu.memory_space<vmem>>)
      %add3A_310 = arith.constant 2800 : i32
      %add3A_311 = arith.addi %mul3A_17, %add3A_310 : i32
      %dma_start3A_312 = arith.constant 0 : i32
      %dma_start3A_313 = tpu.memref_slice %arg5[%add3A_311, %dma_start3A_312] : memref<160000x128xf32, #tpu.memory_space<hbm>> -> memref<200x128xf32, #tpu.memory_space<hbm>>
      %dma_start3A_314 = arith.constant 0 : i32
      %dma_start3A_315 = tpu.memref_slice %arg5[%add3A_311, %dma_start3A_314] : memref<160000x128xf32, #tpu.memory_space<hbm>> -> memref<200x128xf32, #tpu.memory_space<hbm>>
      tpu.enqueue_dma source(%arg10 : memref<200x128xf32, #tpu.memory_space<vmem>>) target(%dma_start3A_315 : memref<200x128xf32, #tpu.memory_space<hbm>>) target_semaphore(%arg20 : memref<!tpu.dma_semaphore, #tpu.memory_space<semaphore_mem>>)
      %dma_wait3A_316 = arith.constant 0 : i32
      %dma_wait3A_317 = tpu.memref_slice %arg5[%add3A_271, %dma_wait3A_316] : memref<160000x128xf32, #tpu.memory_space<hbm>> -> memref<200x128xf32, #tpu.memory_space<hbm>>
      %dma_wait3A_318 = arith.constant 0 : i32
      %dma_wait3A_319 = tpu.memref_slice %arg5[%add3A_271, %dma_wait3A_318] : memref<160000x128xf32, #tpu.memory_space<hbm>> -> memref<200x128xf32, #tpu.memory_space<hbm>>
      tpu.wait_dma2 semaphore(%arg18 : memref<!tpu.dma_semaphore, #tpu.memory_space<semaphore_mem>>) src(%arg8 : memref<200x128xf32, #tpu.memory_space<vmem>>) dst(%dma_wait3A_319 : memref<200x128xf32, #tpu.memory_space<hbm>>)
      %add3A_320 = arith.constant 3400 : i32
      %add3A_321 = arith.addi %mul3A_15, %add3A_320 : i32
      %dma_start3A_322 = arith.constant 0 : i32
      %dma_start3A_323 = tpu.memref_slice %arg2[%add3A_321, %dma_start3A_322] : memref<100000x128xf32, #tpu.memory_space<hbm>> -> memref<200x128xf32, #tpu.memory_space<hbm>>
      %dma_start3A_324 = arith.constant 0 : i32
      %dma_start3A_325 = tpu.memref_slice %arg2[%add3A_321, %dma_start3A_324] : memref<100000x128xf32, #tpu.memory_space<hbm>> -> memref<200x128xf32, #tpu.memory_space<hbm>>
      tpu.enqueue_dma source(%dma_start3A_325 : memref<200x128xf32, #tpu.memory_space<hbm>>) target(%arg8 : memref<200x128xf32, #tpu.memory_space<vmem>>) target_semaphore(%arg13 : memref<!tpu.dma_semaphore, #tpu.memory_space<semaphore_mem>>)
      %dma_wait3A_326 = arith.constant 0 : i32
      %dma_wait3A_327 = tpu.memref_slice %arg2[%add3A_281, %dma_wait3A_326] : memref<100000x128xf32, #tpu.memory_space<hbm>> -> memref<200x128xf32, #tpu.memory_space<hbm>>
      %dma_wait3A_328 = arith.constant 0 : i32
      %dma_wait3A_329 = tpu.memref_slice %arg2[%add3A_281, %dma_wait3A_328] : memref<100000x128xf32, #tpu.memory_space<hbm>> -> memref<200x128xf32, #tpu.memory_space<hbm>>
      tpu.wait_dma2 semaphore(%arg11 : memref<!tpu.dma_semaphore, #tpu.memory_space<semaphore_mem>>) src(%dma_wait3A_329 : memref<200x128xf32, #tpu.memory_space<hbm>>) dst(%arg6 : memref<200x128xf32, #tpu.memory_space<vmem>>)
      %add3A_330 = arith.constant 3000 : i32
      %add3A_331 = arith.addi %mul3A_17, %add3A_330 : i32
      %dma_start3A_332 = arith.constant 0 : i32
      %dma_start3A_333 = tpu.memref_slice %arg5[%add3A_331, %dma_start3A_332] : memref<160000x128xf32, #tpu.memory_space<hbm>> -> memref<200x128xf32, #tpu.memory_space<hbm>>
      %dma_start3A_334 = arith.constant 0 : i32
      %dma_start3A_335 = tpu.memref_slice %arg5[%add3A_331, %dma_start3A_334] : memref<160000x128xf32, #tpu.memory_space<hbm>> -> memref<200x128xf32, #tpu.memory_space<hbm>>
      tpu.enqueue_dma source(%arg6 : memref<200x128xf32, #tpu.memory_space<vmem>>) target(%dma_start3A_335 : memref<200x128xf32, #tpu.memory_space<hbm>>) target_semaphore(%arg16 : memref<!tpu.dma_semaphore, #tpu.memory_space<semaphore_mem>>)
      %dma_wait3A_336 = arith.constant 0 : i32
      %dma_wait3A_337 = tpu.memref_slice %arg5[%add3A_291, %dma_wait3A_336] : memref<160000x128xf32, #tpu.memory_space<hbm>> -> memref<200x128xf32, #tpu.memory_space<hbm>>
      %dma_wait3A_338 = arith.constant 0 : i32
      %dma_wait3A_339 = tpu.memref_slice %arg5[%add3A_291, %dma_wait3A_338] : memref<160000x128xf32, #tpu.memory_space<hbm>> -> memref<200x128xf32, #tpu.memory_space<hbm>>
      tpu.wait_dma2 semaphore(%arg19 : memref<!tpu.dma_semaphore, #tpu.memory_space<semaphore_mem>>) src(%arg9 : memref<200x128xf32, #tpu.memory_space<vmem>>) dst(%dma_wait3A_339 : memref<200x128xf32, #tpu.memory_space<hbm>>)
      %add3A_340 = arith.constant 3600 : i32
      %add3A_341 = arith.addi %mul3A_15, %add3A_340 : i32
      %dma_start3A_342 = arith.constant 0 : i32
      %dma_start3A_343 = tpu.memref_slice %arg2[%add3A_341, %dma_start3A_342] : memref<100000x128xf32, #tpu.memory_space<hbm>> -> memref<200x128xf32, #tpu.memory_space<hbm>>
      %dma_start3A_344 = arith.constant 0 : i32
      %dma_start3A_345 = tpu.memref_slice %arg2[%add3A_341, %dma_start3A_344] : memref<100000x128xf32, #tpu.memory_space<hbm>> -> memref<200x128xf32, #tpu.memory_space<hbm>>
      tpu.enqueue_dma source(%dma_start3A_345 : memref<200x128xf32, #tpu.memory_space<hbm>>) target(%arg9 : memref<200x128xf32, #tpu.memory_space<vmem>>) target_semaphore(%arg14 : memref<!tpu.dma_semaphore, #tpu.memory_space<semaphore_mem>>)
      %dma_wait3A_346 = arith.constant 0 : i32
      %dma_wait3A_347 = tpu.memref_slice %arg2[%add3A_301, %dma_wait3A_346] : memref<100000x128xf32, #tpu.memory_space<hbm>> -> memref<200x128xf32, #tpu.memory_space<hbm>>
      %dma_wait3A_348 = arith.constant 0 : i32
      %dma_wait3A_349 = tpu.memref_slice %arg2[%add3A_301, %dma_wait3A_348] : memref<100000x128xf32, #tpu.memory_space<hbm>> -> memref<200x128xf32, #tpu.memory_space<hbm>>
      tpu.wait_dma2 semaphore(%arg12 : memref<!tpu.dma_semaphore, #tpu.memory_space<semaphore_mem>>) src(%dma_wait3A_349 : memref<200x128xf32, #tpu.memory_space<hbm>>) dst(%arg7 : memref<200x128xf32, #tpu.memory_space<vmem>>)
      %add3A_350 = arith.constant 3200 : i32
      %add3A_351 = arith.addi %mul3A_17, %add3A_350 : i32
      %dma_start3A_352 = arith.constant 0 : i32
      %dma_start3A_353 = tpu.memref_slice %arg5[%add3A_351, %dma_start3A_352] : memref<160000x128xf32, #tpu.memory_space<hbm>> -> memref<200x128xf32, #tpu.memory_space<hbm>>
      %dma_start3A_354 = arith.constant 0 : i32
      %dma_start3A_355 = tpu.memref_slice %arg5[%add3A_351, %dma_start3A_354] : memref<160000x128xf32, #tpu.memory_space<hbm>> -> memref<200x128xf32, #tpu.memory_space<hbm>>
      tpu.enqueue_dma source(%arg7 : memref<200x128xf32, #tpu.memory_space<vmem>>) target(%dma_start3A_355 : memref<200x128xf32, #tpu.memory_space<hbm>>) target_semaphore(%arg17 : memref<!tpu.dma_semaphore, #tpu.memory_space<semaphore_mem>>)
      %dma_wait3A_356 = arith.constant 0 : i32
      %dma_wait3A_357 = tpu.memref_slice %arg5[%add3A_311, %dma_wait3A_356] : memref<160000x128xf32, #tpu.memory_space<hbm>> -> memref<200x128xf32, #tpu.memory_space<hbm>>
      %dma_wait3A_358 = arith.constant 0 : i32
      %dma_wait3A_359 = tpu.memref_slice %arg5[%add3A_311, %dma_wait3A_358] : memref<160000x128xf32, #tpu.memory_space<hbm>> -> memref<200x128xf32, #tpu.memory_space<hbm>>
      tpu.wait_dma2 semaphore(%arg20 : memref<!tpu.dma_semaphore, #tpu.memory_space<semaphore_mem>>) src(%arg10 : memref<200x128xf32, #tpu.memory_space<vmem>>) dst(%dma_wait3A_359 : memref<200x128xf32, #tpu.memory_space<hbm>>)
      %add3A_360 = arith.constant 3800 : i32
      %add3A_361 = arith.addi %mul3A_15, %add3A_360 : i32
      %dma_start3A_362 = arith.constant 0 : i32
      %dma_start3A_363 = tpu.memref_slice %arg2[%add3A_361, %dma_start3A_362] : memref<100000x128xf32, #tpu.memory_space<hbm>> -> memref<200x128xf32, #tpu.memory_space<hbm>>
      %dma_start3A_364 = arith.constant 0 : i32
      %dma_start3A_365 = tpu.memref_slice %arg2[%add3A_361, %dma_start3A_364] : memref<100000x128xf32, #tpu.memory_space<hbm>> -> memref<200x128xf32, #tpu.memory_space<hbm>>
      tpu.enqueue_dma source(%dma_start3A_365 : memref<200x128xf32, #tpu.memory_space<hbm>>) target(%arg10 : memref<200x128xf32, #tpu.memory_space<vmem>>) target_semaphore(%arg15 : memref<!tpu.dma_semaphore, #tpu.memory_space<semaphore_mem>>)
      %dma_wait3A_366 = arith.constant 0 : i32
      %dma_wait3A_367 = tpu.memref_slice %arg2[%add3A_321, %dma_wait3A_366] : memref<100000x128xf32, #tpu.memory_space<hbm>> -> memref<200x128xf32, #tpu.memory_space<hbm>>
      %dma_wait3A_368 = arith.constant 0 : i32
      %dma_wait3A_369 = tpu.memref_slice %arg2[%add3A_321, %dma_wait3A_368] : memref<100000x128xf32, #tpu.memory_space<hbm>> -> memref<200x128xf32, #tpu.memory_space<hbm>>
      tpu.wait_dma2 semaphore(%arg13 : memref<!tpu.dma_semaphore, #tpu.memory_space<semaphore_mem>>) src(%dma_wait3A_369 : memref<200x128xf32, #tpu.memory_space<hbm>>) dst(%arg8 : memref<200x128xf32, #tpu.memory_space<vmem>>)
      %add3A_370 = arith.constant 3400 : i32
      %add3A_371 = arith.addi %mul3A_17, %add3A_370 : i32
      %dma_start3A_372 = arith.constant 0 : i32
      %dma_start3A_373 = tpu.memref_slice %arg5[%add3A_371, %dma_start3A_372] : memref<160000x128xf32, #tpu.memory_space<hbm>> -> memref<200x128xf32, #tpu.memory_space<hbm>>
      %dma_start3A_374 = arith.constant 0 : i32
      %dma_start3A_375 = tpu.memref_slice %arg5[%add3A_371, %dma_start3A_374] : memref<160000x128xf32, #tpu.memory_space<hbm>> -> memref<200x128xf32, #tpu.memory_space<hbm>>
      tpu.enqueue_dma source(%arg8 : memref<200x128xf32, #tpu.memory_space<vmem>>) target(%dma_start3A_375 : memref<200x128xf32, #tpu.memory_space<hbm>>) target_semaphore(%arg18 : memref<!tpu.dma_semaphore, #tpu.memory_space<semaphore_mem>>)
      %dma_wait3A_376 = arith.constant 0 : i32
      %dma_wait3A_377 = tpu.memref_slice %arg5[%add3A_331, %dma_wait3A_376] : memref<160000x128xf32, #tpu.memory_space<hbm>> -> memref<200x128xf32, #tpu.memory_space<hbm>>
      %dma_wait3A_378 = arith.constant 0 : i32
      %dma_wait3A_379 = tpu.memref_slice %arg5[%add3A_331, %dma_wait3A_378] : memref<160000x128xf32, #tpu.memory_space<hbm>> -> memref<200x128xf32, #tpu.memory_space<hbm>>
      tpu.wait_dma2 semaphore(%arg16 : memref<!tpu.dma_semaphore, #tpu.memory_space<semaphore_mem>>) src(%arg6 : memref<200x128xf32, #tpu.memory_space<vmem>>) dst(%dma_wait3A_379 : memref<200x128xf32, #tpu.memory_space<hbm>>)
      %add3A_380 = arith.constant 4000 : i32
      %add3A_381 = arith.addi %mul3A_15, %add3A_380 : i32
      %dma_start3A_382 = arith.constant 0 : i32
      %dma_start3A_383 = tpu.memref_slice %arg2[%add3A_381, %dma_start3A_382] : memref<100000x128xf32, #tpu.memory_space<hbm>> -> memref<200x128xf32, #tpu.memory_space<hbm>>
      %dma_start3A_384 = arith.constant 0 : i32
      %dma_start3A_385 = tpu.memref_slice %arg2[%add3A_381, %dma_start3A_384] : memref<100000x128xf32, #tpu.memory_space<hbm>> -> memref<200x128xf32, #tpu.memory_space<hbm>>
      tpu.enqueue_dma source(%dma_start3A_385 : memref<200x128xf32, #tpu.memory_space<hbm>>) target(%arg6 : memref<200x128xf32, #tpu.memory_space<vmem>>) target_semaphore(%arg11 : memref<!tpu.dma_semaphore, #tpu.memory_space<semaphore_mem>>)
      %dma_wait3A_386 = arith.constant 0 : i32
      %dma_wait3A_387 = tpu.memref_slice %arg2[%add3A_341, %dma_wait3A_386] : memref<100000x128xf32, #tpu.memory_space<hbm>> -> memref<200x128xf32, #tpu.memory_space<hbm>>
      %dma_wait3A_388 = arith.constant 0 : i32
      %dma_wait3A_389 = tpu.memref_slice %arg2[%add3A_341, %dma_wait3A_388] : memref<100000x128xf32, #tpu.memory_space<hbm>> -> memref<200x128xf32, #tpu.memory_space<hbm>>
      tpu.wait_dma2 semaphore(%arg14 : memref<!tpu.dma_semaphore, #tpu.memory_space<semaphore_mem>>) src(%dma_wait3A_389 : memref<200x128xf32, #tpu.memory_space<hbm>>) dst(%arg9 : memref<200x128xf32, #tpu.memory_space<vmem>>)
      %add3A_390 = arith.constant 3600 : i32
      %add3A_391 = arith.addi %mul3A_17, %add3A_390 : i32
      %dma_start3A_392 = arith.constant 0 : i32
      %dma_start3A_393 = tpu.memref_slice %arg5[%add3A_391, %dma_start3A_392] : memref<160000x128xf32, #tpu.memory_space<hbm>> -> memref<200x128xf32, #tpu.memory_space<hbm>>
      %dma_start3A_394 = arith.constant 0 : i32
      %dma_start3A_395 = tpu.memref_slice %arg5[%add3A_391, %dma_start3A_394] : memref<160000x128xf32, #tpu.memory_space<hbm>> -> memref<200x128xf32, #tpu.memory_space<hbm>>
      tpu.enqueue_dma source(%arg9 : memref<200x128xf32, #tpu.memory_space<vmem>>) target(%dma_start3A_395 : memref<200x128xf32, #tpu.memory_space<hbm>>) target_semaphore(%arg19 : memref<!tpu.dma_semaphore, #tpu.memory_space<semaphore_mem>>)
      %dma_wait3A_396 = arith.constant 0 : i32
      %dma_wait3A_397 = tpu.memref_slice %arg5[%add3A_351, %dma_wait3A_396] : memref<160000x128xf32, #tpu.memory_space<hbm>> -> memref<200x128xf32, #tpu.memory_space<hbm>>
      %dma_wait3A_398 = arith.constant 0 : i32
      %dma_wait3A_399 = tpu.memref_slice %arg5[%add3A_351, %dma_wait3A_398] : memref<160000x128xf32, #tpu.memory_space<hbm>> -> memref<200x128xf32, #tpu.memory_space<hbm>>
      tpu.wait_dma2 semaphore(%arg17 : memref<!tpu.dma_semaphore, #tpu.memory_space<semaphore_mem>>) src(%arg7 : memref<200x128xf32, #tpu.memory_space<vmem>>) dst(%dma_wait3A_399 : memref<200x128xf32, #tpu.memory_space<hbm>>)
      %add3A_400 = arith.constant 4200 : i32
      %add3A_401 = arith.addi %mul3A_15, %add3A_400 : i32
      %dma_start3A_402 = arith.constant 0 : i32
      %dma_start3A_403 = tpu.memref_slice %arg2[%add3A_401, %dma_start3A_402] : memref<100000x128xf32, #tpu.memory_space<hbm>> -> memref<200x128xf32, #tpu.memory_space<hbm>>
      %dma_start3A_404 = arith.constant 0 : i32
      %dma_start3A_405 = tpu.memref_slice %arg2[%add3A_401, %dma_start3A_404] : memref<100000x128xf32, #tpu.memory_space<hbm>> -> memref<200x128xf32, #tpu.memory_space<hbm>>
      tpu.enqueue_dma source(%dma_start3A_405 : memref<200x128xf32, #tpu.memory_space<hbm>>) target(%arg7 : memref<200x128xf32, #tpu.memory_space<vmem>>) target_semaphore(%arg12 : memref<!tpu.dma_semaphore, #tpu.memory_space<semaphore_mem>>)
      %dma_wait3A_406 = arith.constant 0 : i32
      %dma_wait3A_407 = tpu.memref_slice %arg2[%add3A_361, %dma_wait3A_406] : memref<100000x128xf32, #tpu.memory_space<hbm>> -> memref<200x128xf32, #tpu.memory_space<hbm>>
      %dma_wait3A_408 = arith.constant 0 : i32
      %dma_wait3A_409 = tpu.memref_slice %arg2[%add3A_361, %dma_wait3A_408] : memref<100000x128xf32, #tpu.memory_space<hbm>> -> memref<200x128xf32, #tpu.memory_space<hbm>>
      tpu.wait_dma2 semaphore(%arg15 : memref<!tpu.dma_semaphore, #tpu.memory_space<semaphore_mem>>) src(%dma_wait3A_409 : memref<200x128xf32, #tpu.memory_space<hbm>>) dst(%arg10 : memref<200x128xf32, #tpu.memory_space<vmem>>)
      %add3A_410 = arith.constant 3800 : i32
      %add3A_411 = arith.addi %mul3A_17, %add3A_410 : i32
      %dma_start3A_412 = arith.constant 0 : i32
      %dma_start3A_413 = tpu.memref_slice %arg5[%add3A_411, %dma_start3A_412] : memref<160000x128xf32, #tpu.memory_space<hbm>> -> memref<200x128xf32, #tpu.memory_space<hbm>>
      %dma_start3A_414 = arith.constant 0 : i32
      %dma_start3A_415 = tpu.memref_slice %arg5[%add3A_411, %dma_start3A_414] : memref<160000x128xf32, #tpu.memory_space<hbm>> -> memref<200x128xf32, #tpu.memory_space<hbm>>
      tpu.enqueue_dma source(%arg10 : memref<200x128xf32, #tpu.memory_space<vmem>>) target(%dma_start3A_415 : memref<200x128xf32, #tpu.memory_space<hbm>>) target_semaphore(%arg20 : memref<!tpu.dma_semaphore, #tpu.memory_space<semaphore_mem>>)
      %dma_wait3A_416 = arith.constant 0 : i32
      %dma_wait3A_417 = tpu.memref_slice %arg5[%add3A_371, %dma_wait3A_416] : memref<160000x128xf32, #tpu.memory_space<hbm>> -> memref<200x128xf32, #tpu.memory_space<hbm>>
      %dma_wait3A_418 = arith.constant 0 : i32
      %dma_wait3A_419 = tpu.memref_slice %arg5[%add3A_371, %dma_wait3A_418] : memref<160000x128xf32, #tpu.memory_space<hbm>> -> memref<200x128xf32, #tpu.memory_space<hbm>>
      tpu.wait_dma2 semaphore(%arg18 : memref<!tpu.dma_semaphore, #tpu.memory_space<semaphore_mem>>) src(%arg8 : memref<200x128xf32, #tpu.memory_space<vmem>>) dst(%dma_wait3A_419 : memref<200x128xf32, #tpu.memory_space<hbm>>)
      %add3A_420 = arith.constant 4400 : i32
      %add3A_421 = arith.addi %mul3A_15, %add3A_420 : i32
      %dma_start3A_422 = arith.constant 0 : i32
      %dma_start3A_423 = tpu.memref_slice %arg2[%add3A_421, %dma_start3A_422] : memref<100000x128xf32, #tpu.memory_space<hbm>> -> memref<200x128xf32, #tpu.memory_space<hbm>>
      %dma_start3A_424 = arith.constant 0 : i32
      %dma_start3A_425 = tpu.memref_slice %arg2[%add3A_421, %dma_start3A_424] : memref<100000x128xf32, #tpu.memory_space<hbm>> -> memref<200x128xf32, #tpu.memory_space<hbm>>
      tpu.enqueue_dma source(%dma_start3A_425 : memref<200x128xf32, #tpu.memory_space<hbm>>) target(%arg8 : memref<200x128xf32, #tpu.memory_space<vmem>>) target_semaphore(%arg13 : memref<!tpu.dma_semaphore, #tpu.memory_space<semaphore_mem>>)
      %dma_wait3A_426 = arith.constant 0 : i32
      %dma_wait3A_427 = tpu.memref_slice %arg2[%add3A_381, %dma_wait3A_426] : memref<100000x128xf32, #tpu.memory_space<hbm>> -> memref<200x128xf32, #tpu.memory_space<hbm>>
      %dma_wait3A_428 = arith.constant 0 : i32
      %dma_wait3A_429 = tpu.memref_slice %arg2[%add3A_381, %dma_wait3A_428] : memref<100000x128xf32, #tpu.memory_space<hbm>> -> memref<200x128xf32, #tpu.memory_space<hbm>>
      tpu.wait_dma2 semaphore(%arg11 : memref<!tpu.dma_semaphore, #tpu.memory_space<semaphore_mem>>) src(%dma_wait3A_429 : memref<200x128xf32, #tpu.memory_space<hbm>>) dst(%arg6 : memref<200x128xf32, #tpu.memory_space<vmem>>)
      %add3A_430 = arith.constant 4000 : i32
      %add3A_431 = arith.addi %mul3A_17, %add3A_430 : i32
      %dma_start3A_432 = arith.constant 0 : i32
      %dma_start3A_433 = tpu.memref_slice %arg5[%add3A_431, %dma_start3A_432] : memref<160000x128xf32, #tpu.memory_space<hbm>> -> memref<200x128xf32, #tpu.memory_space<hbm>>
      %dma_start3A_434 = arith.constant 0 : i32
      %dma_start3A_435 = tpu.memref_slice %arg5[%add3A_431, %dma_start3A_434] : memref<160000x128xf32, #tpu.memory_space<hbm>> -> memref<200x128xf32, #tpu.memory_space<hbm>>
      tpu.enqueue_dma source(%arg6 : memref<200x128xf32, #tpu.memory_space<vmem>>) target(%dma_start3A_435 : memref<200x128xf32, #tpu.memory_space<hbm>>) target_semaphore(%arg16 : memref<!tpu.dma_semaphore, #tpu.memory_space<semaphore_mem>>)
      %dma_wait3A_436 = arith.constant 0 : i32
      %dma_wait3A_437 = tpu.memref_slice %arg5[%add3A_391, %dma_wait3A_436] : memref<160000x128xf32, #tpu.memory_space<hbm>> -> memref<200x128xf32, #tpu.memory_space<hbm>>
      %dma_wait3A_438 = arith.constant 0 : i32
      %dma_wait3A_439 = tpu.memref_slice %arg5[%add3A_391, %dma_wait3A_438] : memref<160000x128xf32, #tpu.memory_space<hbm>> -> memref<200x128xf32, #tpu.memory_space<hbm>>
      tpu.wait_dma2 semaphore(%arg19 : memref<!tpu.dma_semaphore, #tpu.memory_space<semaphore_mem>>) src(%arg9 : memref<200x128xf32, #tpu.memory_space<vmem>>) dst(%dma_wait3A_439 : memref<200x128xf32, #tpu.memory_space<hbm>>)
      %add3A_440 = arith.constant 4600 : i32
      %add3A_441 = arith.addi %mul3A_15, %add3A_440 : i32
      %dma_start3A_442 = arith.constant 0 : i32
      %dma_start3A_443 = tpu.memref_slice %arg2[%add3A_441, %dma_start3A_442] : memref<100000x128xf32, #tpu.memory_space<hbm>> -> memref<200x128xf32, #tpu.memory_space<hbm>>
      %dma_start3A_444 = arith.constant 0 : i32
      %dma_start3A_445 = tpu.memref_slice %arg2[%add3A_441, %dma_start3A_444] : memref<100000x128xf32, #tpu.memory_space<hbm>> -> memref<200x128xf32, #tpu.memory_space<hbm>>
      tpu.enqueue_dma source(%dma_start3A_445 : memref<200x128xf32, #tpu.memory_space<hbm>>) target(%arg9 : memref<200x128xf32, #tpu.memory_space<vmem>>) target_semaphore(%arg14 : memref<!tpu.dma_semaphore, #tpu.memory_space<semaphore_mem>>)
      %dma_wait3A_446 = arith.constant 0 : i32
      %dma_wait3A_447 = tpu.memref_slice %arg2[%add3A_401, %dma_wait3A_446] : memref<100000x128xf32, #tpu.memory_space<hbm>> -> memref<200x128xf32, #tpu.memory_space<hbm>>
      %dma_wait3A_448 = arith.constant 0 : i32
      %dma_wait3A_449 = tpu.memref_slice %arg2[%add3A_401, %dma_wait3A_448] : memref<100000x128xf32, #tpu.memory_space<hbm>> -> memref<200x128xf32, #tpu.memory_space<hbm>>
      tpu.wait_dma2 semaphore(%arg12 : memref<!tpu.dma_semaphore, #tpu.memory_space<semaphore_mem>>) src(%dma_wait3A_449 : memref<200x128xf32, #tpu.memory_space<hbm>>) dst(%arg7 : memref<200x128xf32, #tpu.memory_space<vmem>>)
      %add3A_450 = arith.constant 4200 : i32
      %add3A_451 = arith.addi %mul3A_17, %add3A_450 : i32
      %dma_start3A_452 = arith.constant 0 : i32
      %dma_start3A_453 = tpu.memref_slice %arg5[%add3A_451, %dma_start3A_452] : memref<160000x128xf32, #tpu.memory_space<hbm>> -> memref<200x128xf32, #tpu.memory_space<hbm>>
      %dma_start3A_454 = arith.constant 0 : i32
      %dma_start3A_455 = tpu.memref_slice %arg5[%add3A_451, %dma_start3A_454] : memref<160000x128xf32, #tpu.memory_space<hbm>> -> memref<200x128xf32, #tpu.memory_space<hbm>>
      tpu.enqueue_dma source(%arg7 : memref<200x128xf32, #tpu.memory_space<vmem>>) target(%dma_start3A_455 : memref<200x128xf32, #tpu.memory_space<hbm>>) target_semaphore(%arg17 : memref<!tpu.dma_semaphore, #tpu.memory_space<semaphore_mem>>)
      %dma_wait3A_456 = arith.constant 0 : i32
      %dma_wait3A_457 = tpu.memref_slice %arg5[%add3A_411, %dma_wait3A_456] : memref<160000x128xf32, #tpu.memory_space<hbm>> -> memref<200x128xf32, #tpu.memory_space<hbm>>
      %dma_wait3A_458 = arith.constant 0 : i32
      %dma_wait3A_459 = tpu.memref_slice %arg5[%add3A_411, %dma_wait3A_458] : memref<160000x128xf32, #tpu.memory_space<hbm>> -> memref<200x128xf32, #tpu.memory_space<hbm>>
      tpu.wait_dma2 semaphore(%arg20 : memref<!tpu.dma_semaphore, #tpu.memory_space<semaphore_mem>>) src(%arg10 : memref<200x128xf32, #tpu.memory_space<vmem>>) dst(%dma_wait3A_459 : memref<200x128xf32, #tpu.memory_space<hbm>>)
      %add3A_460 = arith.constant 4800 : i32
      %add3A_461 = arith.addi %mul3A_15, %add3A_460 : i32
      %dma_start3A_462 = arith.constant 0 : i32
      %dma_start3A_463 = tpu.memref_slice %arg2[%add3A_461, %dma_start3A_462] : memref<100000x128xf32, #tpu.memory_space<hbm>> -> memref<200x128xf32, #tpu.memory_space<hbm>>
      %dma_start3A_464 = arith.constant 0 : i32
      %dma_start3A_465 = tpu.memref_slice %arg2[%add3A_461, %dma_start3A_464] : memref<100000x128xf32, #tpu.memory_space<hbm>> -> memref<200x128xf32, #tpu.memory_space<hbm>>
      tpu.enqueue_dma source(%dma_start3A_465 : memref<200x128xf32, #tpu.memory_space<hbm>>) target(%arg10 : memref<200x128xf32, #tpu.memory_space<vmem>>) target_semaphore(%arg15 : memref<!tpu.dma_semaphore, #tpu.memory_space<semaphore_mem>>)
      %dma_wait3A_466 = arith.constant 0 : i32
      %dma_wait3A_467 = tpu.memref_slice %arg2[%add3A_421, %dma_wait3A_466] : memref<100000x128xf32, #tpu.memory_space<hbm>> -> memref<200x128xf32, #tpu.memory_space<hbm>>
      %dma_wait3A_468 = arith.constant 0 : i32
      %dma_wait3A_469 = tpu.memref_slice %arg2[%add3A_421, %dma_wait3A_468] : memref<100000x128xf32, #tpu.memory_space<hbm>> -> memref<200x128xf32, #tpu.memory_space<hbm>>
      tpu.wait_dma2 semaphore(%arg13 : memref<!tpu.dma_semaphore, #tpu.memory_space<semaphore_mem>>) src(%dma_wait3A_469 : memref<200x128xf32, #tpu.memory_space<hbm>>) dst(%arg8 : memref<200x128xf32, #tpu.memory_space<vmem>>)
      %add3A_470 = arith.constant 4400 : i32
      %add3A_471 = arith.addi %mul3A_17, %add3A_470 : i32
      %dma_start3A_472 = arith.constant 0 : i32
      %dma_start3A_473 = tpu.memref_slice %arg5[%add3A_471, %dma_start3A_472] : memref<160000x128xf32, #tpu.memory_space<hbm>> -> memref<200x128xf32, #tpu.memory_space<hbm>>
      %dma_start3A_474 = arith.constant 0 : i32
      %dma_start3A_475 = tpu.memref_slice %arg5[%add3A_471, %dma_start3A_474] : memref<160000x128xf32, #tpu.memory_space<hbm>> -> memref<200x128xf32, #tpu.memory_space<hbm>>
      tpu.enqueue_dma source(%arg8 : memref<200x128xf32, #tpu.memory_space<vmem>>) target(%dma_start3A_475 : memref<200x128xf32, #tpu.memory_space<hbm>>) target_semaphore(%arg18 : memref<!tpu.dma_semaphore, #tpu.memory_space<semaphore_mem>>)
      %dma_wait3A_476 = arith.constant 0 : i32
      %dma_wait3A_477 = tpu.memref_slice %arg2[%add3A_441, %dma_wait3A_476] : memref<100000x128xf32, #tpu.memory_space<hbm>> -> memref<200x128xf32, #tpu.memory_space<hbm>>
      %dma_wait3A_478 = arith.constant 0 : i32
      %dma_wait3A_479 = tpu.memref_slice %arg2[%add3A_441, %dma_wait3A_478] : memref<100000x128xf32, #tpu.memory_space<hbm>> -> memref<200x128xf32, #tpu.memory_space<hbm>>
      tpu.wait_dma2 semaphore(%arg14 : memref<!tpu.dma_semaphore, #tpu.memory_space<semaphore_mem>>) src(%dma_wait3A_479 : memref<200x128xf32, #tpu.memory_space<hbm>>) dst(%arg9 : memref<200x128xf32, #tpu.memory_space<vmem>>)
      %add3A_480 = arith.constant 4600 : i32
      %add3A_481 = arith.addi %mul3A_17, %add3A_480 : i32
      %dma_start3A_482 = arith.constant 0 : i32
      %dma_start3A_483 = tpu.memref_slice %arg5[%add3A_481, %dma_start3A_482] : memref<160000x128xf32, #tpu.memory_space<hbm>> -> memref<200x128xf32, #tpu.memory_space<hbm>>
      %dma_start3A_484 = arith.constant 0 : i32
      %dma_start3A_485 = tpu.memref_slice %arg5[%add3A_481, %dma_start3A_484] : memref<160000x128xf32, #tpu.memory_space<hbm>> -> memref<200x128xf32, #tpu.memory_space<hbm>>
      tpu.enqueue_dma source(%arg9 : memref<200x128xf32, #tpu.memory_space<vmem>>) target(%dma_start3A_485 : memref<200x128xf32, #tpu.memory_space<hbm>>) target_semaphore(%arg19 : memref<!tpu.dma_semaphore, #tpu.memory_space<semaphore_mem>>)
      %dma_wait3A_486 = arith.constant 0 : i32
      %dma_wait3A_487 = tpu.memref_slice %arg2[%add3A_461, %dma_wait3A_486] : memref<100000x128xf32, #tpu.memory_space<hbm>> -> memref<200x128xf32, #tpu.memory_space<hbm>>
      %dma_wait3A_488 = arith.constant 0 : i32
      %dma_wait3A_489 = tpu.memref_slice %arg2[%add3A_461, %dma_wait3A_488] : memref<100000x128xf32, #tpu.memory_space<hbm>> -> memref<200x128xf32, #tpu.memory_space<hbm>>
      tpu.wait_dma2 semaphore(%arg15 : memref<!tpu.dma_semaphore, #tpu.memory_space<semaphore_mem>>) src(%dma_wait3A_489 : memref<200x128xf32, #tpu.memory_space<hbm>>) dst(%arg10 : memref<200x128xf32, #tpu.memory_space<vmem>>)
      %add3A_490 = arith.constant 4800 : i32
      %add3A_491 = arith.addi %mul3A_17, %add3A_490 : i32
      %dma_start3A_492 = arith.constant 0 : i32
      %dma_start3A_493 = tpu.memref_slice %arg5[%add3A_491, %dma_start3A_492] : memref<160000x128xf32, #tpu.memory_space<hbm>> -> memref<200x128xf32, #tpu.memory_space<hbm>>
      %dma_start3A_494 = arith.constant 0 : i32
      %dma_start3A_495 = tpu.memref_slice %arg5[%add3A_491, %dma_start3A_494] : memref<160000x128xf32, #tpu.memory_space<hbm>> -> memref<200x128xf32, #tpu.memory_space<hbm>>
      tpu.enqueue_dma source(%arg10 : memref<200x128xf32, #tpu.memory_space<vmem>>) target(%dma_start3A_495 : memref<200x128xf32, #tpu.memory_space<hbm>>) target_semaphore(%arg20 : memref<!tpu.dma_semaphore, #tpu.memory_space<semaphore_mem>>)
      %dma_wait3A_496 = arith.constant 0 : i32
      %dma_wait3A_497 = tpu.memref_slice %arg5[%add3A_431, %dma_wait3A_496] : memref<160000x128xf32, #tpu.memory_space<hbm>> -> memref<200x128xf32, #tpu.memory_space<hbm>>
      %dma_wait3A_498 = arith.constant 0 : i32
      %dma_wait3A_499 = tpu.memref_slice %arg5[%add3A_431, %dma_wait3A_498] : memref<160000x128xf32, #tpu.memory_space<hbm>> -> memref<200x128xf32, #tpu.memory_space<hbm>>
      tpu.wait_dma2 semaphore(%arg16 : memref<!tpu.dma_semaphore, #tpu.memory_space<semaphore_mem>>) src(%arg6 : memref<200x128xf32, #tpu.memory_space<vmem>>) dst(%dma_wait3A_499 : memref<200x128xf32, #tpu.memory_space<hbm>>)
      %dma_wait3A_500 = arith.constant 0 : i32
      %dma_wait3A_501 = tpu.memref_slice %arg5[%add3A_451, %dma_wait3A_500] : memref<160000x128xf32, #tpu.memory_space<hbm>> -> memref<200x128xf32, #tpu.memory_space<hbm>>
      %dma_wait3A_502 = arith.constant 0 : i32
      %dma_wait3A_503 = tpu.memref_slice %arg5[%add3A_451, %dma_wait3A_502] : memref<160000x128xf32, #tpu.memory_space<hbm>> -> memref<200x128xf32, #tpu.memory_space<hbm>>
      tpu.wait_dma2 semaphore(%arg17 : memref<!tpu.dma_semaphore, #tpu.memory_space<semaphore_mem>>) src(%arg7 : memref<200x128xf32, #tpu.memory_space<vmem>>) dst(%dma_wait3A_503 : memref<200x128xf32, #tpu.memory_space<hbm>>)
      %dma_wait3A_504 = arith.constant 0 : i32
      %dma_wait3A_505 = tpu.memref_slice %arg5[%add3A_471, %dma_wait3A_504] : memref<160000x128xf32, #tpu.memory_space<hbm>> -> memref<200x128xf32, #tpu.memory_space<hbm>>
      %dma_wait3A_506 = arith.constant 0 : i32
      %dma_wait3A_507 = tpu.memref_slice %arg5[%add3A_471, %dma_wait3A_506] : memref<160000x128xf32, #tpu.memory_space<hbm>> -> memref<200x128xf32, #tpu.memory_space<hbm>>
      tpu.wait_dma2 semaphore(%arg18 : memref<!tpu.dma_semaphore, #tpu.memory_space<semaphore_mem>>) src(%arg8 : memref<200x128xf32, #tpu.memory_space<vmem>>) dst(%dma_wait3A_507 : memref<200x128xf32, #tpu.memory_space<hbm>>)
      %dma_wait3A_508 = arith.constant 0 : i32
      %dma_wait3A_509 = tpu.memref_slice %arg5[%add3A_481, %dma_wait3A_508] : memref<160000x128xf32, #tpu.memory_space<hbm>> -> memref<200x128xf32, #tpu.memory_space<hbm>>
      %dma_wait3A_510 = arith.constant 0 : i32
      %dma_wait3A_511 = tpu.memref_slice %arg5[%add3A_481, %dma_wait3A_510] : memref<160000x128xf32, #tpu.memory_space<hbm>> -> memref<200x128xf32, #tpu.memory_space<hbm>>
      tpu.wait_dma2 semaphore(%arg19 : memref<!tpu.dma_semaphore, #tpu.memory_space<semaphore_mem>>) src(%arg9 : memref<200x128xf32, #tpu.memory_space<vmem>>) dst(%dma_wait3A_511 : memref<200x128xf32, #tpu.memory_space<hbm>>)
      %dma_wait3A_512 = arith.constant 0 : i32
      %dma_wait3A_513 = tpu.memref_slice %arg5[%add3A_491, %dma_wait3A_512] : memref<160000x128xf32, #tpu.memory_space<hbm>> -> memref<200x128xf32, #tpu.memory_space<hbm>>
      %dma_wait3A_514 = arith.constant 0 : i32
      %dma_wait3A_515 = tpu.memref_slice %arg5[%add3A_491, %dma_wait3A_514] : memref<160000x128xf32, #tpu.memory_space<hbm>> -> memref<200x128xf32, #tpu.memory_space<hbm>>
      tpu.wait_dma2 semaphore(%arg20 : memref<!tpu.dma_semaphore, #tpu.memory_space<semaphore_mem>>) src(%arg10 : memref<200x128xf32, #tpu.memory_space<vmem>>) dst(%dma_wait3A_515 : memref<200x128xf32, #tpu.memory_space<hbm>>)
    } else {
    }
    %ge3A = arith.constant 20 : i32
    %ge3A_3 = arith.cmpi sge, %add3A, %ge3A : i32
    %lt3A_4 = arith.constant 30 : i32
    %lt3A_5 = arith.cmpi slt, %add3A, %lt3A_4 : i32
    %and3A = arith.andi %ge3A_3, %lt3A_5 : i1
    %convert_element_type3A_6 = arith.extui %and3A : i1 to i32
    %cond3A_7 = arith.constant 0 : i32
    %cond3A_8 = arith.cmpi ne, %convert_element_type3A_6, %cond3A_7 : i32
    scf.if %cond3A_8 {
      %sub3A = arith.constant 20 : i32
      %sub3A_14 = arith.subi %add3A, %sub3A : i32
      %mul3A_15 = arith.constant 5000 : i32
      %mul3A_16 = arith.muli %sub3A_14, %mul3A_15 : i32
      %add3A_17 = arith.constant 100000 : i32
      %add3A_18 = arith.addi %add3A_17, %mul3A_16 : i32
      %add3A_19 = arith.constant 0 : i32
      %add3A_20 = arith.addi %mul3A_16, %add3A_19 : i32
      %dma_start3A = arith.constant 0 : i32
      %dma_start3A_21 = tpu.memref_slice %arg3[%add3A_20, %dma_start3A] : memref<50000x128xf32, #tpu.memory_space<hbm>> -> memref<200x128xf32, #tpu.memory_space<hbm>>
      %dma_start3A_22 = arith.constant 0 : i32
      %dma_start3A_23 = tpu.memref_slice %arg3[%add3A_20, %dma_start3A_22] : memref<50000x128xf32, #tpu.memory_space<hbm>> -> memref<200x128xf32, #tpu.memory_space<hbm>>
      tpu.enqueue_dma source(%dma_start3A_23 : memref<200x128xf32, #tpu.memory_space<hbm>>) target(%arg6 : memref<200x128xf32, #tpu.memory_space<vmem>>) target_semaphore(%arg11 : memref<!tpu.dma_semaphore, #tpu.memory_space<semaphore_mem>>)
      %add3A_24 = arith.constant 200 : i32
      %add3A_25 = arith.addi %mul3A_16, %add3A_24 : i32
      %dma_start3A_26 = arith.constant 0 : i32
      %dma_start3A_27 = tpu.memref_slice %arg3[%add3A_25, %dma_start3A_26] : memref<50000x128xf32, #tpu.memory_space<hbm>> -> memref<200x128xf32, #tpu.memory_space<hbm>>
      %dma_start3A_28 = arith.constant 0 : i32
      %dma_start3A_29 = tpu.memref_slice %arg3[%add3A_25, %dma_start3A_28] : memref<50000x128xf32, #tpu.memory_space<hbm>> -> memref<200x128xf32, #tpu.memory_space<hbm>>
      tpu.enqueue_dma source(%dma_start3A_29 : memref<200x128xf32, #tpu.memory_space<hbm>>) target(%arg7 : memref<200x128xf32, #tpu.memory_space<vmem>>) target_semaphore(%arg12 : memref<!tpu.dma_semaphore, #tpu.memory_space<semaphore_mem>>)
      %add3A_30 = arith.constant 400 : i32
      %add3A_31 = arith.addi %mul3A_16, %add3A_30 : i32
      %dma_start3A_32 = arith.constant 0 : i32
      %dma_start3A_33 = tpu.memref_slice %arg3[%add3A_31, %dma_start3A_32] : memref<50000x128xf32, #tpu.memory_space<hbm>> -> memref<200x128xf32, #tpu.memory_space<hbm>>
      %dma_start3A_34 = arith.constant 0 : i32
      %dma_start3A_35 = tpu.memref_slice %arg3[%add3A_31, %dma_start3A_34] : memref<50000x128xf32, #tpu.memory_space<hbm>> -> memref<200x128xf32, #tpu.memory_space<hbm>>
      tpu.enqueue_dma source(%dma_start3A_35 : memref<200x128xf32, #tpu.memory_space<hbm>>) target(%arg8 : memref<200x128xf32, #tpu.memory_space<vmem>>) target_semaphore(%arg13 : memref<!tpu.dma_semaphore, #tpu.memory_space<semaphore_mem>>)
      %dma_wait3A = arith.constant 0 : i32
      %dma_wait3A_36 = tpu.memref_slice %arg3[%add3A_20, %dma_wait3A] : memref<50000x128xf32, #tpu.memory_space<hbm>> -> memref<200x128xf32, #tpu.memory_space<hbm>>
      %dma_wait3A_37 = arith.constant 0 : i32
      %dma_wait3A_38 = tpu.memref_slice %arg3[%add3A_20, %dma_wait3A_37] : memref<50000x128xf32, #tpu.memory_space<hbm>> -> memref<200x128xf32, #tpu.memory_space<hbm>>
      tpu.wait_dma2 semaphore(%arg11 : memref<!tpu.dma_semaphore, #tpu.memory_space<semaphore_mem>>) src(%dma_wait3A_38 : memref<200x128xf32, #tpu.memory_space<hbm>>) dst(%arg6 : memref<200x128xf32, #tpu.memory_space<vmem>>)
      %add3A_39 = arith.constant 0 : i32
      %add3A_40 = arith.addi %add3A_18, %add3A_39 : i32
      %dma_start3A_41 = arith.constant 0 : i32
      %dma_start3A_42 = tpu.memref_slice %arg5[%add3A_40, %dma_start3A_41] : memref<160000x128xf32, #tpu.memory_space<hbm>> -> memref<200x128xf32, #tpu.memory_space<hbm>>
      %dma_start3A_43 = arith.constant 0 : i32
      %dma_start3A_44 = tpu.memref_slice %arg5[%add3A_40, %dma_start3A_43] : memref<160000x128xf32, #tpu.memory_space<hbm>> -> memref<200x128xf32, #tpu.memory_space<hbm>>
      tpu.enqueue_dma source(%arg6 : memref<200x128xf32, #tpu.memory_space<vmem>>) target(%dma_start3A_44 : memref<200x128xf32, #tpu.memory_space<hbm>>) target_semaphore(%arg16 : memref<!tpu.dma_semaphore, #tpu.memory_space<semaphore_mem>>)
      %add3A_45 = arith.constant 600 : i32
      %add3A_46 = arith.addi %mul3A_16, %add3A_45 : i32
      %dma_start3A_47 = arith.constant 0 : i32
      %dma_start3A_48 = tpu.memref_slice %arg3[%add3A_46, %dma_start3A_47] : memref<50000x128xf32, #tpu.memory_space<hbm>> -> memref<200x128xf32, #tpu.memory_space<hbm>>
      %dma_start3A_49 = arith.constant 0 : i32
      %dma_start3A_50 = tpu.memref_slice %arg3[%add3A_46, %dma_start3A_49] : memref<50000x128xf32, #tpu.memory_space<hbm>> -> memref<200x128xf32, #tpu.memory_space<hbm>>
      tpu.enqueue_dma source(%dma_start3A_50 : memref<200x128xf32, #tpu.memory_space<hbm>>) target(%arg9 : memref<200x128xf32, #tpu.memory_space<vmem>>) target_semaphore(%arg14 : memref<!tpu.dma_semaphore, #tpu.memory_space<semaphore_mem>>)
      %dma_wait3A_51 = arith.constant 0 : i32
      %dma_wait3A_52 = tpu.memref_slice %arg3[%add3A_25, %dma_wait3A_51] : memref<50000x128xf32, #tpu.memory_space<hbm>> -> memref<200x128xf32, #tpu.memory_space<hbm>>
      %dma_wait3A_53 = arith.constant 0 : i32
      %dma_wait3A_54 = tpu.memref_slice %arg3[%add3A_25, %dma_wait3A_53] : memref<50000x128xf32, #tpu.memory_space<hbm>> -> memref<200x128xf32, #tpu.memory_space<hbm>>
      tpu.wait_dma2 semaphore(%arg12 : memref<!tpu.dma_semaphore, #tpu.memory_space<semaphore_mem>>) src(%dma_wait3A_54 : memref<200x128xf32, #tpu.memory_space<hbm>>) dst(%arg7 : memref<200x128xf32, #tpu.memory_space<vmem>>)
      %add3A_55 = arith.constant 200 : i32
      %add3A_56 = arith.addi %add3A_18, %add3A_55 : i32
      %dma_start3A_57 = arith.constant 0 : i32
      %dma_start3A_58 = tpu.memref_slice %arg5[%add3A_56, %dma_start3A_57] : memref<160000x128xf32, #tpu.memory_space<hbm>> -> memref<200x128xf32, #tpu.memory_space<hbm>>
      %dma_start3A_59 = arith.constant 0 : i32
      %dma_start3A_60 = tpu.memref_slice %arg5[%add3A_56, %dma_start3A_59] : memref<160000x128xf32, #tpu.memory_space<hbm>> -> memref<200x128xf32, #tpu.memory_space<hbm>>
      tpu.enqueue_dma source(%arg7 : memref<200x128xf32, #tpu.memory_space<vmem>>) target(%dma_start3A_60 : memref<200x128xf32, #tpu.memory_space<hbm>>) target_semaphore(%arg17 : memref<!tpu.dma_semaphore, #tpu.memory_space<semaphore_mem>>)
      %add3A_61 = arith.constant 800 : i32
      %add3A_62 = arith.addi %mul3A_16, %add3A_61 : i32
      %dma_start3A_63 = arith.constant 0 : i32
      %dma_start3A_64 = tpu.memref_slice %arg3[%add3A_62, %dma_start3A_63] : memref<50000x128xf32, #tpu.memory_space<hbm>> -> memref<200x128xf32, #tpu.memory_space<hbm>>
      %dma_start3A_65 = arith.constant 0 : i32
      %dma_start3A_66 = tpu.memref_slice %arg3[%add3A_62, %dma_start3A_65] : memref<50000x128xf32, #tpu.memory_space<hbm>> -> memref<200x128xf32, #tpu.memory_space<hbm>>
      tpu.enqueue_dma source(%dma_start3A_66 : memref<200x128xf32, #tpu.memory_space<hbm>>) target(%arg10 : memref<200x128xf32, #tpu.memory_space<vmem>>) target_semaphore(%arg15 : memref<!tpu.dma_semaphore, #tpu.memory_space<semaphore_mem>>)
      %dma_wait3A_67 = arith.constant 0 : i32
      %dma_wait3A_68 = tpu.memref_slice %arg3[%add3A_31, %dma_wait3A_67] : memref<50000x128xf32, #tpu.memory_space<hbm>> -> memref<200x128xf32, #tpu.memory_space<hbm>>
      %dma_wait3A_69 = arith.constant 0 : i32
      %dma_wait3A_70 = tpu.memref_slice %arg3[%add3A_31, %dma_wait3A_69] : memref<50000x128xf32, #tpu.memory_space<hbm>> -> memref<200x128xf32, #tpu.memory_space<hbm>>
      tpu.wait_dma2 semaphore(%arg13 : memref<!tpu.dma_semaphore, #tpu.memory_space<semaphore_mem>>) src(%dma_wait3A_70 : memref<200x128xf32, #tpu.memory_space<hbm>>) dst(%arg8 : memref<200x128xf32, #tpu.memory_space<vmem>>)
      %add3A_71 = arith.constant 400 : i32
      %add3A_72 = arith.addi %add3A_18, %add3A_71 : i32
      %dma_start3A_73 = arith.constant 0 : i32
      %dma_start3A_74 = tpu.memref_slice %arg5[%add3A_72, %dma_start3A_73] : memref<160000x128xf32, #tpu.memory_space<hbm>> -> memref<200x128xf32, #tpu.memory_space<hbm>>
      %dma_start3A_75 = arith.constant 0 : i32
      %dma_start3A_76 = tpu.memref_slice %arg5[%add3A_72, %dma_start3A_75] : memref<160000x128xf32, #tpu.memory_space<hbm>> -> memref<200x128xf32, #tpu.memory_space<hbm>>
      tpu.enqueue_dma source(%arg8 : memref<200x128xf32, #tpu.memory_space<vmem>>) target(%dma_start3A_76 : memref<200x128xf32, #tpu.memory_space<hbm>>) target_semaphore(%arg18 : memref<!tpu.dma_semaphore, #tpu.memory_space<semaphore_mem>>)
      %dma_wait3A_77 = arith.constant 0 : i32
      %dma_wait3A_78 = tpu.memref_slice %arg5[%add3A_40, %dma_wait3A_77] : memref<160000x128xf32, #tpu.memory_space<hbm>> -> memref<200x128xf32, #tpu.memory_space<hbm>>
      %dma_wait3A_79 = arith.constant 0 : i32
      %dma_wait3A_80 = tpu.memref_slice %arg5[%add3A_40, %dma_wait3A_79] : memref<160000x128xf32, #tpu.memory_space<hbm>> -> memref<200x128xf32, #tpu.memory_space<hbm>>
      tpu.wait_dma2 semaphore(%arg16 : memref<!tpu.dma_semaphore, #tpu.memory_space<semaphore_mem>>) src(%arg6 : memref<200x128xf32, #tpu.memory_space<vmem>>) dst(%dma_wait3A_80 : memref<200x128xf32, #tpu.memory_space<hbm>>)
      %add3A_81 = arith.constant 1000 : i32
      %add3A_82 = arith.addi %mul3A_16, %add3A_81 : i32
      %dma_start3A_83 = arith.constant 0 : i32
      %dma_start3A_84 = tpu.memref_slice %arg3[%add3A_82, %dma_start3A_83] : memref<50000x128xf32, #tpu.memory_space<hbm>> -> memref<200x128xf32, #tpu.memory_space<hbm>>
      %dma_start3A_85 = arith.constant 0 : i32
      %dma_start3A_86 = tpu.memref_slice %arg3[%add3A_82, %dma_start3A_85] : memref<50000x128xf32, #tpu.memory_space<hbm>> -> memref<200x128xf32, #tpu.memory_space<hbm>>
      tpu.enqueue_dma source(%dma_start3A_86 : memref<200x128xf32, #tpu.memory_space<hbm>>) target(%arg6 : memref<200x128xf32, #tpu.memory_space<vmem>>) target_semaphore(%arg11 : memref<!tpu.dma_semaphore, #tpu.memory_space<semaphore_mem>>)
      %dma_wait3A_87 = arith.constant 0 : i32
      %dma_wait3A_88 = tpu.memref_slice %arg3[%add3A_46, %dma_wait3A_87] : memref<50000x128xf32, #tpu.memory_space<hbm>> -> memref<200x128xf32, #tpu.memory_space<hbm>>
      %dma_wait3A_89 = arith.constant 0 : i32
      %dma_wait3A_90 = tpu.memref_slice %arg3[%add3A_46, %dma_wait3A_89] : memref<50000x128xf32, #tpu.memory_space<hbm>> -> memref<200x128xf32, #tpu.memory_space<hbm>>
      tpu.wait_dma2 semaphore(%arg14 : memref<!tpu.dma_semaphore, #tpu.memory_space<semaphore_mem>>) src(%dma_wait3A_90 : memref<200x128xf32, #tpu.memory_space<hbm>>) dst(%arg9 : memref<200x128xf32, #tpu.memory_space<vmem>>)
      %add3A_91 = arith.constant 600 : i32
      %add3A_92 = arith.addi %add3A_18, %add3A_91 : i32
      %dma_start3A_93 = arith.constant 0 : i32
      %dma_start3A_94 = tpu.memref_slice %arg5[%add3A_92, %dma_start3A_93] : memref<160000x128xf32, #tpu.memory_space<hbm>> -> memref<200x128xf32, #tpu.memory_space<hbm>>
      %dma_start3A_95 = arith.constant 0 : i32
      %dma_start3A_96 = tpu.memref_slice %arg5[%add3A_92, %dma_start3A_95] : memref<160000x128xf32, #tpu.memory_space<hbm>> -> memref<200x128xf32, #tpu.memory_space<hbm>>
      tpu.enqueue_dma source(%arg9 : memref<200x128xf32, #tpu.memory_space<vmem>>) target(%dma_start3A_96 : memref<200x128xf32, #tpu.memory_space<hbm>>) target_semaphore(%arg19 : memref<!tpu.dma_semaphore, #tpu.memory_space<semaphore_mem>>)
      %dma_wait3A_97 = arith.constant 0 : i32
      %dma_wait3A_98 = tpu.memref_slice %arg5[%add3A_56, %dma_wait3A_97] : memref<160000x128xf32, #tpu.memory_space<hbm>> -> memref<200x128xf32, #tpu.memory_space<hbm>>
      %dma_wait3A_99 = arith.constant 0 : i32
      %dma_wait3A_100 = tpu.memref_slice %arg5[%add3A_56, %dma_wait3A_99] : memref<160000x128xf32, #tpu.memory_space<hbm>> -> memref<200x128xf32, #tpu.memory_space<hbm>>
      tpu.wait_dma2 semaphore(%arg17 : memref<!tpu.dma_semaphore, #tpu.memory_space<semaphore_mem>>) src(%arg7 : memref<200x128xf32, #tpu.memory_space<vmem>>) dst(%dma_wait3A_100 : memref<200x128xf32, #tpu.memory_space<hbm>>)
      %add3A_101 = arith.constant 1200 : i32
      %add3A_102 = arith.addi %mul3A_16, %add3A_101 : i32
      %dma_start3A_103 = arith.constant 0 : i32
      %dma_start3A_104 = tpu.memref_slice %arg3[%add3A_102, %dma_start3A_103] : memref<50000x128xf32, #tpu.memory_space<hbm>> -> memref<200x128xf32, #tpu.memory_space<hbm>>
      %dma_start3A_105 = arith.constant 0 : i32
      %dma_start3A_106 = tpu.memref_slice %arg3[%add3A_102, %dma_start3A_105] : memref<50000x128xf32, #tpu.memory_space<hbm>> -> memref<200x128xf32, #tpu.memory_space<hbm>>
      tpu.enqueue_dma source(%dma_start3A_106 : memref<200x128xf32, #tpu.memory_space<hbm>>) target(%arg7 : memref<200x128xf32, #tpu.memory_space<vmem>>) target_semaphore(%arg12 : memref<!tpu.dma_semaphore, #tpu.memory_space<semaphore_mem>>)
      %dma_wait3A_107 = arith.constant 0 : i32
      %dma_wait3A_108 = tpu.memref_slice %arg3[%add3A_62, %dma_wait3A_107] : memref<50000x128xf32, #tpu.memory_space<hbm>> -> memref<200x128xf32, #tpu.memory_space<hbm>>
      %dma_wait3A_109 = arith.constant 0 : i32
      %dma_wait3A_110 = tpu.memref_slice %arg3[%add3A_62, %dma_wait3A_109] : memref<50000x128xf32, #tpu.memory_space<hbm>> -> memref<200x128xf32, #tpu.memory_space<hbm>>
      tpu.wait_dma2 semaphore(%arg15 : memref<!tpu.dma_semaphore, #tpu.memory_space<semaphore_mem>>) src(%dma_wait3A_110 : memref<200x128xf32, #tpu.memory_space<hbm>>) dst(%arg10 : memref<200x128xf32, #tpu.memory_space<vmem>>)
      %add3A_111 = arith.constant 800 : i32
      %add3A_112 = arith.addi %add3A_18, %add3A_111 : i32
      %dma_start3A_113 = arith.constant 0 : i32
      %dma_start3A_114 = tpu.memref_slice %arg5[%add3A_112, %dma_start3A_113] : memref<160000x128xf32, #tpu.memory_space<hbm>> -> memref<200x128xf32, #tpu.memory_space<hbm>>
      %dma_start3A_115 = arith.constant 0 : i32
      %dma_start3A_116 = tpu.memref_slice %arg5[%add3A_112, %dma_start3A_115] : memref<160000x128xf32, #tpu.memory_space<hbm>> -> memref<200x128xf32, #tpu.memory_space<hbm>>
      tpu.enqueue_dma source(%arg10 : memref<200x128xf32, #tpu.memory_space<vmem>>) target(%dma_start3A_116 : memref<200x128xf32, #tpu.memory_space<hbm>>) target_semaphore(%arg20 : memref<!tpu.dma_semaphore, #tpu.memory_space<semaphore_mem>>)
      %dma_wait3A_117 = arith.constant 0 : i32
      %dma_wait3A_118 = tpu.memref_slice %arg5[%add3A_72, %dma_wait3A_117] : memref<160000x128xf32, #tpu.memory_space<hbm>> -> memref<200x128xf32, #tpu.memory_space<hbm>>
      %dma_wait3A_119 = arith.constant 0 : i32
      %dma_wait3A_120 = tpu.memref_slice %arg5[%add3A_72, %dma_wait3A_119] : memref<160000x128xf32, #tpu.memory_space<hbm>> -> memref<200x128xf32, #tpu.memory_space<hbm>>
      tpu.wait_dma2 semaphore(%arg18 : memref<!tpu.dma_semaphore, #tpu.memory_space<semaphore_mem>>) src(%arg8 : memref<200x128xf32, #tpu.memory_space<vmem>>) dst(%dma_wait3A_120 : memref<200x128xf32, #tpu.memory_space<hbm>>)
      %add3A_121 = arith.constant 1400 : i32
      %add3A_122 = arith.addi %mul3A_16, %add3A_121 : i32
      %dma_start3A_123 = arith.constant 0 : i32
      %dma_start3A_124 = tpu.memref_slice %arg3[%add3A_122, %dma_start3A_123] : memref<50000x128xf32, #tpu.memory_space<hbm>> -> memref<200x128xf32, #tpu.memory_space<hbm>>
      %dma_start3A_125 = arith.constant 0 : i32
      %dma_start3A_126 = tpu.memref_slice %arg3[%add3A_122, %dma_start3A_125] : memref<50000x128xf32, #tpu.memory_space<hbm>> -> memref<200x128xf32, #tpu.memory_space<hbm>>
      tpu.enqueue_dma source(%dma_start3A_126 : memref<200x128xf32, #tpu.memory_space<hbm>>) target(%arg8 : memref<200x128xf32, #tpu.memory_space<vmem>>) target_semaphore(%arg13 : memref<!tpu.dma_semaphore, #tpu.memory_space<semaphore_mem>>)
      %dma_wait3A_127 = arith.constant 0 : i32
      %dma_wait3A_128 = tpu.memref_slice %arg3[%add3A_82, %dma_wait3A_127] : memref<50000x128xf32, #tpu.memory_space<hbm>> -> memref<200x128xf32, #tpu.memory_space<hbm>>
      %dma_wait3A_129 = arith.constant 0 : i32
      %dma_wait3A_130 = tpu.memref_slice %arg3[%add3A_82, %dma_wait3A_129] : memref<50000x128xf32, #tpu.memory_space<hbm>> -> memref<200x128xf32, #tpu.memory_space<hbm>>
      tpu.wait_dma2 semaphore(%arg11 : memref<!tpu.dma_semaphore, #tpu.memory_space<semaphore_mem>>) src(%dma_wait3A_130 : memref<200x128xf32, #tpu.memory_space<hbm>>) dst(%arg6 : memref<200x128xf32, #tpu.memory_space<vmem>>)
      %add3A_131 = arith.constant 1000 : i32
      %add3A_132 = arith.addi %add3A_18, %add3A_131 : i32
      %dma_start3A_133 = arith.constant 0 : i32
      %dma_start3A_134 = tpu.memref_slice %arg5[%add3A_132, %dma_start3A_133] : memref<160000x128xf32, #tpu.memory_space<hbm>> -> memref<200x128xf32, #tpu.memory_space<hbm>>
      %dma_start3A_135 = arith.constant 0 : i32
      %dma_start3A_136 = tpu.memref_slice %arg5[%add3A_132, %dma_start3A_135] : memref<160000x128xf32, #tpu.memory_space<hbm>> -> memref<200x128xf32, #tpu.memory_space<hbm>>
      tpu.enqueue_dma source(%arg6 : memref<200x128xf32, #tpu.memory_space<vmem>>) target(%dma_start3A_136 : memref<200x128xf32, #tpu.memory_space<hbm>>) target_semaphore(%arg16 : memref<!tpu.dma_semaphore, #tpu.memory_space<semaphore_mem>>)
      %dma_wait3A_137 = arith.constant 0 : i32
      %dma_wait3A_138 = tpu.memref_slice %arg5[%add3A_92, %dma_wait3A_137] : memref<160000x128xf32, #tpu.memory_space<hbm>> -> memref<200x128xf32, #tpu.memory_space<hbm>>
      %dma_wait3A_139 = arith.constant 0 : i32
      %dma_wait3A_140 = tpu.memref_slice %arg5[%add3A_92, %dma_wait3A_139] : memref<160000x128xf32, #tpu.memory_space<hbm>> -> memref<200x128xf32, #tpu.memory_space<hbm>>
      tpu.wait_dma2 semaphore(%arg19 : memref<!tpu.dma_semaphore, #tpu.memory_space<semaphore_mem>>) src(%arg9 : memref<200x128xf32, #tpu.memory_space<vmem>>) dst(%dma_wait3A_140 : memref<200x128xf32, #tpu.memory_space<hbm>>)
      %add3A_141 = arith.constant 1600 : i32
      %add3A_142 = arith.addi %mul3A_16, %add3A_141 : i32
      %dma_start3A_143 = arith.constant 0 : i32
      %dma_start3A_144 = tpu.memref_slice %arg3[%add3A_142, %dma_start3A_143] : memref<50000x128xf32, #tpu.memory_space<hbm>> -> memref<200x128xf32, #tpu.memory_space<hbm>>
      %dma_start3A_145 = arith.constant 0 : i32
      %dma_start3A_146 = tpu.memref_slice %arg3[%add3A_142, %dma_start3A_145] : memref<50000x128xf32, #tpu.memory_space<hbm>> -> memref<200x128xf32, #tpu.memory_space<hbm>>
      tpu.enqueue_dma source(%dma_start3A_146 : memref<200x128xf32, #tpu.memory_space<hbm>>) target(%arg9 : memref<200x128xf32, #tpu.memory_space<vmem>>) target_semaphore(%arg14 : memref<!tpu.dma_semaphore, #tpu.memory_space<semaphore_mem>>)
      %dma_wait3A_147 = arith.constant 0 : i32
      %dma_wait3A_148 = tpu.memref_slice %arg3[%add3A_102, %dma_wait3A_147] : memref<50000x128xf32, #tpu.memory_space<hbm>> -> memref<200x128xf32, #tpu.memory_space<hbm>>
      %dma_wait3A_149 = arith.constant 0 : i32
      %dma_wait3A_150 = tpu.memref_slice %arg3[%add3A_102, %dma_wait3A_149] : memref<50000x128xf32, #tpu.memory_space<hbm>> -> memref<200x128xf32, #tpu.memory_space<hbm>>
      tpu.wait_dma2 semaphore(%arg12 : memref<!tpu.dma_semaphore, #tpu.memory_space<semaphore_mem>>) src(%dma_wait3A_150 : memref<200x128xf32, #tpu.memory_space<hbm>>) dst(%arg7 : memref<200x128xf32, #tpu.memory_space<vmem>>)
      %add3A_151 = arith.constant 1200 : i32
      %add3A_152 = arith.addi %add3A_18, %add3A_151 : i32
      %dma_start3A_153 = arith.constant 0 : i32
      %dma_start3A_154 = tpu.memref_slice %arg5[%add3A_152, %dma_start3A_153] : memref<160000x128xf32, #tpu.memory_space<hbm>> -> memref<200x128xf32, #tpu.memory_space<hbm>>
      %dma_start3A_155 = arith.constant 0 : i32
      %dma_start3A_156 = tpu.memref_slice %arg5[%add3A_152, %dma_start3A_155] : memref<160000x128xf32, #tpu.memory_space<hbm>> -> memref<200x128xf32, #tpu.memory_space<hbm>>
      tpu.enqueue_dma source(%arg7 : memref<200x128xf32, #tpu.memory_space<vmem>>) target(%dma_start3A_156 : memref<200x128xf32, #tpu.memory_space<hbm>>) target_semaphore(%arg17 : memref<!tpu.dma_semaphore, #tpu.memory_space<semaphore_mem>>)
      %dma_wait3A_157 = arith.constant 0 : i32
      %dma_wait3A_158 = tpu.memref_slice %arg5[%add3A_112, %dma_wait3A_157] : memref<160000x128xf32, #tpu.memory_space<hbm>> -> memref<200x128xf32, #tpu.memory_space<hbm>>
      %dma_wait3A_159 = arith.constant 0 : i32
      %dma_wait3A_160 = tpu.memref_slice %arg5[%add3A_112, %dma_wait3A_159] : memref<160000x128xf32, #tpu.memory_space<hbm>> -> memref<200x128xf32, #tpu.memory_space<hbm>>
      tpu.wait_dma2 semaphore(%arg20 : memref<!tpu.dma_semaphore, #tpu.memory_space<semaphore_mem>>) src(%arg10 : memref<200x128xf32, #tpu.memory_space<vmem>>) dst(%dma_wait3A_160 : memref<200x128xf32, #tpu.memory_space<hbm>>)
      %add3A_161 = arith.constant 1800 : i32
      %add3A_162 = arith.addi %mul3A_16, %add3A_161 : i32
      %dma_start3A_163 = arith.constant 0 : i32
      %dma_start3A_164 = tpu.memref_slice %arg3[%add3A_162, %dma_start3A_163] : memref<50000x128xf32, #tpu.memory_space<hbm>> -> memref<200x128xf32, #tpu.memory_space<hbm>>
      %dma_start3A_165 = arith.constant 0 : i32
      %dma_start3A_166 = tpu.memref_slice %arg3[%add3A_162, %dma_start3A_165] : memref<50000x128xf32, #tpu.memory_space<hbm>> -> memref<200x128xf32, #tpu.memory_space<hbm>>
      tpu.enqueue_dma source(%dma_start3A_166 : memref<200x128xf32, #tpu.memory_space<hbm>>) target(%arg10 : memref<200x128xf32, #tpu.memory_space<vmem>>) target_semaphore(%arg15 : memref<!tpu.dma_semaphore, #tpu.memory_space<semaphore_mem>>)
      %dma_wait3A_167 = arith.constant 0 : i32
      %dma_wait3A_168 = tpu.memref_slice %arg3[%add3A_122, %dma_wait3A_167] : memref<50000x128xf32, #tpu.memory_space<hbm>> -> memref<200x128xf32, #tpu.memory_space<hbm>>
      %dma_wait3A_169 = arith.constant 0 : i32
      %dma_wait3A_170 = tpu.memref_slice %arg3[%add3A_122, %dma_wait3A_169] : memref<50000x128xf32, #tpu.memory_space<hbm>> -> memref<200x128xf32, #tpu.memory_space<hbm>>
      tpu.wait_dma2 semaphore(%arg13 : memref<!tpu.dma_semaphore, #tpu.memory_space<semaphore_mem>>) src(%dma_wait3A_170 : memref<200x128xf32, #tpu.memory_space<hbm>>) dst(%arg8 : memref<200x128xf32, #tpu.memory_space<vmem>>)
      %add3A_171 = arith.constant 1400 : i32
      %add3A_172 = arith.addi %add3A_18, %add3A_171 : i32
      %dma_start3A_173 = arith.constant 0 : i32
      %dma_start3A_174 = tpu.memref_slice %arg5[%add3A_172, %dma_start3A_173] : memref<160000x128xf32, #tpu.memory_space<hbm>> -> memref<200x128xf32, #tpu.memory_space<hbm>>
      %dma_start3A_175 = arith.constant 0 : i32
      %dma_start3A_176 = tpu.memref_slice %arg5[%add3A_172, %dma_start3A_175] : memref<160000x128xf32, #tpu.memory_space<hbm>> -> memref<200x128xf32, #tpu.memory_space<hbm>>
      tpu.enqueue_dma source(%arg8 : memref<200x128xf32, #tpu.memory_space<vmem>>) target(%dma_start3A_176 : memref<200x128xf32, #tpu.memory_space<hbm>>) target_semaphore(%arg18 : memref<!tpu.dma_semaphore, #tpu.memory_space<semaphore_mem>>)
      %dma_wait3A_177 = arith.constant 0 : i32
      %dma_wait3A_178 = tpu.memref_slice %arg5[%add3A_132, %dma_wait3A_177] : memref<160000x128xf32, #tpu.memory_space<hbm>> -> memref<200x128xf32, #tpu.memory_space<hbm>>
      %dma_wait3A_179 = arith.constant 0 : i32
      %dma_wait3A_180 = tpu.memref_slice %arg5[%add3A_132, %dma_wait3A_179] : memref<160000x128xf32, #tpu.memory_space<hbm>> -> memref<200x128xf32, #tpu.memory_space<hbm>>
      tpu.wait_dma2 semaphore(%arg16 : memref<!tpu.dma_semaphore, #tpu.memory_space<semaphore_mem>>) src(%arg6 : memref<200x128xf32, #tpu.memory_space<vmem>>) dst(%dma_wait3A_180 : memref<200x128xf32, #tpu.memory_space<hbm>>)
      %add3A_181 = arith.constant 2000 : i32
      %add3A_182 = arith.addi %mul3A_16, %add3A_181 : i32
      %dma_start3A_183 = arith.constant 0 : i32
      %dma_start3A_184 = tpu.memref_slice %arg3[%add3A_182, %dma_start3A_183] : memref<50000x128xf32, #tpu.memory_space<hbm>> -> memref<200x128xf32, #tpu.memory_space<hbm>>
      %dma_start3A_185 = arith.constant 0 : i32
      %dma_start3A_186 = tpu.memref_slice %arg3[%add3A_182, %dma_start3A_185] : memref<50000x128xf32, #tpu.memory_space<hbm>> -> memref<200x128xf32, #tpu.memory_space<hbm>>
      tpu.enqueue_dma source(%dma_start3A_186 : memref<200x128xf32, #tpu.memory_space<hbm>>) target(%arg6 : memref<200x128xf32, #tpu.memory_space<vmem>>) target_semaphore(%arg11 : memref<!tpu.dma_semaphore, #tpu.memory_space<semaphore_mem>>)
      %dma_wait3A_187 = arith.constant 0 : i32
      %dma_wait3A_188 = tpu.memref_slice %arg3[%add3A_142, %dma_wait3A_187] : memref<50000x128xf32, #tpu.memory_space<hbm>> -> memref<200x128xf32, #tpu.memory_space<hbm>>
      %dma_wait3A_189 = arith.constant 0 : i32
      %dma_wait3A_190 = tpu.memref_slice %arg3[%add3A_142, %dma_wait3A_189] : memref<50000x128xf32, #tpu.memory_space<hbm>> -> memref<200x128xf32, #tpu.memory_space<hbm>>
      tpu.wait_dma2 semaphore(%arg14 : memref<!tpu.dma_semaphore, #tpu.memory_space<semaphore_mem>>) src(%dma_wait3A_190 : memref<200x128xf32, #tpu.memory_space<hbm>>) dst(%arg9 : memref<200x128xf32, #tpu.memory_space<vmem>>)
      %add3A_191 = arith.constant 1600 : i32
      %add3A_192 = arith.addi %add3A_18, %add3A_191 : i32
      %dma_start3A_193 = arith.constant 0 : i32
      %dma_start3A_194 = tpu.memref_slice %arg5[%add3A_192, %dma_start3A_193] : memref<160000x128xf32, #tpu.memory_space<hbm>> -> memref<200x128xf32, #tpu.memory_space<hbm>>
      %dma_start3A_195 = arith.constant 0 : i32
      %dma_start3A_196 = tpu.memref_slice %arg5[%add3A_192, %dma_start3A_195] : memref<160000x128xf32, #tpu.memory_space<hbm>> -> memref<200x128xf32, #tpu.memory_space<hbm>>
      tpu.enqueue_dma source(%arg9 : memref<200x128xf32, #tpu.memory_space<vmem>>) target(%dma_start3A_196 : memref<200x128xf32, #tpu.memory_space<hbm>>) target_semaphore(%arg19 : memref<!tpu.dma_semaphore, #tpu.memory_space<semaphore_mem>>)
      %dma_wait3A_197 = arith.constant 0 : i32
      %dma_wait3A_198 = tpu.memref_slice %arg5[%add3A_152, %dma_wait3A_197] : memref<160000x128xf32, #tpu.memory_space<hbm>> -> memref<200x128xf32, #tpu.memory_space<hbm>>
      %dma_wait3A_199 = arith.constant 0 : i32
      %dma_wait3A_200 = tpu.memref_slice %arg5[%add3A_152, %dma_wait3A_199] : memref<160000x128xf32, #tpu.memory_space<hbm>> -> memref<200x128xf32, #tpu.memory_space<hbm>>
      tpu.wait_dma2 semaphore(%arg17 : memref<!tpu.dma_semaphore, #tpu.memory_space<semaphore_mem>>) src(%arg7 : memref<200x128xf32, #tpu.memory_space<vmem>>) dst(%dma_wait3A_200 : memref<200x128xf32, #tpu.memory_space<hbm>>)
      %add3A_201 = arith.constant 2200 : i32
      %add3A_202 = arith.addi %mul3A_16, %add3A_201 : i32
      %dma_start3A_203 = arith.constant 0 : i32
      %dma_start3A_204 = tpu.memref_slice %arg3[%add3A_202, %dma_start3A_203] : memref<50000x128xf32, #tpu.memory_space<hbm>> -> memref<200x128xf32, #tpu.memory_space<hbm>>
      %dma_start3A_205 = arith.constant 0 : i32
      %dma_start3A_206 = tpu.memref_slice %arg3[%add3A_202, %dma_start3A_205] : memref<50000x128xf32, #tpu.memory_space<hbm>> -> memref<200x128xf32, #tpu.memory_space<hbm>>
      tpu.enqueue_dma source(%dma_start3A_206 : memref<200x128xf32, #tpu.memory_space<hbm>>) target(%arg7 : memref<200x128xf32, #tpu.memory_space<vmem>>) target_semaphore(%arg12 : memref<!tpu.dma_semaphore, #tpu.memory_space<semaphore_mem>>)
      %dma_wait3A_207 = arith.constant 0 : i32
      %dma_wait3A_208 = tpu.memref_slice %arg3[%add3A_162, %dma_wait3A_207] : memref<50000x128xf32, #tpu.memory_space<hbm>> -> memref<200x128xf32, #tpu.memory_space<hbm>>
      %dma_wait3A_209 = arith.constant 0 : i32
      %dma_wait3A_210 = tpu.memref_slice %arg3[%add3A_162, %dma_wait3A_209] : memref<50000x128xf32, #tpu.memory_space<hbm>> -> memref<200x128xf32, #tpu.memory_space<hbm>>
      tpu.wait_dma2 semaphore(%arg15 : memref<!tpu.dma_semaphore, #tpu.memory_space<semaphore_mem>>) src(%dma_wait3A_210 : memref<200x128xf32, #tpu.memory_space<hbm>>) dst(%arg10 : memref<200x128xf32, #tpu.memory_space<vmem>>)
      %add3A_211 = arith.constant 1800 : i32
      %add3A_212 = arith.addi %add3A_18, %add3A_211 : i32
      %dma_start3A_213 = arith.constant 0 : i32
      %dma_start3A_214 = tpu.memref_slice %arg5[%add3A_212, %dma_start3A_213] : memref<160000x128xf32, #tpu.memory_space<hbm>> -> memref<200x128xf32, #tpu.memory_space<hbm>>
      %dma_start3A_215 = arith.constant 0 : i32
      %dma_start3A_216 = tpu.memref_slice %arg5[%add3A_212, %dma_start3A_215] : memref<160000x128xf32, #tpu.memory_space<hbm>> -> memref<200x128xf32, #tpu.memory_space<hbm>>
      tpu.enqueue_dma source(%arg10 : memref<200x128xf32, #tpu.memory_space<vmem>>) target(%dma_start3A_216 : memref<200x128xf32, #tpu.memory_space<hbm>>) target_semaphore(%arg20 : memref<!tpu.dma_semaphore, #tpu.memory_space<semaphore_mem>>)
      %dma_wait3A_217 = arith.constant 0 : i32
      %dma_wait3A_218 = tpu.memref_slice %arg5[%add3A_172, %dma_wait3A_217] : memref<160000x128xf32, #tpu.memory_space<hbm>> -> memref<200x128xf32, #tpu.memory_space<hbm>>
      %dma_wait3A_219 = arith.constant 0 : i32
      %dma_wait3A_220 = tpu.memref_slice %arg5[%add3A_172, %dma_wait3A_219] : memref<160000x128xf32, #tpu.memory_space<hbm>> -> memref<200x128xf32, #tpu.memory_space<hbm>>
      tpu.wait_dma2 semaphore(%arg18 : memref<!tpu.dma_semaphore, #tpu.memory_space<semaphore_mem>>) src(%arg8 : memref<200x128xf32, #tpu.memory_space<vmem>>) dst(%dma_wait3A_220 : memref<200x128xf32, #tpu.memory_space<hbm>>)
      %add3A_221 = arith.constant 2400 : i32
      %add3A_222 = arith.addi %mul3A_16, %add3A_221 : i32
      %dma_start3A_223 = arith.constant 0 : i32
      %dma_start3A_224 = tpu.memref_slice %arg3[%add3A_222, %dma_start3A_223] : memref<50000x128xf32, #tpu.memory_space<hbm>> -> memref<200x128xf32, #tpu.memory_space<hbm>>
      %dma_start3A_225 = arith.constant 0 : i32
      %dma_start3A_226 = tpu.memref_slice %arg3[%add3A_222, %dma_start3A_225] : memref<50000x128xf32, #tpu.memory_space<hbm>> -> memref<200x128xf32, #tpu.memory_space<hbm>>
      tpu.enqueue_dma source(%dma_start3A_226 : memref<200x128xf32, #tpu.memory_space<hbm>>) target(%arg8 : memref<200x128xf32, #tpu.memory_space<vmem>>) target_semaphore(%arg13 : memref<!tpu.dma_semaphore, #tpu.memory_space<semaphore_mem>>)
      %dma_wait3A_227 = arith.constant 0 : i32
      %dma_wait3A_228 = tpu.memref_slice %arg3[%add3A_182, %dma_wait3A_227] : memref<50000x128xf32, #tpu.memory_space<hbm>> -> memref<200x128xf32, #tpu.memory_space<hbm>>
      %dma_wait3A_229 = arith.constant 0 : i32
      %dma_wait3A_230 = tpu.memref_slice %arg3[%add3A_182, %dma_wait3A_229] : memref<50000x128xf32, #tpu.memory_space<hbm>> -> memref<200x128xf32, #tpu.memory_space<hbm>>
      tpu.wait_dma2 semaphore(%arg11 : memref<!tpu.dma_semaphore, #tpu.memory_space<semaphore_mem>>) src(%dma_wait3A_230 : memref<200x128xf32, #tpu.memory_space<hbm>>) dst(%arg6 : memref<200x128xf32, #tpu.memory_space<vmem>>)
      %add3A_231 = arith.constant 2000 : i32
      %add3A_232 = arith.addi %add3A_18, %add3A_231 : i32
      %dma_start3A_233 = arith.constant 0 : i32
      %dma_start3A_234 = tpu.memref_slice %arg5[%add3A_232, %dma_start3A_233] : memref<160000x128xf32, #tpu.memory_space<hbm>> -> memref<200x128xf32, #tpu.memory_space<hbm>>
      %dma_start3A_235 = arith.constant 0 : i32
      %dma_start3A_236 = tpu.memref_slice %arg5[%add3A_232, %dma_start3A_235] : memref<160000x128xf32, #tpu.memory_space<hbm>> -> memref<200x128xf32, #tpu.memory_space<hbm>>
      tpu.enqueue_dma source(%arg6 : memref<200x128xf32, #tpu.memory_space<vmem>>) target(%dma_start3A_236 : memref<200x128xf32, #tpu.memory_space<hbm>>) target_semaphore(%arg16 : memref<!tpu.dma_semaphore, #tpu.memory_space<semaphore_mem>>)
      %dma_wait3A_237 = arith.constant 0 : i32
      %dma_wait3A_238 = tpu.memref_slice %arg5[%add3A_192, %dma_wait3A_237] : memref<160000x128xf32, #tpu.memory_space<hbm>> -> memref<200x128xf32, #tpu.memory_space<hbm>>
      %dma_wait3A_239 = arith.constant 0 : i32
      %dma_wait3A_240 = tpu.memref_slice %arg5[%add3A_192, %dma_wait3A_239] : memref<160000x128xf32, #tpu.memory_space<hbm>> -> memref<200x128xf32, #tpu.memory_space<hbm>>
      tpu.wait_dma2 semaphore(%arg19 : memref<!tpu.dma_semaphore, #tpu.memory_space<semaphore_mem>>) src(%arg9 : memref<200x128xf32, #tpu.memory_space<vmem>>) dst(%dma_wait3A_240 : memref<200x128xf32, #tpu.memory_space<hbm>>)
      %add3A_241 = arith.constant 2600 : i32
      %add3A_242 = arith.addi %mul3A_16, %add3A_241 : i32
      %dma_start3A_243 = arith.constant 0 : i32
      %dma_start3A_244 = tpu.memref_slice %arg3[%add3A_242, %dma_start3A_243] : memref<50000x128xf32, #tpu.memory_space<hbm>> -> memref<200x128xf32, #tpu.memory_space<hbm>>
      %dma_start3A_245 = arith.constant 0 : i32
      %dma_start3A_246 = tpu.memref_slice %arg3[%add3A_242, %dma_start3A_245] : memref<50000x128xf32, #tpu.memory_space<hbm>> -> memref<200x128xf32, #tpu.memory_space<hbm>>
      tpu.enqueue_dma source(%dma_start3A_246 : memref<200x128xf32, #tpu.memory_space<hbm>>) target(%arg9 : memref<200x128xf32, #tpu.memory_space<vmem>>) target_semaphore(%arg14 : memref<!tpu.dma_semaphore, #tpu.memory_space<semaphore_mem>>)
      %dma_wait3A_247 = arith.constant 0 : i32
      %dma_wait3A_248 = tpu.memref_slice %arg3[%add3A_202, %dma_wait3A_247] : memref<50000x128xf32, #tpu.memory_space<hbm>> -> memref<200x128xf32, #tpu.memory_space<hbm>>
      %dma_wait3A_249 = arith.constant 0 : i32
      %dma_wait3A_250 = tpu.memref_slice %arg3[%add3A_202, %dma_wait3A_249] : memref<50000x128xf32, #tpu.memory_space<hbm>> -> memref<200x128xf32, #tpu.memory_space<hbm>>
      tpu.wait_dma2 semaphore(%arg12 : memref<!tpu.dma_semaphore, #tpu.memory_space<semaphore_mem>>) src(%dma_wait3A_250 : memref<200x128xf32, #tpu.memory_space<hbm>>) dst(%arg7 : memref<200x128xf32, #tpu.memory_space<vmem>>)
      %add3A_251 = arith.constant 2200 : i32
      %add3A_252 = arith.addi %add3A_18, %add3A_251 : i32
      %dma_start3A_253 = arith.constant 0 : i32
      %dma_start3A_254 = tpu.memref_slice %arg5[%add3A_252, %dma_start3A_253] : memref<160000x128xf32, #tpu.memory_space<hbm>> -> memref<200x128xf32, #tpu.memory_space<hbm>>
      %dma_start3A_255 = arith.constant 0 : i32
      %dma_start3A_256 = tpu.memref_slice %arg5[%add3A_252, %dma_start3A_255] : memref<160000x128xf32, #tpu.memory_space<hbm>> -> memref<200x128xf32, #tpu.memory_space<hbm>>
      tpu.enqueue_dma source(%arg7 : memref<200x128xf32, #tpu.memory_space<vmem>>) target(%dma_start3A_256 : memref<200x128xf32, #tpu.memory_space<hbm>>) target_semaphore(%arg17 : memref<!tpu.dma_semaphore, #tpu.memory_space<semaphore_mem>>)
      %dma_wait3A_257 = arith.constant 0 : i32
      %dma_wait3A_258 = tpu.memref_slice %arg5[%add3A_212, %dma_wait3A_257] : memref<160000x128xf32, #tpu.memory_space<hbm>> -> memref<200x128xf32, #tpu.memory_space<hbm>>
      %dma_wait3A_259 = arith.constant 0 : i32
      %dma_wait3A_260 = tpu.memref_slice %arg5[%add3A_212, %dma_wait3A_259] : memref<160000x128xf32, #tpu.memory_space<hbm>> -> memref<200x128xf32, #tpu.memory_space<hbm>>
      tpu.wait_dma2 semaphore(%arg20 : memref<!tpu.dma_semaphore, #tpu.memory_space<semaphore_mem>>) src(%arg10 : memref<200x128xf32, #tpu.memory_space<vmem>>) dst(%dma_wait3A_260 : memref<200x128xf32, #tpu.memory_space<hbm>>)
      %add3A_261 = arith.constant 2800 : i32
      %add3A_262 = arith.addi %mul3A_16, %add3A_261 : i32
      %dma_start3A_263 = arith.constant 0 : i32
      %dma_start3A_264 = tpu.memref_slice %arg3[%add3A_262, %dma_start3A_263] : memref<50000x128xf32, #tpu.memory_space<hbm>> -> memref<200x128xf32, #tpu.memory_space<hbm>>
      %dma_start3A_265 = arith.constant 0 : i32
      %dma_start3A_266 = tpu.memref_slice %arg3[%add3A_262, %dma_start3A_265] : memref<50000x128xf32, #tpu.memory_space<hbm>> -> memref<200x128xf32, #tpu.memory_space<hbm>>
      tpu.enqueue_dma source(%dma_start3A_266 : memref<200x128xf32, #tpu.memory_space<hbm>>) target(%arg10 : memref<200x128xf32, #tpu.memory_space<vmem>>) target_semaphore(%arg15 : memref<!tpu.dma_semaphore, #tpu.memory_space<semaphore_mem>>)
      %dma_wait3A_267 = arith.constant 0 : i32
      %dma_wait3A_268 = tpu.memref_slice %arg3[%add3A_222, %dma_wait3A_267] : memref<50000x128xf32, #tpu.memory_space<hbm>> -> memref<200x128xf32, #tpu.memory_space<hbm>>
      %dma_wait3A_269 = arith.constant 0 : i32
      %dma_wait3A_270 = tpu.memref_slice %arg3[%add3A_222, %dma_wait3A_269] : memref<50000x128xf32, #tpu.memory_space<hbm>> -> memref<200x128xf32, #tpu.memory_space<hbm>>
      tpu.wait_dma2 semaphore(%arg13 : memref<!tpu.dma_semaphore, #tpu.memory_space<semaphore_mem>>) src(%dma_wait3A_270 : memref<200x128xf32, #tpu.memory_space<hbm>>) dst(%arg8 : memref<200x128xf32, #tpu.memory_space<vmem>>)
      %add3A_271 = arith.constant 2400 : i32
      %add3A_272 = arith.addi %add3A_18, %add3A_271 : i32
      %dma_start3A_273 = arith.constant 0 : i32
      %dma_start3A_274 = tpu.memref_slice %arg5[%add3A_272, %dma_start3A_273] : memref<160000x128xf32, #tpu.memory_space<hbm>> -> memref<200x128xf32, #tpu.memory_space<hbm>>
      %dma_start3A_275 = arith.constant 0 : i32
      %dma_start3A_276 = tpu.memref_slice %arg5[%add3A_272, %dma_start3A_275] : memref<160000x128xf32, #tpu.memory_space<hbm>> -> memref<200x128xf32, #tpu.memory_space<hbm>>
      tpu.enqueue_dma source(%arg8 : memref<200x128xf32, #tpu.memory_space<vmem>>) target(%dma_start3A_276 : memref<200x128xf32, #tpu.memory_space<hbm>>) target_semaphore(%arg18 : memref<!tpu.dma_semaphore, #tpu.memory_space<semaphore_mem>>)
      %dma_wait3A_277 = arith.constant 0 : i32
      %dma_wait3A_278 = tpu.memref_slice %arg5[%add3A_232, %dma_wait3A_277] : memref<160000x128xf32, #tpu.memory_space<hbm>> -> memref<200x128xf32, #tpu.memory_space<hbm>>
      %dma_wait3A_279 = arith.constant 0 : i32
      %dma_wait3A_280 = tpu.memref_slice %arg5[%add3A_232, %dma_wait3A_279] : memref<160000x128xf32, #tpu.memory_space<hbm>> -> memref<200x128xf32, #tpu.memory_space<hbm>>
      tpu.wait_dma2 semaphore(%arg16 : memref<!tpu.dma_semaphore, #tpu.memory_space<semaphore_mem>>) src(%arg6 : memref<200x128xf32, #tpu.memory_space<vmem>>) dst(%dma_wait3A_280 : memref<200x128xf32, #tpu.memory_space<hbm>>)
      %add3A_281 = arith.constant 3000 : i32
      %add3A_282 = arith.addi %mul3A_16, %add3A_281 : i32
      %dma_start3A_283 = arith.constant 0 : i32
      %dma_start3A_284 = tpu.memref_slice %arg3[%add3A_282, %dma_start3A_283] : memref<50000x128xf32, #tpu.memory_space<hbm>> -> memref<200x128xf32, #tpu.memory_space<hbm>>
      %dma_start3A_285 = arith.constant 0 : i32
      %dma_start3A_286 = tpu.memref_slice %arg3[%add3A_282, %dma_start3A_285] : memref<50000x128xf32, #tpu.memory_space<hbm>> -> memref<200x128xf32, #tpu.memory_space<hbm>>
      tpu.enqueue_dma source(%dma_start3A_286 : memref<200x128xf32, #tpu.memory_space<hbm>>) target(%arg6 : memref<200x128xf32, #tpu.memory_space<vmem>>) target_semaphore(%arg11 : memref<!tpu.dma_semaphore, #tpu.memory_space<semaphore_mem>>)
      %dma_wait3A_287 = arith.constant 0 : i32
      %dma_wait3A_288 = tpu.memref_slice %arg3[%add3A_242, %dma_wait3A_287] : memref<50000x128xf32, #tpu.memory_space<hbm>> -> memref<200x128xf32, #tpu.memory_space<hbm>>
      %dma_wait3A_289 = arith.constant 0 : i32
      %dma_wait3A_290 = tpu.memref_slice %arg3[%add3A_242, %dma_wait3A_289] : memref<50000x128xf32, #tpu.memory_space<hbm>> -> memref<200x128xf32, #tpu.memory_space<hbm>>
      tpu.wait_dma2 semaphore(%arg14 : memref<!tpu.dma_semaphore, #tpu.memory_space<semaphore_mem>>) src(%dma_wait3A_290 : memref<200x128xf32, #tpu.memory_space<hbm>>) dst(%arg9 : memref<200x128xf32, #tpu.memory_space<vmem>>)
      %add3A_291 = arith.constant 2600 : i32
      %add3A_292 = arith.addi %add3A_18, %add3A_291 : i32
      %dma_start3A_293 = arith.constant 0 : i32
      %dma_start3A_294 = tpu.memref_slice %arg5[%add3A_292, %dma_start3A_293] : memref<160000x128xf32, #tpu.memory_space<hbm>> -> memref<200x128xf32, #tpu.memory_space<hbm>>
      %dma_start3A_295 = arith.constant 0 : i32
      %dma_start3A_296 = tpu.memref_slice %arg5[%add3A_292, %dma_start3A_295] : memref<160000x128xf32, #tpu.memory_space<hbm>> -> memref<200x128xf32, #tpu.memory_space<hbm>>
      tpu.enqueue_dma source(%arg9 : memref<200x128xf32, #tpu.memory_space<vmem>>) target(%dma_start3A_296 : memref<200x128xf32, #tpu.memory_space<hbm>>) target_semaphore(%arg19 : memref<!tpu.dma_semaphore, #tpu.memory_space<semaphore_mem>>)
      %dma_wait3A_297 = arith.constant 0 : i32
      %dma_wait3A_298 = tpu.memref_slice %arg5[%add3A_252, %dma_wait3A_297] : memref<160000x128xf32, #tpu.memory_space<hbm>> -> memref<200x128xf32, #tpu.memory_space<hbm>>
      %dma_wait3A_299 = arith.constant 0 : i32
      %dma_wait3A_300 = tpu.memref_slice %arg5[%add3A_252, %dma_wait3A_299] : memref<160000x128xf32, #tpu.memory_space<hbm>> -> memref<200x128xf32, #tpu.memory_space<hbm>>
      tpu.wait_dma2 semaphore(%arg17 : memref<!tpu.dma_semaphore, #tpu.memory_space<semaphore_mem>>) src(%arg7 : memref<200x128xf32, #tpu.memory_space<vmem>>) dst(%dma_wait3A_300 : memref<200x128xf32, #tpu.memory_space<hbm>>)
      %add3A_301 = arith.constant 3200 : i32
      %add3A_302 = arith.addi %mul3A_16, %add3A_301 : i32
      %dma_start3A_303 = arith.constant 0 : i32
      %dma_start3A_304 = tpu.memref_slice %arg3[%add3A_302, %dma_start3A_303] : memref<50000x128xf32, #tpu.memory_space<hbm>> -> memref<200x128xf32, #tpu.memory_space<hbm>>
      %dma_start3A_305 = arith.constant 0 : i32
      %dma_start3A_306 = tpu.memref_slice %arg3[%add3A_302, %dma_start3A_305] : memref<50000x128xf32, #tpu.memory_space<hbm>> -> memref<200x128xf32, #tpu.memory_space<hbm>>
      tpu.enqueue_dma source(%dma_start3A_306 : memref<200x128xf32, #tpu.memory_space<hbm>>) target(%arg7 : memref<200x128xf32, #tpu.memory_space<vmem>>) target_semaphore(%arg12 : memref<!tpu.dma_semaphore, #tpu.memory_space<semaphore_mem>>)
      %dma_wait3A_307 = arith.constant 0 : i32
      %dma_wait3A_308 = tpu.memref_slice %arg3[%add3A_262, %dma_wait3A_307] : memref<50000x128xf32, #tpu.memory_space<hbm>> -> memref<200x128xf32, #tpu.memory_space<hbm>>
      %dma_wait3A_309 = arith.constant 0 : i32
      %dma_wait3A_310 = tpu.memref_slice %arg3[%add3A_262, %dma_wait3A_309] : memref<50000x128xf32, #tpu.memory_space<hbm>> -> memref<200x128xf32, #tpu.memory_space<hbm>>
      tpu.wait_dma2 semaphore(%arg15 : memref<!tpu.dma_semaphore, #tpu.memory_space<semaphore_mem>>) src(%dma_wait3A_310 : memref<200x128xf32, #tpu.memory_space<hbm>>) dst(%arg10 : memref<200x128xf32, #tpu.memory_space<vmem>>)
      %add3A_311 = arith.constant 2800 : i32
      %add3A_312 = arith.addi %add3A_18, %add3A_311 : i32
      %dma_start3A_313 = arith.constant 0 : i32
      %dma_start3A_314 = tpu.memref_slice %arg5[%add3A_312, %dma_start3A_313] : memref<160000x128xf32, #tpu.memory_space<hbm>> -> memref<200x128xf32, #tpu.memory_space<hbm>>
      %dma_start3A_315 = arith.constant 0 : i32
      %dma_start3A_316 = tpu.memref_slice %arg5[%add3A_312, %dma_start3A_315] : memref<160000x128xf32, #tpu.memory_space<hbm>> -> memref<200x128xf32, #tpu.memory_space<hbm>>
      tpu.enqueue_dma source(%arg10 : memref<200x128xf32, #tpu.memory_space<vmem>>) target(%dma_start3A_316 : memref<200x128xf32, #tpu.memory_space<hbm>>) target_semaphore(%arg20 : memref<!tpu.dma_semaphore, #tpu.memory_space<semaphore_mem>>)
      %dma_wait3A_317 = arith.constant 0 : i32
      %dma_wait3A_318 = tpu.memref_slice %arg5[%add3A_272, %dma_wait3A_317] : memref<160000x128xf32, #tpu.memory_space<hbm>> -> memref<200x128xf32, #tpu.memory_space<hbm>>
      %dma_wait3A_319 = arith.constant 0 : i32
      %dma_wait3A_320 = tpu.memref_slice %arg5[%add3A_272, %dma_wait3A_319] : memref<160000x128xf32, #tpu.memory_space<hbm>> -> memref<200x128xf32, #tpu.memory_space<hbm>>
      tpu.wait_dma2 semaphore(%arg18 : memref<!tpu.dma_semaphore, #tpu.memory_space<semaphore_mem>>) src(%arg8 : memref<200x128xf32, #tpu.memory_space<vmem>>) dst(%dma_wait3A_320 : memref<200x128xf32, #tpu.memory_space<hbm>>)
      %add3A_321 = arith.constant 3400 : i32
      %add3A_322 = arith.addi %mul3A_16, %add3A_321 : i32
      %dma_start3A_323 = arith.constant 0 : i32
      %dma_start3A_324 = tpu.memref_slice %arg3[%add3A_322, %dma_start3A_323] : memref<50000x128xf32, #tpu.memory_space<hbm>> -> memref<200x128xf32, #tpu.memory_space<hbm>>
      %dma_start3A_325 = arith.constant 0 : i32
      %dma_start3A_326 = tpu.memref_slice %arg3[%add3A_322, %dma_start3A_325] : memref<50000x128xf32, #tpu.memory_space<hbm>> -> memref<200x128xf32, #tpu.memory_space<hbm>>
      tpu.enqueue_dma source(%dma_start3A_326 : memref<200x128xf32, #tpu.memory_space<hbm>>) target(%arg8 : memref<200x128xf32, #tpu.memory_space<vmem>>) target_semaphore(%arg13 : memref<!tpu.dma_semaphore, #tpu.memory_space<semaphore_mem>>)
      %dma_wait3A_327 = arith.constant 0 : i32
      %dma_wait3A_328 = tpu.memref_slice %arg3[%add3A_282, %dma_wait3A_327] : memref<50000x128xf32, #tpu.memory_space<hbm>> -> memref<200x128xf32, #tpu.memory_space<hbm>>
      %dma_wait3A_329 = arith.constant 0 : i32
      %dma_wait3A_330 = tpu.memref_slice %arg3[%add3A_282, %dma_wait3A_329] : memref<50000x128xf32, #tpu.memory_space<hbm>> -> memref<200x128xf32, #tpu.memory_space<hbm>>
      tpu.wait_dma2 semaphore(%arg11 : memref<!tpu.dma_semaphore, #tpu.memory_space<semaphore_mem>>) src(%dma_wait3A_330 : memref<200x128xf32, #tpu.memory_space<hbm>>) dst(%arg6 : memref<200x128xf32, #tpu.memory_space<vmem>>)
      %add3A_331 = arith.constant 3000 : i32
      %add3A_332 = arith.addi %add3A_18, %add3A_331 : i32
      %dma_start3A_333 = arith.constant 0 : i32
      %dma_start3A_334 = tpu.memref_slice %arg5[%add3A_332, %dma_start3A_333] : memref<160000x128xf32, #tpu.memory_space<hbm>> -> memref<200x128xf32, #tpu.memory_space<hbm>>
      %dma_start3A_335 = arith.constant 0 : i32
      %dma_start3A_336 = tpu.memref_slice %arg5[%add3A_332, %dma_start3A_335] : memref<160000x128xf32, #tpu.memory_space<hbm>> -> memref<200x128xf32, #tpu.memory_space<hbm>>
      tpu.enqueue_dma source(%arg6 : memref<200x128xf32, #tpu.memory_space<vmem>>) target(%dma_start3A_336 : memref<200x128xf32, #tpu.memory_space<hbm>>) target_semaphore(%arg16 : memref<!tpu.dma_semaphore, #tpu.memory_space<semaphore_mem>>)
      %dma_wait3A_337 = arith.constant 0 : i32
      %dma_wait3A_338 = tpu.memref_slice %arg5[%add3A_292, %dma_wait3A_337] : memref<160000x128xf32, #tpu.memory_space<hbm>> -> memref<200x128xf32, #tpu.memory_space<hbm>>
      %dma_wait3A_339 = arith.constant 0 : i32
      %dma_wait3A_340 = tpu.memref_slice %arg5[%add3A_292, %dma_wait3A_339] : memref<160000x128xf32, #tpu.memory_space<hbm>> -> memref<200x128xf32, #tpu.memory_space<hbm>>
      tpu.wait_dma2 semaphore(%arg19 : memref<!tpu.dma_semaphore, #tpu.memory_space<semaphore_mem>>) src(%arg9 : memref<200x128xf32, #tpu.memory_space<vmem>>) dst(%dma_wait3A_340 : memref<200x128xf32, #tpu.memory_space<hbm>>)
      %add3A_341 = arith.constant 3600 : i32
      %add3A_342 = arith.addi %mul3A_16, %add3A_341 : i32
      %dma_start3A_343 = arith.constant 0 : i32
      %dma_start3A_344 = tpu.memref_slice %arg3[%add3A_342, %dma_start3A_343] : memref<50000x128xf32, #tpu.memory_space<hbm>> -> memref<200x128xf32, #tpu.memory_space<hbm>>
      %dma_start3A_345 = arith.constant 0 : i32
      %dma_start3A_346 = tpu.memref_slice %arg3[%add3A_342, %dma_start3A_345] : memref<50000x128xf32, #tpu.memory_space<hbm>> -> memref<200x128xf32, #tpu.memory_space<hbm>>
      tpu.enqueue_dma source(%dma_start3A_346 : memref<200x128xf32, #tpu.memory_space<hbm>>) target(%arg9 : memref<200x128xf32, #tpu.memory_space<vmem>>) target_semaphore(%arg14 : memref<!tpu.dma_semaphore, #tpu.memory_space<semaphore_mem>>)
      %dma_wait3A_347 = arith.constant 0 : i32
      %dma_wait3A_348 = tpu.memref_slice %arg3[%add3A_302, %dma_wait3A_347] : memref<50000x128xf32, #tpu.memory_space<hbm>> -> memref<200x128xf32, #tpu.memory_space<hbm>>
      %dma_wait3A_349 = arith.constant 0 : i32
      %dma_wait3A_350 = tpu.memref_slice %arg3[%add3A_302, %dma_wait3A_349] : memref<50000x128xf32, #tpu.memory_space<hbm>> -> memref<200x128xf32, #tpu.memory_space<hbm>>
      tpu.wait_dma2 semaphore(%arg12 : memref<!tpu.dma_semaphore, #tpu.memory_space<semaphore_mem>>) src(%dma_wait3A_350 : memref<200x128xf32, #tpu.memory_space<hbm>>) dst(%arg7 : memref<200x128xf32, #tpu.memory_space<vmem>>)
      %add3A_351 = arith.constant 3200 : i32
      %add3A_352 = arith.addi %add3A_18, %add3A_351 : i32
      %dma_start3A_353 = arith.constant 0 : i32
      %dma_start3A_354 = tpu.memref_slice %arg5[%add3A_352, %dma_start3A_353] : memref<160000x128xf32, #tpu.memory_space<hbm>> -> memref<200x128xf32, #tpu.memory_space<hbm>>
      %dma_start3A_355 = arith.constant 0 : i32
      %dma_start3A_356 = tpu.memref_slice %arg5[%add3A_352, %dma_start3A_355] : memref<160000x128xf32, #tpu.memory_space<hbm>> -> memref<200x128xf32, #tpu.memory_space<hbm>>
      tpu.enqueue_dma source(%arg7 : memref<200x128xf32, #tpu.memory_space<vmem>>) target(%dma_start3A_356 : memref<200x128xf32, #tpu.memory_space<hbm>>) target_semaphore(%arg17 : memref<!tpu.dma_semaphore, #tpu.memory_space<semaphore_mem>>)
      %dma_wait3A_357 = arith.constant 0 : i32
      %dma_wait3A_358 = tpu.memref_slice %arg5[%add3A_312, %dma_wait3A_357] : memref<160000x128xf32, #tpu.memory_space<hbm>> -> memref<200x128xf32, #tpu.memory_space<hbm>>
      %dma_wait3A_359 = arith.constant 0 : i32
      %dma_wait3A_360 = tpu.memref_slice %arg5[%add3A_312, %dma_wait3A_359] : memref<160000x128xf32, #tpu.memory_space<hbm>> -> memref<200x128xf32, #tpu.memory_space<hbm>>
      tpu.wait_dma2 semaphore(%arg20 : memref<!tpu.dma_semaphore, #tpu.memory_space<semaphore_mem>>) src(%arg10 : memref<200x128xf32, #tpu.memory_space<vmem>>) dst(%dma_wait3A_360 : memref<200x128xf32, #tpu.memory_space<hbm>>)
      %add3A_361 = arith.constant 3800 : i32
      %add3A_362 = arith.addi %mul3A_16, %add3A_361 : i32
      %dma_start3A_363 = arith.constant 0 : i32
      %dma_start3A_364 = tpu.memref_slice %arg3[%add3A_362, %dma_start3A_363] : memref<50000x128xf32, #tpu.memory_space<hbm>> -> memref<200x128xf32, #tpu.memory_space<hbm>>
      %dma_start3A_365 = arith.constant 0 : i32
      %dma_start3A_366 = tpu.memref_slice %arg3[%add3A_362, %dma_start3A_365] : memref<50000x128xf32, #tpu.memory_space<hbm>> -> memref<200x128xf32, #tpu.memory_space<hbm>>
      tpu.enqueue_dma source(%dma_start3A_366 : memref<200x128xf32, #tpu.memory_space<hbm>>) target(%arg10 : memref<200x128xf32, #tpu.memory_space<vmem>>) target_semaphore(%arg15 : memref<!tpu.dma_semaphore, #tpu.memory_space<semaphore_mem>>)
      %dma_wait3A_367 = arith.constant 0 : i32
      %dma_wait3A_368 = tpu.memref_slice %arg3[%add3A_322, %dma_wait3A_367] : memref<50000x128xf32, #tpu.memory_space<hbm>> -> memref<200x128xf32, #tpu.memory_space<hbm>>
      %dma_wait3A_369 = arith.constant 0 : i32
      %dma_wait3A_370 = tpu.memref_slice %arg3[%add3A_322, %dma_wait3A_369] : memref<50000x128xf32, #tpu.memory_space<hbm>> -> memref<200x128xf32, #tpu.memory_space<hbm>>
      tpu.wait_dma2 semaphore(%arg13 : memref<!tpu.dma_semaphore, #tpu.memory_space<semaphore_mem>>) src(%dma_wait3A_370 : memref<200x128xf32, #tpu.memory_space<hbm>>) dst(%arg8 : memref<200x128xf32, #tpu.memory_space<vmem>>)
      %add3A_371 = arith.constant 3400 : i32
      %add3A_372 = arith.addi %add3A_18, %add3A_371 : i32
      %dma_start3A_373 = arith.constant 0 : i32
      %dma_start3A_374 = tpu.memref_slice %arg5[%add3A_372, %dma_start3A_373] : memref<160000x128xf32, #tpu.memory_space<hbm>> -> memref<200x128xf32, #tpu.memory_space<hbm>>
      %dma_start3A_375 = arith.constant 0 : i32
      %dma_start3A_376 = tpu.memref_slice %arg5[%add3A_372, %dma_start3A_375] : memref<160000x128xf32, #tpu.memory_space<hbm>> -> memref<200x128xf32, #tpu.memory_space<hbm>>
      tpu.enqueue_dma source(%arg8 : memref<200x128xf32, #tpu.memory_space<vmem>>) target(%dma_start3A_376 : memref<200x128xf32, #tpu.memory_space<hbm>>) target_semaphore(%arg18 : memref<!tpu.dma_semaphore, #tpu.memory_space<semaphore_mem>>)
      %dma_wait3A_377 = arith.constant 0 : i32
      %dma_wait3A_378 = tpu.memref_slice %arg5[%add3A_332, %dma_wait3A_377] : memref<160000x128xf32, #tpu.memory_space<hbm>> -> memref<200x128xf32, #tpu.memory_space<hbm>>
      %dma_wait3A_379 = arith.constant 0 : i32
      %dma_wait3A_380 = tpu.memref_slice %arg5[%add3A_332, %dma_wait3A_379] : memref<160000x128xf32, #tpu.memory_space<hbm>> -> memref<200x128xf32, #tpu.memory_space<hbm>>
      tpu.wait_dma2 semaphore(%arg16 : memref<!tpu.dma_semaphore, #tpu.memory_space<semaphore_mem>>) src(%arg6 : memref<200x128xf32, #tpu.memory_space<vmem>>) dst(%dma_wait3A_380 : memref<200x128xf32, #tpu.memory_space<hbm>>)
      %add3A_381 = arith.constant 4000 : i32
      %add3A_382 = arith.addi %mul3A_16, %add3A_381 : i32
      %dma_start3A_383 = arith.constant 0 : i32
      %dma_start3A_384 = tpu.memref_slice %arg3[%add3A_382, %dma_start3A_383] : memref<50000x128xf32, #tpu.memory_space<hbm>> -> memref<200x128xf32, #tpu.memory_space<hbm>>
      %dma_start3A_385 = arith.constant 0 : i32
      %dma_start3A_386 = tpu.memref_slice %arg3[%add3A_382, %dma_start3A_385] : memref<50000x128xf32, #tpu.memory_space<hbm>> -> memref<200x128xf32, #tpu.memory_space<hbm>>
      tpu.enqueue_dma source(%dma_start3A_386 : memref<200x128xf32, #tpu.memory_space<hbm>>) target(%arg6 : memref<200x128xf32, #tpu.memory_space<vmem>>) target_semaphore(%arg11 : memref<!tpu.dma_semaphore, #tpu.memory_space<semaphore_mem>>)
      %dma_wait3A_387 = arith.constant 0 : i32
      %dma_wait3A_388 = tpu.memref_slice %arg3[%add3A_342, %dma_wait3A_387] : memref<50000x128xf32, #tpu.memory_space<hbm>> -> memref<200x128xf32, #tpu.memory_space<hbm>>
      %dma_wait3A_389 = arith.constant 0 : i32
      %dma_wait3A_390 = tpu.memref_slice %arg3[%add3A_342, %dma_wait3A_389] : memref<50000x128xf32, #tpu.memory_space<hbm>> -> memref<200x128xf32, #tpu.memory_space<hbm>>
      tpu.wait_dma2 semaphore(%arg14 : memref<!tpu.dma_semaphore, #tpu.memory_space<semaphore_mem>>) src(%dma_wait3A_390 : memref<200x128xf32, #tpu.memory_space<hbm>>) dst(%arg9 : memref<200x128xf32, #tpu.memory_space<vmem>>)
      %add3A_391 = arith.constant 3600 : i32
      %add3A_392 = arith.addi %add3A_18, %add3A_391 : i32
      %dma_start3A_393 = arith.constant 0 : i32
      %dma_start3A_394 = tpu.memref_slice %arg5[%add3A_392, %dma_start3A_393] : memref<160000x128xf32, #tpu.memory_space<hbm>> -> memref<200x128xf32, #tpu.memory_space<hbm>>
      %dma_start3A_395 = arith.constant 0 : i32
      %dma_start3A_396 = tpu.memref_slice %arg5[%add3A_392, %dma_start3A_395] : memref<160000x128xf32, #tpu.memory_space<hbm>> -> memref<200x128xf32, #tpu.memory_space<hbm>>
      tpu.enqueue_dma source(%arg9 : memref<200x128xf32, #tpu.memory_space<vmem>>) target(%dma_start3A_396 : memref<200x128xf32, #tpu.memory_space<hbm>>) target_semaphore(%arg19 : memref<!tpu.dma_semaphore, #tpu.memory_space<semaphore_mem>>)
      %dma_wait3A_397 = arith.constant 0 : i32
      %dma_wait3A_398 = tpu.memref_slice %arg5[%add3A_352, %dma_wait3A_397] : memref<160000x128xf32, #tpu.memory_space<hbm>> -> memref<200x128xf32, #tpu.memory_space<hbm>>
      %dma_wait3A_399 = arith.constant 0 : i32
      %dma_wait3A_400 = tpu.memref_slice %arg5[%add3A_352, %dma_wait3A_399] : memref<160000x128xf32, #tpu.memory_space<hbm>> -> memref<200x128xf32, #tpu.memory_space<hbm>>
      tpu.wait_dma2 semaphore(%arg17 : memref<!tpu.dma_semaphore, #tpu.memory_space<semaphore_mem>>) src(%arg7 : memref<200x128xf32, #tpu.memory_space<vmem>>) dst(%dma_wait3A_400 : memref<200x128xf32, #tpu.memory_space<hbm>>)
      %add3A_401 = arith.constant 4200 : i32
      %add3A_402 = arith.addi %mul3A_16, %add3A_401 : i32
      %dma_start3A_403 = arith.constant 0 : i32
      %dma_start3A_404 = tpu.memref_slice %arg3[%add3A_402, %dma_start3A_403] : memref<50000x128xf32, #tpu.memory_space<hbm>> -> memref<200x128xf32, #tpu.memory_space<hbm>>
      %dma_start3A_405 = arith.constant 0 : i32
      %dma_start3A_406 = tpu.memref_slice %arg3[%add3A_402, %dma_start3A_405] : memref<50000x128xf32, #tpu.memory_space<hbm>> -> memref<200x128xf32, #tpu.memory_space<hbm>>
      tpu.enqueue_dma source(%dma_start3A_406 : memref<200x128xf32, #tpu.memory_space<hbm>>) target(%arg7 : memref<200x128xf32, #tpu.memory_space<vmem>>) target_semaphore(%arg12 : memref<!tpu.dma_semaphore, #tpu.memory_space<semaphore_mem>>)
      %dma_wait3A_407 = arith.constant 0 : i32
      %dma_wait3A_408 = tpu.memref_slice %arg3[%add3A_362, %dma_wait3A_407] : memref<50000x128xf32, #tpu.memory_space<hbm>> -> memref<200x128xf32, #tpu.memory_space<hbm>>
      %dma_wait3A_409 = arith.constant 0 : i32
      %dma_wait3A_410 = tpu.memref_slice %arg3[%add3A_362, %dma_wait3A_409] : memref<50000x128xf32, #tpu.memory_space<hbm>> -> memref<200x128xf32, #tpu.memory_space<hbm>>
      tpu.wait_dma2 semaphore(%arg15 : memref<!tpu.dma_semaphore, #tpu.memory_space<semaphore_mem>>) src(%dma_wait3A_410 : memref<200x128xf32, #tpu.memory_space<hbm>>) dst(%arg10 : memref<200x128xf32, #tpu.memory_space<vmem>>)
      %add3A_411 = arith.constant 3800 : i32
      %add3A_412 = arith.addi %add3A_18, %add3A_411 : i32
      %dma_start3A_413 = arith.constant 0 : i32
      %dma_start3A_414 = tpu.memref_slice %arg5[%add3A_412, %dma_start3A_413] : memref<160000x128xf32, #tpu.memory_space<hbm>> -> memref<200x128xf32, #tpu.memory_space<hbm>>
      %dma_start3A_415 = arith.constant 0 : i32
      %dma_start3A_416 = tpu.memref_slice %arg5[%add3A_412, %dma_start3A_415] : memref<160000x128xf32, #tpu.memory_space<hbm>> -> memref<200x128xf32, #tpu.memory_space<hbm>>
      tpu.enqueue_dma source(%arg10 : memref<200x128xf32, #tpu.memory_space<vmem>>) target(%dma_start3A_416 : memref<200x128xf32, #tpu.memory_space<hbm>>) target_semaphore(%arg20 : memref<!tpu.dma_semaphore, #tpu.memory_space<semaphore_mem>>)
      %dma_wait3A_417 = arith.constant 0 : i32
      %dma_wait3A_418 = tpu.memref_slice %arg5[%add3A_372, %dma_wait3A_417] : memref<160000x128xf32, #tpu.memory_space<hbm>> -> memref<200x128xf32, #tpu.memory_space<hbm>>
      %dma_wait3A_419 = arith.constant 0 : i32
      %dma_wait3A_420 = tpu.memref_slice %arg5[%add3A_372, %dma_wait3A_419] : memref<160000x128xf32, #tpu.memory_space<hbm>> -> memref<200x128xf32, #tpu.memory_space<hbm>>
      tpu.wait_dma2 semaphore(%arg18 : memref<!tpu.dma_semaphore, #tpu.memory_space<semaphore_mem>>) src(%arg8 : memref<200x128xf32, #tpu.memory_space<vmem>>) dst(%dma_wait3A_420 : memref<200x128xf32, #tpu.memory_space<hbm>>)
      %add3A_421 = arith.constant 4400 : i32
      %add3A_422 = arith.addi %mul3A_16, %add3A_421 : i32
      %dma_start3A_423 = arith.constant 0 : i32
      %dma_start3A_424 = tpu.memref_slice %arg3[%add3A_422, %dma_start3A_423] : memref<50000x128xf32, #tpu.memory_space<hbm>> -> memref<200x128xf32, #tpu.memory_space<hbm>>
      %dma_start3A_425 = arith.constant 0 : i32
      %dma_start3A_426 = tpu.memref_slice %arg3[%add3A_422, %dma_start3A_425] : memref<50000x128xf32, #tpu.memory_space<hbm>> -> memref<200x128xf32, #tpu.memory_space<hbm>>
      tpu.enqueue_dma source(%dma_start3A_426 : memref<200x128xf32, #tpu.memory_space<hbm>>) target(%arg8 : memref<200x128xf32, #tpu.memory_space<vmem>>) target_semaphore(%arg13 : memref<!tpu.dma_semaphore, #tpu.memory_space<semaphore_mem>>)
      %dma_wait3A_427 = arith.constant 0 : i32
      %dma_wait3A_428 = tpu.memref_slice %arg3[%add3A_382, %dma_wait3A_427] : memref<50000x128xf32, #tpu.memory_space<hbm>> -> memref<200x128xf32, #tpu.memory_space<hbm>>
      %dma_wait3A_429 = arith.constant 0 : i32
      %dma_wait3A_430 = tpu.memref_slice %arg3[%add3A_382, %dma_wait3A_429] : memref<50000x128xf32, #tpu.memory_space<hbm>> -> memref<200x128xf32, #tpu.memory_space<hbm>>
      tpu.wait_dma2 semaphore(%arg11 : memref<!tpu.dma_semaphore, #tpu.memory_space<semaphore_mem>>) src(%dma_wait3A_430 : memref<200x128xf32, #tpu.memory_space<hbm>>) dst(%arg6 : memref<200x128xf32, #tpu.memory_space<vmem>>)
      %add3A_431 = arith.constant 4000 : i32
      %add3A_432 = arith.addi %add3A_18, %add3A_431 : i32
      %dma_start3A_433 = arith.constant 0 : i32
      %dma_start3A_434 = tpu.memref_slice %arg5[%add3A_432, %dma_start3A_433] : memref<160000x128xf32, #tpu.memory_space<hbm>> -> memref<200x128xf32, #tpu.memory_space<hbm>>
      %dma_start3A_435 = arith.constant 0 : i32
      %dma_start3A_436 = tpu.memref_slice %arg5[%add3A_432, %dma_start3A_435] : memref<160000x128xf32, #tpu.memory_space<hbm>> -> memref<200x128xf32, #tpu.memory_space<hbm>>
      tpu.enqueue_dma source(%arg6 : memref<200x128xf32, #tpu.memory_space<vmem>>) target(%dma_start3A_436 : memref<200x128xf32, #tpu.memory_space<hbm>>) target_semaphore(%arg16 : memref<!tpu.dma_semaphore, #tpu.memory_space<semaphore_mem>>)
      %dma_wait3A_437 = arith.constant 0 : i32
      %dma_wait3A_438 = tpu.memref_slice %arg5[%add3A_392, %dma_wait3A_437] : memref<160000x128xf32, #tpu.memory_space<hbm>> -> memref<200x128xf32, #tpu.memory_space<hbm>>
      %dma_wait3A_439 = arith.constant 0 : i32
      %dma_wait3A_440 = tpu.memref_slice %arg5[%add3A_392, %dma_wait3A_439] : memref<160000x128xf32, #tpu.memory_space<hbm>> -> memref<200x128xf32, #tpu.memory_space<hbm>>
      tpu.wait_dma2 semaphore(%arg19 : memref<!tpu.dma_semaphore, #tpu.memory_space<semaphore_mem>>) src(%arg9 : memref<200x128xf32, #tpu.memory_space<vmem>>) dst(%dma_wait3A_440 : memref<200x128xf32, #tpu.memory_space<hbm>>)
      %add3A_441 = arith.constant 4600 : i32
      %add3A_442 = arith.addi %mul3A_16, %add3A_441 : i32
      %dma_start3A_443 = arith.constant 0 : i32
      %dma_start3A_444 = tpu.memref_slice %arg3[%add3A_442, %dma_start3A_443] : memref<50000x128xf32, #tpu.memory_space<hbm>> -> memref<200x128xf32, #tpu.memory_space<hbm>>
      %dma_start3A_445 = arith.constant 0 : i32
      %dma_start3A_446 = tpu.memref_slice %arg3[%add3A_442, %dma_start3A_445] : memref<50000x128xf32, #tpu.memory_space<hbm>> -> memref<200x128xf32, #tpu.memory_space<hbm>>
      tpu.enqueue_dma source(%dma_start3A_446 : memref<200x128xf32, #tpu.memory_space<hbm>>) target(%arg9 : memref<200x128xf32, #tpu.memory_space<vmem>>) target_semaphore(%arg14 : memref<!tpu.dma_semaphore, #tpu.memory_space<semaphore_mem>>)
      %dma_wait3A_447 = arith.constant 0 : i32
      %dma_wait3A_448 = tpu.memref_slice %arg3[%add3A_402, %dma_wait3A_447] : memref<50000x128xf32, #tpu.memory_space<hbm>> -> memref<200x128xf32, #tpu.memory_space<hbm>>
      %dma_wait3A_449 = arith.constant 0 : i32
      %dma_wait3A_450 = tpu.memref_slice %arg3[%add3A_402, %dma_wait3A_449] : memref<50000x128xf32, #tpu.memory_space<hbm>> -> memref<200x128xf32, #tpu.memory_space<hbm>>
      tpu.wait_dma2 semaphore(%arg12 : memref<!tpu.dma_semaphore, #tpu.memory_space<semaphore_mem>>) src(%dma_wait3A_450 : memref<200x128xf32, #tpu.memory_space<hbm>>) dst(%arg7 : memref<200x128xf32, #tpu.memory_space<vmem>>)
      %add3A_451 = arith.constant 4200 : i32
      %add3A_452 = arith.addi %add3A_18, %add3A_451 : i32
      %dma_start3A_453 = arith.constant 0 : i32
      %dma_start3A_454 = tpu.memref_slice %arg5[%add3A_452, %dma_start3A_453] : memref<160000x128xf32, #tpu.memory_space<hbm>> -> memref<200x128xf32, #tpu.memory_space<hbm>>
      %dma_start3A_455 = arith.constant 0 : i32
      %dma_start3A_456 = tpu.memref_slice %arg5[%add3A_452, %dma_start3A_455] : memref<160000x128xf32, #tpu.memory_space<hbm>> -> memref<200x128xf32, #tpu.memory_space<hbm>>
      tpu.enqueue_dma source(%arg7 : memref<200x128xf32, #tpu.memory_space<vmem>>) target(%dma_start3A_456 : memref<200x128xf32, #tpu.memory_space<hbm>>) target_semaphore(%arg17 : memref<!tpu.dma_semaphore, #tpu.memory_space<semaphore_mem>>)
      %dma_wait3A_457 = arith.constant 0 : i32
      %dma_wait3A_458 = tpu.memref_slice %arg5[%add3A_412, %dma_wait3A_457] : memref<160000x128xf32, #tpu.memory_space<hbm>> -> memref<200x128xf32, #tpu.memory_space<hbm>>
      %dma_wait3A_459 = arith.constant 0 : i32
      %dma_wait3A_460 = tpu.memref_slice %arg5[%add3A_412, %dma_wait3A_459] : memref<160000x128xf32, #tpu.memory_space<hbm>> -> memref<200x128xf32, #tpu.memory_space<hbm>>
      tpu.wait_dma2 semaphore(%arg20 : memref<!tpu.dma_semaphore, #tpu.memory_space<semaphore_mem>>) src(%arg10 : memref<200x128xf32, #tpu.memory_space<vmem>>) dst(%dma_wait3A_460 : memref<200x128xf32, #tpu.memory_space<hbm>>)
      %add3A_461 = arith.constant 4800 : i32
      %add3A_462 = arith.addi %mul3A_16, %add3A_461 : i32
      %dma_start3A_463 = arith.constant 0 : i32
      %dma_start3A_464 = tpu.memref_slice %arg3[%add3A_462, %dma_start3A_463] : memref<50000x128xf32, #tpu.memory_space<hbm>> -> memref<200x128xf32, #tpu.memory_space<hbm>>
      %dma_start3A_465 = arith.constant 0 : i32
      %dma_start3A_466 = tpu.memref_slice %arg3[%add3A_462, %dma_start3A_465] : memref<50000x128xf32, #tpu.memory_space<hbm>> -> memref<200x128xf32, #tpu.memory_space<hbm>>
      tpu.enqueue_dma source(%dma_start3A_466 : memref<200x128xf32, #tpu.memory_space<hbm>>) target(%arg10 : memref<200x128xf32, #tpu.memory_space<vmem>>) target_semaphore(%arg15 : memref<!tpu.dma_semaphore, #tpu.memory_space<semaphore_mem>>)
      %dma_wait3A_467 = arith.constant 0 : i32
      %dma_wait3A_468 = tpu.memref_slice %arg3[%add3A_422, %dma_wait3A_467] : memref<50000x128xf32, #tpu.memory_space<hbm>> -> memref<200x128xf32, #tpu.memory_space<hbm>>
      %dma_wait3A_469 = arith.constant 0 : i32
      %dma_wait3A_470 = tpu.memref_slice %arg3[%add3A_422, %dma_wait3A_469] : memref<50000x128xf32, #tpu.memory_space<hbm>> -> memref<200x128xf32, #tpu.memory_space<hbm>>
      tpu.wait_dma2 semaphore(%arg13 : memref<!tpu.dma_semaphore, #tpu.memory_space<semaphore_mem>>) src(%dma_wait3A_470 : memref<200x128xf32, #tpu.memory_space<hbm>>) dst(%arg8 : memref<200x128xf32, #tpu.memory_space<vmem>>)
      %add3A_471 = arith.constant 4400 : i32
      %add3A_472 = arith.addi %add3A_18, %add3A_471 : i32
      %dma_start3A_473 = arith.constant 0 : i32
      %dma_start3A_474 = tpu.memref_slice %arg5[%add3A_472, %dma_start3A_473] : memref<160000x128xf32, #tpu.memory_space<hbm>> -> memref<200x128xf32, #tpu.memory_space<hbm>>
      %dma_start3A_475 = arith.constant 0 : i32
      %dma_start3A_476 = tpu.memref_slice %arg5[%add3A_472, %dma_start3A_475] : memref<160000x128xf32, #tpu.memory_space<hbm>> -> memref<200x128xf32, #tpu.memory_space<hbm>>
      tpu.enqueue_dma source(%arg8 : memref<200x128xf32, #tpu.memory_space<vmem>>) target(%dma_start3A_476 : memref<200x128xf32, #tpu.memory_space<hbm>>) target_semaphore(%arg18 : memref<!tpu.dma_semaphore, #tpu.memory_space<semaphore_mem>>)
      %dma_wait3A_477 = arith.constant 0 : i32
      %dma_wait3A_478 = tpu.memref_slice %arg3[%add3A_442, %dma_wait3A_477] : memref<50000x128xf32, #tpu.memory_space<hbm>> -> memref<200x128xf32, #tpu.memory_space<hbm>>
      %dma_wait3A_479 = arith.constant 0 : i32
      %dma_wait3A_480 = tpu.memref_slice %arg3[%add3A_442, %dma_wait3A_479] : memref<50000x128xf32, #tpu.memory_space<hbm>> -> memref<200x128xf32, #tpu.memory_space<hbm>>
      tpu.wait_dma2 semaphore(%arg14 : memref<!tpu.dma_semaphore, #tpu.memory_space<semaphore_mem>>) src(%dma_wait3A_480 : memref<200x128xf32, #tpu.memory_space<hbm>>) dst(%arg9 : memref<200x128xf32, #tpu.memory_space<vmem>>)
      %add3A_481 = arith.constant 4600 : i32
      %add3A_482 = arith.addi %add3A_18, %add3A_481 : i32
      %dma_start3A_483 = arith.constant 0 : i32
      %dma_start3A_484 = tpu.memref_slice %arg5[%add3A_482, %dma_start3A_483] : memref<160000x128xf32, #tpu.memory_space<hbm>> -> memref<200x128xf32, #tpu.memory_space<hbm>>
      %dma_start3A_485 = arith.constant 0 : i32
      %dma_start3A_486 = tpu.memref_slice %arg5[%add3A_482, %dma_start3A_485] : memref<160000x128xf32, #tpu.memory_space<hbm>> -> memref<200x128xf32, #tpu.memory_space<hbm>>
      tpu.enqueue_dma source(%arg9 : memref<200x128xf32, #tpu.memory_space<vmem>>) target(%dma_start3A_486 : memref<200x128xf32, #tpu.memory_space<hbm>>) target_semaphore(%arg19 : memref<!tpu.dma_semaphore, #tpu.memory_space<semaphore_mem>>)
      %dma_wait3A_487 = arith.constant 0 : i32
      %dma_wait3A_488 = tpu.memref_slice %arg3[%add3A_462, %dma_wait3A_487] : memref<50000x128xf32, #tpu.memory_space<hbm>> -> memref<200x128xf32, #tpu.memory_space<hbm>>
      %dma_wait3A_489 = arith.constant 0 : i32
      %dma_wait3A_490 = tpu.memref_slice %arg3[%add3A_462, %dma_wait3A_489] : memref<50000x128xf32, #tpu.memory_space<hbm>> -> memref<200x128xf32, #tpu.memory_space<hbm>>
      tpu.wait_dma2 semaphore(%arg15 : memref<!tpu.dma_semaphore, #tpu.memory_space<semaphore_mem>>) src(%dma_wait3A_490 : memref<200x128xf32, #tpu.memory_space<hbm>>) dst(%arg10 : memref<200x128xf32, #tpu.memory_space<vmem>>)
      %add3A_491 = arith.constant 4800 : i32
      %add3A_492 = arith.addi %add3A_18, %add3A_491 : i32
      %dma_start3A_493 = arith.constant 0 : i32
      %dma_start3A_494 = tpu.memref_slice %arg5[%add3A_492, %dma_start3A_493] : memref<160000x128xf32, #tpu.memory_space<hbm>> -> memref<200x128xf32, #tpu.memory_space<hbm>>
      %dma_start3A_495 = arith.constant 0 : i32
      %dma_start3A_496 = tpu.memref_slice %arg5[%add3A_492, %dma_start3A_495] : memref<160000x128xf32, #tpu.memory_space<hbm>> -> memref<200x128xf32, #tpu.memory_space<hbm>>
      tpu.enqueue_dma source(%arg10 : memref<200x128xf32, #tpu.memory_space<vmem>>) target(%dma_start3A_496 : memref<200x128xf32, #tpu.memory_space<hbm>>) target_semaphore(%arg20 : memref<!tpu.dma_semaphore, #tpu.memory_space<semaphore_mem>>)
      %dma_wait3A_497 = arith.constant 0 : i32
      %dma_wait3A_498 = tpu.memref_slice %arg5[%add3A_432, %dma_wait3A_497] : memref<160000x128xf32, #tpu.memory_space<hbm>> -> memref<200x128xf32, #tpu.memory_space<hbm>>
      %dma_wait3A_499 = arith.constant 0 : i32
      %dma_wait3A_500 = tpu.memref_slice %arg5[%add3A_432, %dma_wait3A_499] : memref<160000x128xf32, #tpu.memory_space<hbm>> -> memref<200x128xf32, #tpu.memory_space<hbm>>
      tpu.wait_dma2 semaphore(%arg16 : memref<!tpu.dma_semaphore, #tpu.memory_space<semaphore_mem>>) src(%arg6 : memref<200x128xf32, #tpu.memory_space<vmem>>) dst(%dma_wait3A_500 : memref<200x128xf32, #tpu.memory_space<hbm>>)
      %dma_wait3A_501 = arith.constant 0 : i32
      %dma_wait3A_502 = tpu.memref_slice %arg5[%add3A_452, %dma_wait3A_501] : memref<160000x128xf32, #tpu.memory_space<hbm>> -> memref<200x128xf32, #tpu.memory_space<hbm>>
      %dma_wait3A_503 = arith.constant 0 : i32
      %dma_wait3A_504 = tpu.memref_slice %arg5[%add3A_452, %dma_wait3A_503] : memref<160000x128xf32, #tpu.memory_space<hbm>> -> memref<200x128xf32, #tpu.memory_space<hbm>>
      tpu.wait_dma2 semaphore(%arg17 : memref<!tpu.dma_semaphore, #tpu.memory_space<semaphore_mem>>) src(%arg7 : memref<200x128xf32, #tpu.memory_space<vmem>>) dst(%dma_wait3A_504 : memref<200x128xf32, #tpu.memory_space<hbm>>)
      %dma_wait3A_505 = arith.constant 0 : i32
      %dma_wait3A_506 = tpu.memref_slice %arg5[%add3A_472, %dma_wait3A_505] : memref<160000x128xf32, #tpu.memory_space<hbm>> -> memref<200x128xf32, #tpu.memory_space<hbm>>
      %dma_wait3A_507 = arith.constant 0 : i32
      %dma_wait3A_508 = tpu.memref_slice %arg5[%add3A_472, %dma_wait3A_507] : memref<160000x128xf32, #tpu.memory_space<hbm>> -> memref<200x128xf32, #tpu.memory_space<hbm>>
      tpu.wait_dma2 semaphore(%arg18 : memref<!tpu.dma_semaphore, #tpu.memory_space<semaphore_mem>>) src(%arg8 : memref<200x128xf32, #tpu.memory_space<vmem>>) dst(%dma_wait3A_508 : memref<200x128xf32, #tpu.memory_space<hbm>>)
      %dma_wait3A_509 = arith.constant 0 : i32
      %dma_wait3A_510 = tpu.memref_slice %arg5[%add3A_482, %dma_wait3A_509] : memref<160000x128xf32, #tpu.memory_space<hbm>> -> memref<200x128xf32, #tpu.memory_space<hbm>>
      %dma_wait3A_511 = arith.constant 0 : i32
      %dma_wait3A_512 = tpu.memref_slice %arg5[%add3A_482, %dma_wait3A_511] : memref<160000x128xf32, #tpu.memory_space<hbm>> -> memref<200x128xf32, #tpu.memory_space<hbm>>
      tpu.wait_dma2 semaphore(%arg19 : memref<!tpu.dma_semaphore, #tpu.memory_space<semaphore_mem>>) src(%arg9 : memref<200x128xf32, #tpu.memory_space<vmem>>) dst(%dma_wait3A_512 : memref<200x128xf32, #tpu.memory_space<hbm>>)
      %dma_wait3A_513 = arith.constant 0 : i32
      %dma_wait3A_514 = tpu.memref_slice %arg5[%add3A_492, %dma_wait3A_513] : memref<160000x128xf32, #tpu.memory_space<hbm>> -> memref<200x128xf32, #tpu.memory_space<hbm>>
      %dma_wait3A_515 = arith.constant 0 : i32
      %dma_wait3A_516 = tpu.memref_slice %arg5[%add3A_492, %dma_wait3A_515] : memref<160000x128xf32, #tpu.memory_space<hbm>> -> memref<200x128xf32, #tpu.memory_space<hbm>>
      tpu.wait_dma2 semaphore(%arg20 : memref<!tpu.dma_semaphore, #tpu.memory_space<semaphore_mem>>) src(%arg10 : memref<200x128xf32, #tpu.memory_space<vmem>>) dst(%dma_wait3A_516 : memref<200x128xf32, #tpu.memory_space<hbm>>)
    } else {
    }
    %ge3A_9 = arith.constant 30 : i32
    %ge3A_10 = arith.cmpi sge, %add3A, %ge3A_9 : i32
    %convert_element_type3A_11 = arith.extui %ge3A_10 : i1 to i32
    %cond3A_12 = arith.constant 0 : i32
    %cond3A_13 = arith.cmpi ne, %convert_element_type3A_11, %cond3A_12 : i32
    scf.if %cond3A_13 {
      %sub3A = arith.constant 20 : i32
      %sub3A_14 = arith.subi %add3A, %sub3A : i32
      %sub3A_15 = arith.constant 10 : i32
      %sub3A_16 = arith.subi %sub3A_14, %sub3A_15 : i32
      %mul3A_17 = arith.constant 5000 : i32
      %mul3A_18 = arith.muli %sub3A_16, %mul3A_17 : i32
      %add3A_19 = arith.constant 150000 : i32
      %add3A_20 = arith.addi %add3A_19, %mul3A_18 : i32
      %add3A_21 = arith.constant 0 : i32
      %add3A_22 = arith.addi %mul3A_18, %add3A_21 : i32
      %dma_start3A = arith.constant 0 : i32
      %dma_start3A_23 = tpu.memref_slice %arg4[%add3A_22, %dma_start3A] : memref<10000x128xf32, #tpu.memory_space<hbm>> -> memref<200x128xf32, #tpu.memory_space<hbm>>
      %dma_start3A_24 = arith.constant 0 : i32
      %dma_start3A_25 = tpu.memref_slice %arg4[%add3A_22, %dma_start3A_24] : memref<10000x128xf32, #tpu.memory_space<hbm>> -> memref<200x128xf32, #tpu.memory_space<hbm>>
      tpu.enqueue_dma source(%dma_start3A_25 : memref<200x128xf32, #tpu.memory_space<hbm>>) target(%arg6 : memref<200x128xf32, #tpu.memory_space<vmem>>) target_semaphore(%arg11 : memref<!tpu.dma_semaphore, #tpu.memory_space<semaphore_mem>>)
      %add3A_26 = arith.constant 200 : i32
      %add3A_27 = arith.addi %mul3A_18, %add3A_26 : i32
      %dma_start3A_28 = arith.constant 0 : i32
      %dma_start3A_29 = tpu.memref_slice %arg4[%add3A_27, %dma_start3A_28] : memref<10000x128xf32, #tpu.memory_space<hbm>> -> memref<200x128xf32, #tpu.memory_space<hbm>>
      %dma_start3A_30 = arith.constant 0 : i32
      %dma_start3A_31 = tpu.memref_slice %arg4[%add3A_27, %dma_start3A_30] : memref<10000x128xf32, #tpu.memory_space<hbm>> -> memref<200x128xf32, #tpu.memory_space<hbm>>
      tpu.enqueue_dma source(%dma_start3A_31 : memref<200x128xf32, #tpu.memory_space<hbm>>) target(%arg7 : memref<200x128xf32, #tpu.memory_space<vmem>>) target_semaphore(%arg12 : memref<!tpu.dma_semaphore, #tpu.memory_space<semaphore_mem>>)
      %add3A_32 = arith.constant 400 : i32
      %add3A_33 = arith.addi %mul3A_18, %add3A_32 : i32
      %dma_start3A_34 = arith.constant 0 : i32
      %dma_start3A_35 = tpu.memref_slice %arg4[%add3A_33, %dma_start3A_34] : memref<10000x128xf32, #tpu.memory_space<hbm>> -> memref<200x128xf32, #tpu.memory_space<hbm>>
      %dma_start3A_36 = arith.constant 0 : i32
      %dma_start3A_37 = tpu.memref_slice %arg4[%add3A_33, %dma_start3A_36] : memref<10000x128xf32, #tpu.memory_space<hbm>> -> memref<200x128xf32, #tpu.memory_space<hbm>>
      tpu.enqueue_dma source(%dma_start3A_37 : memref<200x128xf32, #tpu.memory_space<hbm>>) target(%arg8 : memref<200x128xf32, #tpu.memory_space<vmem>>) target_semaphore(%arg13 : memref<!tpu.dma_semaphore, #tpu.memory_space<semaphore_mem>>)
      %dma_wait3A = arith.constant 0 : i32
      %dma_wait3A_38 = tpu.memref_slice %arg4[%add3A_22, %dma_wait3A] : memref<10000x128xf32, #tpu.memory_space<hbm>> -> memref<200x128xf32, #tpu.memory_space<hbm>>
      %dma_wait3A_39 = arith.constant 0 : i32
      %dma_wait3A_40 = tpu.memref_slice %arg4[%add3A_22, %dma_wait3A_39] : memref<10000x128xf32, #tpu.memory_space<hbm>> -> memref<200x128xf32, #tpu.memory_space<hbm>>
      tpu.wait_dma2 semaphore(%arg11 : memref<!tpu.dma_semaphore, #tpu.memory_space<semaphore_mem>>) src(%dma_wait3A_40 : memref<200x128xf32, #tpu.memory_space<hbm>>) dst(%arg6 : memref<200x128xf32, #tpu.memory_space<vmem>>)
      %add3A_41 = arith.constant 0 : i32
      %add3A_42 = arith.addi %add3A_20, %add3A_41 : i32
      %dma_start3A_43 = arith.constant 0 : i32
      %dma_start3A_44 = tpu.memref_slice %arg5[%add3A_42, %dma_start3A_43] : memref<160000x128xf32, #tpu.memory_space<hbm>> -> memref<200x128xf32, #tpu.memory_space<hbm>>
      %dma_start3A_45 = arith.constant 0 : i32
      %dma_start3A_46 = tpu.memref_slice %arg5[%add3A_42, %dma_start3A_45] : memref<160000x128xf32, #tpu.memory_space<hbm>> -> memref<200x128xf32, #tpu.memory_space<hbm>>
      tpu.enqueue_dma source(%arg6 : memref<200x128xf32, #tpu.memory_space<vmem>>) target(%dma_start3A_46 : memref<200x128xf32, #tpu.memory_space<hbm>>) target_semaphore(%arg16 : memref<!tpu.dma_semaphore, #tpu.memory_space<semaphore_mem>>)
      %add3A_47 = arith.constant 600 : i32
      %add3A_48 = arith.addi %mul3A_18, %add3A_47 : i32
      %dma_start3A_49 = arith.constant 0 : i32
      %dma_start3A_50 = tpu.memref_slice %arg4[%add3A_48, %dma_start3A_49] : memref<10000x128xf32, #tpu.memory_space<hbm>> -> memref<200x128xf32, #tpu.memory_space<hbm>>
      %dma_start3A_51 = arith.constant 0 : i32
      %dma_start3A_52 = tpu.memref_slice %arg4[%add3A_48, %dma_start3A_51] : memref<10000x128xf32, #tpu.memory_space<hbm>> -> memref<200x128xf32, #tpu.memory_space<hbm>>
      tpu.enqueue_dma source(%dma_start3A_52 : memref<200x128xf32, #tpu.memory_space<hbm>>) target(%arg9 : memref<200x128xf32, #tpu.memory_space<vmem>>) target_semaphore(%arg14 : memref<!tpu.dma_semaphore, #tpu.memory_space<semaphore_mem>>)
      %dma_wait3A_53 = arith.constant 0 : i32
      %dma_wait3A_54 = tpu.memref_slice %arg4[%add3A_27, %dma_wait3A_53] : memref<10000x128xf32, #tpu.memory_space<hbm>> -> memref<200x128xf32, #tpu.memory_space<hbm>>
      %dma_wait3A_55 = arith.constant 0 : i32
      %dma_wait3A_56 = tpu.memref_slice %arg4[%add3A_27, %dma_wait3A_55] : memref<10000x128xf32, #tpu.memory_space<hbm>> -> memref<200x128xf32, #tpu.memory_space<hbm>>
      tpu.wait_dma2 semaphore(%arg12 : memref<!tpu.dma_semaphore, #tpu.memory_space<semaphore_mem>>) src(%dma_wait3A_56 : memref<200x128xf32, #tpu.memory_space<hbm>>) dst(%arg7 : memref<200x128xf32, #tpu.memory_space<vmem>>)
      %add3A_57 = arith.constant 200 : i32
      %add3A_58 = arith.addi %add3A_20, %add3A_57 : i32
      %dma_start3A_59 = arith.constant 0 : i32
      %dma_start3A_60 = tpu.memref_slice %arg5[%add3A_58, %dma_start3A_59] : memref<160000x128xf32, #tpu.memory_space<hbm>> -> memref<200x128xf32, #tpu.memory_space<hbm>>
      %dma_start3A_61 = arith.constant 0 : i32
      %dma_start3A_62 = tpu.memref_slice %arg5[%add3A_58, %dma_start3A_61] : memref<160000x128xf32, #tpu.memory_space<hbm>> -> memref<200x128xf32, #tpu.memory_space<hbm>>
      tpu.enqueue_dma source(%arg7 : memref<200x128xf32, #tpu.memory_space<vmem>>) target(%dma_start3A_62 : memref<200x128xf32, #tpu.memory_space<hbm>>) target_semaphore(%arg17 : memref<!tpu.dma_semaphore, #tpu.memory_space<semaphore_mem>>)
      %add3A_63 = arith.constant 800 : i32
      %add3A_64 = arith.addi %mul3A_18, %add3A_63 : i32
      %dma_start3A_65 = arith.constant 0 : i32
      %dma_start3A_66 = tpu.memref_slice %arg4[%add3A_64, %dma_start3A_65] : memref<10000x128xf32, #tpu.memory_space<hbm>> -> memref<200x128xf32, #tpu.memory_space<hbm>>
      %dma_start3A_67 = arith.constant 0 : i32
      %dma_start3A_68 = tpu.memref_slice %arg4[%add3A_64, %dma_start3A_67] : memref<10000x128xf32, #tpu.memory_space<hbm>> -> memref<200x128xf32, #tpu.memory_space<hbm>>
      tpu.enqueue_dma source(%dma_start3A_68 : memref<200x128xf32, #tpu.memory_space<hbm>>) target(%arg10 : memref<200x128xf32, #tpu.memory_space<vmem>>) target_semaphore(%arg15 : memref<!tpu.dma_semaphore, #tpu.memory_space<semaphore_mem>>)
      %dma_wait3A_69 = arith.constant 0 : i32
      %dma_wait3A_70 = tpu.memref_slice %arg4[%add3A_33, %dma_wait3A_69] : memref<10000x128xf32, #tpu.memory_space<hbm>> -> memref<200x128xf32, #tpu.memory_space<hbm>>
      %dma_wait3A_71 = arith.constant 0 : i32
      %dma_wait3A_72 = tpu.memref_slice %arg4[%add3A_33, %dma_wait3A_71] : memref<10000x128xf32, #tpu.memory_space<hbm>> -> memref<200x128xf32, #tpu.memory_space<hbm>>
      tpu.wait_dma2 semaphore(%arg13 : memref<!tpu.dma_semaphore, #tpu.memory_space<semaphore_mem>>) src(%dma_wait3A_72 : memref<200x128xf32, #tpu.memory_space<hbm>>) dst(%arg8 : memref<200x128xf32, #tpu.memory_space<vmem>>)
      %add3A_73 = arith.constant 400 : i32
      %add3A_74 = arith.addi %add3A_20, %add3A_73 : i32
      %dma_start3A_75 = arith.constant 0 : i32
      %dma_start3A_76 = tpu.memref_slice %arg5[%add3A_74, %dma_start3A_75] : memref<160000x128xf32, #tpu.memory_space<hbm>> -> memref<200x128xf32, #tpu.memory_space<hbm>>
      %dma_start3A_77 = arith.constant 0 : i32
      %dma_start3A_78 = tpu.memref_slice %arg5[%add3A_74, %dma_start3A_77] : memref<160000x128xf32, #tpu.memory_space<hbm>> -> memref<200x128xf32, #tpu.memory_space<hbm>>
      tpu.enqueue_dma source(%arg8 : memref<200x128xf32, #tpu.memory_space<vmem>>) target(%dma_start3A_78 : memref<200x128xf32, #tpu.memory_space<hbm>>) target_semaphore(%arg18 : memref<!tpu.dma_semaphore, #tpu.memory_space<semaphore_mem>>)
      %dma_wait3A_79 = arith.constant 0 : i32
      %dma_wait3A_80 = tpu.memref_slice %arg5[%add3A_42, %dma_wait3A_79] : memref<160000x128xf32, #tpu.memory_space<hbm>> -> memref<200x128xf32, #tpu.memory_space<hbm>>
      %dma_wait3A_81 = arith.constant 0 : i32
      %dma_wait3A_82 = tpu.memref_slice %arg5[%add3A_42, %dma_wait3A_81] : memref<160000x128xf32, #tpu.memory_space<hbm>> -> memref<200x128xf32, #tpu.memory_space<hbm>>
      tpu.wait_dma2 semaphore(%arg16 : memref<!tpu.dma_semaphore, #tpu.memory_space<semaphore_mem>>) src(%arg6 : memref<200x128xf32, #tpu.memory_space<vmem>>) dst(%dma_wait3A_82 : memref<200x128xf32, #tpu.memory_space<hbm>>)
      %add3A_83 = arith.constant 1000 : i32
      %add3A_84 = arith.addi %mul3A_18, %add3A_83 : i32
      %dma_start3A_85 = arith.constant 0 : i32
      %dma_start3A_86 = tpu.memref_slice %arg4[%add3A_84, %dma_start3A_85] : memref<10000x128xf32, #tpu.memory_space<hbm>> -> memref<200x128xf32, #tpu.memory_space<hbm>>
      %dma_start3A_87 = arith.constant 0 : i32
      %dma_start3A_88 = tpu.memref_slice %arg4[%add3A_84, %dma_start3A_87] : memref<10000x128xf32, #tpu.memory_space<hbm>> -> memref<200x128xf32, #tpu.memory_space<hbm>>
      tpu.enqueue_dma source(%dma_start3A_88 : memref<200x128xf32, #tpu.memory_space<hbm>>) target(%arg6 : memref<200x128xf32, #tpu.memory_space<vmem>>) target_semaphore(%arg11 : memref<!tpu.dma_semaphore, #tpu.memory_space<semaphore_mem>>)
      %dma_wait3A_89 = arith.constant 0 : i32
      %dma_wait3A_90 = tpu.memref_slice %arg4[%add3A_48, %dma_wait3A_89] : memref<10000x128xf32, #tpu.memory_space<hbm>> -> memref<200x128xf32, #tpu.memory_space<hbm>>
      %dma_wait3A_91 = arith.constant 0 : i32
      %dma_wait3A_92 = tpu.memref_slice %arg4[%add3A_48, %dma_wait3A_91] : memref<10000x128xf32, #tpu.memory_space<hbm>> -> memref<200x128xf32, #tpu.memory_space<hbm>>
      tpu.wait_dma2 semaphore(%arg14 : memref<!tpu.dma_semaphore, #tpu.memory_space<semaphore_mem>>) src(%dma_wait3A_92 : memref<200x128xf32, #tpu.memory_space<hbm>>) dst(%arg9 : memref<200x128xf32, #tpu.memory_space<vmem>>)
      %add3A_93 = arith.constant 600 : i32
      %add3A_94 = arith.addi %add3A_20, %add3A_93 : i32
      %dma_start3A_95 = arith.constant 0 : i32
      %dma_start3A_96 = tpu.memref_slice %arg5[%add3A_94, %dma_start3A_95] : memref<160000x128xf32, #tpu.memory_space<hbm>> -> memref<200x128xf32, #tpu.memory_space<hbm>>
      %dma_start3A_97 = arith.constant 0 : i32
      %dma_start3A_98 = tpu.memref_slice %arg5[%add3A_94, %dma_start3A_97] : memref<160000x128xf32, #tpu.memory_space<hbm>> -> memref<200x128xf32, #tpu.memory_space<hbm>>
      tpu.enqueue_dma source(%arg9 : memref<200x128xf32, #tpu.memory_space<vmem>>) target(%dma_start3A_98 : memref<200x128xf32, #tpu.memory_space<hbm>>) target_semaphore(%arg19 : memref<!tpu.dma_semaphore, #tpu.memory_space<semaphore_mem>>)
      %dma_wait3A_99 = arith.constant 0 : i32
      %dma_wait3A_100 = tpu.memref_slice %arg5[%add3A_58, %dma_wait3A_99] : memref<160000x128xf32, #tpu.memory_space<hbm>> -> memref<200x128xf32, #tpu.memory_space<hbm>>
      %dma_wait3A_101 = arith.constant 0 : i32
      %dma_wait3A_102 = tpu.memref_slice %arg5[%add3A_58, %dma_wait3A_101] : memref<160000x128xf32, #tpu.memory_space<hbm>> -> memref<200x128xf32, #tpu.memory_space<hbm>>
      tpu.wait_dma2 semaphore(%arg17 : memref<!tpu.dma_semaphore, #tpu.memory_space<semaphore_mem>>) src(%arg7 : memref<200x128xf32, #tpu.memory_space<vmem>>) dst(%dma_wait3A_102 : memref<200x128xf32, #tpu.memory_space<hbm>>)
      %add3A_103 = arith.constant 1200 : i32
      %add3A_104 = arith.addi %mul3A_18, %add3A_103 : i32
      %dma_start3A_105 = arith.constant 0 : i32
      %dma_start3A_106 = tpu.memref_slice %arg4[%add3A_104, %dma_start3A_105] : memref<10000x128xf32, #tpu.memory_space<hbm>> -> memref<200x128xf32, #tpu.memory_space<hbm>>
      %dma_start3A_107 = arith.constant 0 : i32
      %dma_start3A_108 = tpu.memref_slice %arg4[%add3A_104, %dma_start3A_107] : memref<10000x128xf32, #tpu.memory_space<hbm>> -> memref<200x128xf32, #tpu.memory_space<hbm>>
      tpu.enqueue_dma source(%dma_start3A_108 : memref<200x128xf32, #tpu.memory_space<hbm>>) target(%arg7 : memref<200x128xf32, #tpu.memory_space<vmem>>) target_semaphore(%arg12 : memref<!tpu.dma_semaphore, #tpu.memory_space<semaphore_mem>>)
      %dma_wait3A_109 = arith.constant 0 : i32
      %dma_wait3A_110 = tpu.memref_slice %arg4[%add3A_64, %dma_wait3A_109] : memref<10000x128xf32, #tpu.memory_space<hbm>> -> memref<200x128xf32, #tpu.memory_space<hbm>>
      %dma_wait3A_111 = arith.constant 0 : i32
      %dma_wait3A_112 = tpu.memref_slice %arg4[%add3A_64, %dma_wait3A_111] : memref<10000x128xf32, #tpu.memory_space<hbm>> -> memref<200x128xf32, #tpu.memory_space<hbm>>
      tpu.wait_dma2 semaphore(%arg15 : memref<!tpu.dma_semaphore, #tpu.memory_space<semaphore_mem>>) src(%dma_wait3A_112 : memref<200x128xf32, #tpu.memory_space<hbm>>) dst(%arg10 : memref<200x128xf32, #tpu.memory_space<vmem>>)
      %add3A_113 = arith.constant 800 : i32
      %add3A_114 = arith.addi %add3A_20, %add3A_113 : i32
      %dma_start3A_115 = arith.constant 0 : i32
      %dma_start3A_116 = tpu.memref_slice %arg5[%add3A_114, %dma_start3A_115] : memref<160000x128xf32, #tpu.memory_space<hbm>> -> memref<200x128xf32, #tpu.memory_space<hbm>>
      %dma_start3A_117 = arith.constant 0 : i32
      %dma_start3A_118 = tpu.memref_slice %arg5[%add3A_114, %dma_start3A_117] : memref<160000x128xf32, #tpu.memory_space<hbm>> -> memref<200x128xf32, #tpu.memory_space<hbm>>
      tpu.enqueue_dma source(%arg10 : memref<200x128xf32, #tpu.memory_space<vmem>>) target(%dma_start3A_118 : memref<200x128xf32, #tpu.memory_space<hbm>>) target_semaphore(%arg20 : memref<!tpu.dma_semaphore, #tpu.memory_space<semaphore_mem>>)
      %dma_wait3A_119 = arith.constant 0 : i32
      %dma_wait3A_120 = tpu.memref_slice %arg5[%add3A_74, %dma_wait3A_119] : memref<160000x128xf32, #tpu.memory_space<hbm>> -> memref<200x128xf32, #tpu.memory_space<hbm>>
      %dma_wait3A_121 = arith.constant 0 : i32
      %dma_wait3A_122 = tpu.memref_slice %arg5[%add3A_74, %dma_wait3A_121] : memref<160000x128xf32, #tpu.memory_space<hbm>> -> memref<200x128xf32, #tpu.memory_space<hbm>>
      tpu.wait_dma2 semaphore(%arg18 : memref<!tpu.dma_semaphore, #tpu.memory_space<semaphore_mem>>) src(%arg8 : memref<200x128xf32, #tpu.memory_space<vmem>>) dst(%dma_wait3A_122 : memref<200x128xf32, #tpu.memory_space<hbm>>)
      %add3A_123 = arith.constant 1400 : i32
      %add3A_124 = arith.addi %mul3A_18, %add3A_123 : i32
      %dma_start3A_125 = arith.constant 0 : i32
      %dma_start3A_126 = tpu.memref_slice %arg4[%add3A_124, %dma_start3A_125] : memref<10000x128xf32, #tpu.memory_space<hbm>> -> memref<200x128xf32, #tpu.memory_space<hbm>>
      %dma_start3A_127 = arith.constant 0 : i32
      %dma_start3A_128 = tpu.memref_slice %arg4[%add3A_124, %dma_start3A_127] : memref<10000x128xf32, #tpu.memory_space<hbm>> -> memref<200x128xf32, #tpu.memory_space<hbm>>
      tpu.enqueue_dma source(%dma_start3A_128 : memref<200x128xf32, #tpu.memory_space<hbm>>) target(%arg8 : memref<200x128xf32, #tpu.memory_space<vmem>>) target_semaphore(%arg13 : memref<!tpu.dma_semaphore, #tpu.memory_space<semaphore_mem>>)
      %dma_wait3A_129 = arith.constant 0 : i32
      %dma_wait3A_130 = tpu.memref_slice %arg4[%add3A_84, %dma_wait3A_129] : memref<10000x128xf32, #tpu.memory_space<hbm>> -> memref<200x128xf32, #tpu.memory_space<hbm>>
      %dma_wait3A_131 = arith.constant 0 : i32
      %dma_wait3A_132 = tpu.memref_slice %arg4[%add3A_84, %dma_wait3A_131] : memref<10000x128xf32, #tpu.memory_space<hbm>> -> memref<200x128xf32, #tpu.memory_space<hbm>>
      tpu.wait_dma2 semaphore(%arg11 : memref<!tpu.dma_semaphore, #tpu.memory_space<semaphore_mem>>) src(%dma_wait3A_132 : memref<200x128xf32, #tpu.memory_space<hbm>>) dst(%arg6 : memref<200x128xf32, #tpu.memory_space<vmem>>)
      %add3A_133 = arith.constant 1000 : i32
      %add3A_134 = arith.addi %add3A_20, %add3A_133 : i32
      %dma_start3A_135 = arith.constant 0 : i32
      %dma_start3A_136 = tpu.memref_slice %arg5[%add3A_134, %dma_start3A_135] : memref<160000x128xf32, #tpu.memory_space<hbm>> -> memref<200x128xf32, #tpu.memory_space<hbm>>
      %dma_start3A_137 = arith.constant 0 : i32
      %dma_start3A_138 = tpu.memref_slice %arg5[%add3A_134, %dma_start3A_137] : memref<160000x128xf32, #tpu.memory_space<hbm>> -> memref<200x128xf32, #tpu.memory_space<hbm>>
      tpu.enqueue_dma source(%arg6 : memref<200x128xf32, #tpu.memory_space<vmem>>) target(%dma_start3A_138 : memref<200x128xf32, #tpu.memory_space<hbm>>) target_semaphore(%arg16 : memref<!tpu.dma_semaphore, #tpu.memory_space<semaphore_mem>>)
      %dma_wait3A_139 = arith.constant 0 : i32
      %dma_wait3A_140 = tpu.memref_slice %arg5[%add3A_94, %dma_wait3A_139] : memref<160000x128xf32, #tpu.memory_space<hbm>> -> memref<200x128xf32, #tpu.memory_space<hbm>>
      %dma_wait3A_141 = arith.constant 0 : i32
      %dma_wait3A_142 = tpu.memref_slice %arg5[%add3A_94, %dma_wait3A_141] : memref<160000x128xf32, #tpu.memory_space<hbm>> -> memref<200x128xf32, #tpu.memory_space<hbm>>
      tpu.wait_dma2 semaphore(%arg19 : memref<!tpu.dma_semaphore, #tpu.memory_space<semaphore_mem>>) src(%arg9 : memref<200x128xf32, #tpu.memory_space<vmem>>) dst(%dma_wait3A_142 : memref<200x128xf32, #tpu.memory_space<hbm>>)
      %add3A_143 = arith.constant 1600 : i32
      %add3A_144 = arith.addi %mul3A_18, %add3A_143 : i32
      %dma_start3A_145 = arith.constant 0 : i32
      %dma_start3A_146 = tpu.memref_slice %arg4[%add3A_144, %dma_start3A_145] : memref<10000x128xf32, #tpu.memory_space<hbm>> -> memref<200x128xf32, #tpu.memory_space<hbm>>
      %dma_start3A_147 = arith.constant 0 : i32
      %dma_start3A_148 = tpu.memref_slice %arg4[%add3A_144, %dma_start3A_147] : memref<10000x128xf32, #tpu.memory_space<hbm>> -> memref<200x128xf32, #tpu.memory_space<hbm>>
      tpu.enqueue_dma source(%dma_start3A_148 : memref<200x128xf32, #tpu.memory_space<hbm>>) target(%arg9 : memref<200x128xf32, #tpu.memory_space<vmem>>) target_semaphore(%arg14 : memref<!tpu.dma_semaphore, #tpu.memory_space<semaphore_mem>>)
      %dma_wait3A_149 = arith.constant 0 : i32
      %dma_wait3A_150 = tpu.memref_slice %arg4[%add3A_104, %dma_wait3A_149] : memref<10000x128xf32, #tpu.memory_space<hbm>> -> memref<200x128xf32, #tpu.memory_space<hbm>>
      %dma_wait3A_151 = arith.constant 0 : i32
      %dma_wait3A_152 = tpu.memref_slice %arg4[%add3A_104, %dma_wait3A_151] : memref<10000x128xf32, #tpu.memory_space<hbm>> -> memref<200x128xf32, #tpu.memory_space<hbm>>
      tpu.wait_dma2 semaphore(%arg12 : memref<!tpu.dma_semaphore, #tpu.memory_space<semaphore_mem>>) src(%dma_wait3A_152 : memref<200x128xf32, #tpu.memory_space<hbm>>) dst(%arg7 : memref<200x128xf32, #tpu.memory_space<vmem>>)
      %add3A_153 = arith.constant 1200 : i32
      %add3A_154 = arith.addi %add3A_20, %add3A_153 : i32
      %dma_start3A_155 = arith.constant 0 : i32
      %dma_start3A_156 = tpu.memref_slice %arg5[%add3A_154, %dma_start3A_155] : memref<160000x128xf32, #tpu.memory_space<hbm>> -> memref<200x128xf32, #tpu.memory_space<hbm>>
      %dma_start3A_157 = arith.constant 0 : i32
      %dma_start3A_158 = tpu.memref_slice %arg5[%add3A_154, %dma_start3A_157] : memref<160000x128xf32, #tpu.memory_space<hbm>> -> memref<200x128xf32, #tpu.memory_space<hbm>>
      tpu.enqueue_dma source(%arg7 : memref<200x128xf32, #tpu.memory_space<vmem>>) target(%dma_start3A_158 : memref<200x128xf32, #tpu.memory_space<hbm>>) target_semaphore(%arg17 : memref<!tpu.dma_semaphore, #tpu.memory_space<semaphore_mem>>)
      %dma_wait3A_159 = arith.constant 0 : i32
      %dma_wait3A_160 = tpu.memref_slice %arg5[%add3A_114, %dma_wait3A_159] : memref<160000x128xf32, #tpu.memory_space<hbm>> -> memref<200x128xf32, #tpu.memory_space<hbm>>
      %dma_wait3A_161 = arith.constant 0 : i32
      %dma_wait3A_162 = tpu.memref_slice %arg5[%add3A_114, %dma_wait3A_161] : memref<160000x128xf32, #tpu.memory_space<hbm>> -> memref<200x128xf32, #tpu.memory_space<hbm>>
      tpu.wait_dma2 semaphore(%arg20 : memref<!tpu.dma_semaphore, #tpu.memory_space<semaphore_mem>>) src(%arg10 : memref<200x128xf32, #tpu.memory_space<vmem>>) dst(%dma_wait3A_162 : memref<200x128xf32, #tpu.memory_space<hbm>>)
      %add3A_163 = arith.constant 1800 : i32
      %add3A_164 = arith.addi %mul3A_18, %add3A_163 : i32
      %dma_start3A_165 = arith.constant 0 : i32
      %dma_start3A_166 = tpu.memref_slice %arg4[%add3A_164, %dma_start3A_165] : memref<10000x128xf32, #tpu.memory_space<hbm>> -> memref<200x128xf32, #tpu.memory_space<hbm>>
      %dma_start3A_167 = arith.constant 0 : i32
      %dma_start3A_168 = tpu.memref_slice %arg4[%add3A_164, %dma_start3A_167] : memref<10000x128xf32, #tpu.memory_space<hbm>> -> memref<200x128xf32, #tpu.memory_space<hbm>>
      tpu.enqueue_dma source(%dma_start3A_168 : memref<200x128xf32, #tpu.memory_space<hbm>>) target(%arg10 : memref<200x128xf32, #tpu.memory_space<vmem>>) target_semaphore(%arg15 : memref<!tpu.dma_semaphore, #tpu.memory_space<semaphore_mem>>)
      %dma_wait3A_169 = arith.constant 0 : i32
      %dma_wait3A_170 = tpu.memref_slice %arg4[%add3A_124, %dma_wait3A_169] : memref<10000x128xf32, #tpu.memory_space<hbm>> -> memref<200x128xf32, #tpu.memory_space<hbm>>
      %dma_wait3A_171 = arith.constant 0 : i32
      %dma_wait3A_172 = tpu.memref_slice %arg4[%add3A_124, %dma_wait3A_171] : memref<10000x128xf32, #tpu.memory_space<hbm>> -> memref<200x128xf32, #tpu.memory_space<hbm>>
      tpu.wait_dma2 semaphore(%arg13 : memref<!tpu.dma_semaphore, #tpu.memory_space<semaphore_mem>>) src(%dma_wait3A_172 : memref<200x128xf32, #tpu.memory_space<hbm>>) dst(%arg8 : memref<200x128xf32, #tpu.memory_space<vmem>>)
      %add3A_173 = arith.constant 1400 : i32
      %add3A_174 = arith.addi %add3A_20, %add3A_173 : i32
      %dma_start3A_175 = arith.constant 0 : i32
      %dma_start3A_176 = tpu.memref_slice %arg5[%add3A_174, %dma_start3A_175] : memref<160000x128xf32, #tpu.memory_space<hbm>> -> memref<200x128xf32, #tpu.memory_space<hbm>>
      %dma_start3A_177 = arith.constant 0 : i32
      %dma_start3A_178 = tpu.memref_slice %arg5[%add3A_174, %dma_start3A_177] : memref<160000x128xf32, #tpu.memory_space<hbm>> -> memref<200x128xf32, #tpu.memory_space<hbm>>
      tpu.enqueue_dma source(%arg8 : memref<200x128xf32, #tpu.memory_space<vmem>>) target(%dma_start3A_178 : memref<200x128xf32, #tpu.memory_space<hbm>>) target_semaphore(%arg18 : memref<!tpu.dma_semaphore, #tpu.memory_space<semaphore_mem>>)
      %dma_wait3A_179 = arith.constant 0 : i32
      %dma_wait3A_180 = tpu.memref_slice %arg5[%add3A_134, %dma_wait3A_179] : memref<160000x128xf32, #tpu.memory_space<hbm>> -> memref<200x128xf32, #tpu.memory_space<hbm>>
      %dma_wait3A_181 = arith.constant 0 : i32
      %dma_wait3A_182 = tpu.memref_slice %arg5[%add3A_134, %dma_wait3A_181] : memref<160000x128xf32, #tpu.memory_space<hbm>> -> memref<200x128xf32, #tpu.memory_space<hbm>>
      tpu.wait_dma2 semaphore(%arg16 : memref<!tpu.dma_semaphore, #tpu.memory_space<semaphore_mem>>) src(%arg6 : memref<200x128xf32, #tpu.memory_space<vmem>>) dst(%dma_wait3A_182 : memref<200x128xf32, #tpu.memory_space<hbm>>)
      %add3A_183 = arith.constant 2000 : i32
      %add3A_184 = arith.addi %mul3A_18, %add3A_183 : i32
      %dma_start3A_185 = arith.constant 0 : i32
      %dma_start3A_186 = tpu.memref_slice %arg4[%add3A_184, %dma_start3A_185] : memref<10000x128xf32, #tpu.memory_space<hbm>> -> memref<200x128xf32, #tpu.memory_space<hbm>>
      %dma_start3A_187 = arith.constant 0 : i32
      %dma_start3A_188 = tpu.memref_slice %arg4[%add3A_184, %dma_start3A_187] : memref<10000x128xf32, #tpu.memory_space<hbm>> -> memref<200x128xf32, #tpu.memory_space<hbm>>
      tpu.enqueue_dma source(%dma_start3A_188 : memref<200x128xf32, #tpu.memory_space<hbm>>) target(%arg6 : memref<200x128xf32, #tpu.memory_space<vmem>>) target_semaphore(%arg11 : memref<!tpu.dma_semaphore, #tpu.memory_space<semaphore_mem>>)
      %dma_wait3A_189 = arith.constant 0 : i32
      %dma_wait3A_190 = tpu.memref_slice %arg4[%add3A_144, %dma_wait3A_189] : memref<10000x128xf32, #tpu.memory_space<hbm>> -> memref<200x128xf32, #tpu.memory_space<hbm>>
      %dma_wait3A_191 = arith.constant 0 : i32
      %dma_wait3A_192 = tpu.memref_slice %arg4[%add3A_144, %dma_wait3A_191] : memref<10000x128xf32, #tpu.memory_space<hbm>> -> memref<200x128xf32, #tpu.memory_space<hbm>>
      tpu.wait_dma2 semaphore(%arg14 : memref<!tpu.dma_semaphore, #tpu.memory_space<semaphore_mem>>) src(%dma_wait3A_192 : memref<200x128xf32, #tpu.memory_space<hbm>>) dst(%arg9 : memref<200x128xf32, #tpu.memory_space<vmem>>)
      %add3A_193 = arith.constant 1600 : i32
      %add3A_194 = arith.addi %add3A_20, %add3A_193 : i32
      %dma_start3A_195 = arith.constant 0 : i32
      %dma_start3A_196 = tpu.memref_slice %arg5[%add3A_194, %dma_start3A_195] : memref<160000x128xf32, #tpu.memory_space<hbm>> -> memref<200x128xf32, #tpu.memory_space<hbm>>
      %dma_start3A_197 = arith.constant 0 : i32
      %dma_start3A_198 = tpu.memref_slice %arg5[%add3A_194, %dma_start3A_197] : memref<160000x128xf32, #tpu.memory_space<hbm>> -> memref<200x128xf32, #tpu.memory_space<hbm>>
      tpu.enqueue_dma source(%arg9 : memref<200x128xf32, #tpu.memory_space<vmem>>) target(%dma_start3A_198 : memref<200x128xf32, #tpu.memory_space<hbm>>) target_semaphore(%arg19 : memref<!tpu.dma_semaphore, #tpu.memory_space<semaphore_mem>>)
      %dma_wait3A_199 = arith.constant 0 : i32
      %dma_wait3A_200 = tpu.memref_slice %arg5[%add3A_154, %dma_wait3A_199] : memref<160000x128xf32, #tpu.memory_space<hbm>> -> memref<200x128xf32, #tpu.memory_space<hbm>>
      %dma_wait3A_201 = arith.constant 0 : i32
      %dma_wait3A_202 = tpu.memref_slice %arg5[%add3A_154, %dma_wait3A_201] : memref<160000x128xf32, #tpu.memory_space<hbm>> -> memref<200x128xf32, #tpu.memory_space<hbm>>
      tpu.wait_dma2 semaphore(%arg17 : memref<!tpu.dma_semaphore, #tpu.memory_space<semaphore_mem>>) src(%arg7 : memref<200x128xf32, #tpu.memory_space<vmem>>) dst(%dma_wait3A_202 : memref<200x128xf32, #tpu.memory_space<hbm>>)
      %add3A_203 = arith.constant 2200 : i32
      %add3A_204 = arith.addi %mul3A_18, %add3A_203 : i32
      %dma_start3A_205 = arith.constant 0 : i32
      %dma_start3A_206 = tpu.memref_slice %arg4[%add3A_204, %dma_start3A_205] : memref<10000x128xf32, #tpu.memory_space<hbm>> -> memref<200x128xf32, #tpu.memory_space<hbm>>
      %dma_start3A_207 = arith.constant 0 : i32
      %dma_start3A_208 = tpu.memref_slice %arg4[%add3A_204, %dma_start3A_207] : memref<10000x128xf32, #tpu.memory_space<hbm>> -> memref<200x128xf32, #tpu.memory_space<hbm>>
      tpu.enqueue_dma source(%dma_start3A_208 : memref<200x128xf32, #tpu.memory_space<hbm>>) target(%arg7 : memref<200x128xf32, #tpu.memory_space<vmem>>) target_semaphore(%arg12 : memref<!tpu.dma_semaphore, #tpu.memory_space<semaphore_mem>>)
      %dma_wait3A_209 = arith.constant 0 : i32
      %dma_wait3A_210 = tpu.memref_slice %arg4[%add3A_164, %dma_wait3A_209] : memref<10000x128xf32, #tpu.memory_space<hbm>> -> memref<200x128xf32, #tpu.memory_space<hbm>>
      %dma_wait3A_211 = arith.constant 0 : i32
      %dma_wait3A_212 = tpu.memref_slice %arg4[%add3A_164, %dma_wait3A_211] : memref<10000x128xf32, #tpu.memory_space<hbm>> -> memref<200x128xf32, #tpu.memory_space<hbm>>
      tpu.wait_dma2 semaphore(%arg15 : memref<!tpu.dma_semaphore, #tpu.memory_space<semaphore_mem>>) src(%dma_wait3A_212 : memref<200x128xf32, #tpu.memory_space<hbm>>) dst(%arg10 : memref<200x128xf32, #tpu.memory_space<vmem>>)
      %add3A_213 = arith.constant 1800 : i32
      %add3A_214 = arith.addi %add3A_20, %add3A_213 : i32
      %dma_start3A_215 = arith.constant 0 : i32
      %dma_start3A_216 = tpu.memref_slice %arg5[%add3A_214, %dma_start3A_215] : memref<160000x128xf32, #tpu.memory_space<hbm>> -> memref<200x128xf32, #tpu.memory_space<hbm>>
      %dma_start3A_217 = arith.constant 0 : i32
      %dma_start3A_218 = tpu.memref_slice %arg5[%add3A_214, %dma_start3A_217] : memref<160000x128xf32, #tpu.memory_space<hbm>> -> memref<200x128xf32, #tpu.memory_space<hbm>>
      tpu.enqueue_dma source(%arg10 : memref<200x128xf32, #tpu.memory_space<vmem>>) target(%dma_start3A_218 : memref<200x128xf32, #tpu.memory_space<hbm>>) target_semaphore(%arg20 : memref<!tpu.dma_semaphore, #tpu.memory_space<semaphore_mem>>)
      %dma_wait3A_219 = arith.constant 0 : i32
      %dma_wait3A_220 = tpu.memref_slice %arg5[%add3A_174, %dma_wait3A_219] : memref<160000x128xf32, #tpu.memory_space<hbm>> -> memref<200x128xf32, #tpu.memory_space<hbm>>
      %dma_wait3A_221 = arith.constant 0 : i32
      %dma_wait3A_222 = tpu.memref_slice %arg5[%add3A_174, %dma_wait3A_221] : memref<160000x128xf32, #tpu.memory_space<hbm>> -> memref<200x128xf32, #tpu.memory_space<hbm>>
      tpu.wait_dma2 semaphore(%arg18 : memref<!tpu.dma_semaphore, #tpu.memory_space<semaphore_mem>>) src(%arg8 : memref<200x128xf32, #tpu.memory_space<vmem>>) dst(%dma_wait3A_222 : memref<200x128xf32, #tpu.memory_space<hbm>>)
      %add3A_223 = arith.constant 2400 : i32
      %add3A_224 = arith.addi %mul3A_18, %add3A_223 : i32
      %dma_start3A_225 = arith.constant 0 : i32
      %dma_start3A_226 = tpu.memref_slice %arg4[%add3A_224, %dma_start3A_225] : memref<10000x128xf32, #tpu.memory_space<hbm>> -> memref<200x128xf32, #tpu.memory_space<hbm>>
      %dma_start3A_227 = arith.constant 0 : i32
      %dma_start3A_228 = tpu.memref_slice %arg4[%add3A_224, %dma_start3A_227] : memref<10000x128xf32, #tpu.memory_space<hbm>> -> memref<200x128xf32, #tpu.memory_space<hbm>>
      tpu.enqueue_dma source(%dma_start3A_228 : memref<200x128xf32, #tpu.memory_space<hbm>>) target(%arg8 : memref<200x128xf32, #tpu.memory_space<vmem>>) target_semaphore(%arg13 : memref<!tpu.dma_semaphore, #tpu.memory_space<semaphore_mem>>)
      %dma_wait3A_229 = arith.constant 0 : i32
      %dma_wait3A_230 = tpu.memref_slice %arg4[%add3A_184, %dma_wait3A_229] : memref<10000x128xf32, #tpu.memory_space<hbm>> -> memref<200x128xf32, #tpu.memory_space<hbm>>
      %dma_wait3A_231 = arith.constant 0 : i32
      %dma_wait3A_232 = tpu.memref_slice %arg4[%add3A_184, %dma_wait3A_231] : memref<10000x128xf32, #tpu.memory_space<hbm>> -> memref<200x128xf32, #tpu.memory_space<hbm>>
      tpu.wait_dma2 semaphore(%arg11 : memref<!tpu.dma_semaphore, #tpu.memory_space<semaphore_mem>>) src(%dma_wait3A_232 : memref<200x128xf32, #tpu.memory_space<hbm>>) dst(%arg6 : memref<200x128xf32, #tpu.memory_space<vmem>>)
      %add3A_233 = arith.constant 2000 : i32
      %add3A_234 = arith.addi %add3A_20, %add3A_233 : i32
      %dma_start3A_235 = arith.constant 0 : i32
      %dma_start3A_236 = tpu.memref_slice %arg5[%add3A_234, %dma_start3A_235] : memref<160000x128xf32, #tpu.memory_space<hbm>> -> memref<200x128xf32, #tpu.memory_space<hbm>>
      %dma_start3A_237 = arith.constant 0 : i32
      %dma_start3A_238 = tpu.memref_slice %arg5[%add3A_234, %dma_start3A_237] : memref<160000x128xf32, #tpu.memory_space<hbm>> -> memref<200x128xf32, #tpu.memory_space<hbm>>
      tpu.enqueue_dma source(%arg6 : memref<200x128xf32, #tpu.memory_space<vmem>>) target(%dma_start3A_238 : memref<200x128xf32, #tpu.memory_space<hbm>>) target_semaphore(%arg16 : memref<!tpu.dma_semaphore, #tpu.memory_space<semaphore_mem>>)
      %dma_wait3A_239 = arith.constant 0 : i32
      %dma_wait3A_240 = tpu.memref_slice %arg5[%add3A_194, %dma_wait3A_239] : memref<160000x128xf32, #tpu.memory_space<hbm>> -> memref<200x128xf32, #tpu.memory_space<hbm>>
      %dma_wait3A_241 = arith.constant 0 : i32
      %dma_wait3A_242 = tpu.memref_slice %arg5[%add3A_194, %dma_wait3A_241] : memref<160000x128xf32, #tpu.memory_space<hbm>> -> memref<200x128xf32, #tpu.memory_space<hbm>>
      tpu.wait_dma2 semaphore(%arg19 : memref<!tpu.dma_semaphore, #tpu.memory_space<semaphore_mem>>) src(%arg9 : memref<200x128xf32, #tpu.memory_space<vmem>>) dst(%dma_wait3A_242 : memref<200x128xf32, #tpu.memory_space<hbm>>)
      %add3A_243 = arith.constant 2600 : i32
      %add3A_244 = arith.addi %mul3A_18, %add3A_243 : i32
      %dma_start3A_245 = arith.constant 0 : i32
      %dma_start3A_246 = tpu.memref_slice %arg4[%add3A_244, %dma_start3A_245] : memref<10000x128xf32, #tpu.memory_space<hbm>> -> memref<200x128xf32, #tpu.memory_space<hbm>>
      %dma_start3A_247 = arith.constant 0 : i32
      %dma_start3A_248 = tpu.memref_slice %arg4[%add3A_244, %dma_start3A_247] : memref<10000x128xf32, #tpu.memory_space<hbm>> -> memref<200x128xf32, #tpu.memory_space<hbm>>
      tpu.enqueue_dma source(%dma_start3A_248 : memref<200x128xf32, #tpu.memory_space<hbm>>) target(%arg9 : memref<200x128xf32, #tpu.memory_space<vmem>>) target_semaphore(%arg14 : memref<!tpu.dma_semaphore, #tpu.memory_space<semaphore_mem>>)
      %dma_wait3A_249 = arith.constant 0 : i32
      %dma_wait3A_250 = tpu.memref_slice %arg4[%add3A_204, %dma_wait3A_249] : memref<10000x128xf32, #tpu.memory_space<hbm>> -> memref<200x128xf32, #tpu.memory_space<hbm>>
      %dma_wait3A_251 = arith.constant 0 : i32
      %dma_wait3A_252 = tpu.memref_slice %arg4[%add3A_204, %dma_wait3A_251] : memref<10000x128xf32, #tpu.memory_space<hbm>> -> memref<200x128xf32, #tpu.memory_space<hbm>>
      tpu.wait_dma2 semaphore(%arg12 : memref<!tpu.dma_semaphore, #tpu.memory_space<semaphore_mem>>) src(%dma_wait3A_252 : memref<200x128xf32, #tpu.memory_space<hbm>>) dst(%arg7 : memref<200x128xf32, #tpu.memory_space<vmem>>)
      %add3A_253 = arith.constant 2200 : i32
      %add3A_254 = arith.addi %add3A_20, %add3A_253 : i32
      %dma_start3A_255 = arith.constant 0 : i32
      %dma_start3A_256 = tpu.memref_slice %arg5[%add3A_254, %dma_start3A_255] : memref<160000x128xf32, #tpu.memory_space<hbm>> -> memref<200x128xf32, #tpu.memory_space<hbm>>
      %dma_start3A_257 = arith.constant 0 : i32
      %dma_start3A_258 = tpu.memref_slice %arg5[%add3A_254, %dma_start3A_257] : memref<160000x128xf32, #tpu.memory_space<hbm>> -> memref<200x128xf32, #tpu.memory_space<hbm>>
      tpu.enqueue_dma source(%arg7 : memref<200x128xf32, #tpu.memory_space<vmem>>) target(%dma_start3A_258 : memref<200x128xf32, #tpu.memory_space<hbm>>) target_semaphore(%arg17 : memref<!tpu.dma_semaphore, #tpu.memory_space<semaphore_mem>>)
      %dma_wait3A_259 = arith.constant 0 : i32
      %dma_wait3A_260 = tpu.memref_slice %arg5[%add3A_214, %dma_wait3A_259] : memref<160000x128xf32, #tpu.memory_space<hbm>> -> memref<200x128xf32, #tpu.memory_space<hbm>>
      %dma_wait3A_261 = arith.constant 0 : i32
      %dma_wait3A_262 = tpu.memref_slice %arg5[%add3A_214, %dma_wait3A_261] : memref<160000x128xf32, #tpu.memory_space<hbm>> -> memref<200x128xf32, #tpu.memory_space<hbm>>
      tpu.wait_dma2 semaphore(%arg20 : memref<!tpu.dma_semaphore, #tpu.memory_space<semaphore_mem>>) src(%arg10 : memref<200x128xf32, #tpu.memory_space<vmem>>) dst(%dma_wait3A_262 : memref<200x128xf32, #tpu.memory_space<hbm>>)
      %add3A_263 = arith.constant 2800 : i32
      %add3A_264 = arith.addi %mul3A_18, %add3A_263 : i32
      %dma_start3A_265 = arith.constant 0 : i32
      %dma_start3A_266 = tpu.memref_slice %arg4[%add3A_264, %dma_start3A_265] : memref<10000x128xf32, #tpu.memory_space<hbm>> -> memref<200x128xf32, #tpu.memory_space<hbm>>
      %dma_start3A_267 = arith.constant 0 : i32
      %dma_start3A_268 = tpu.memref_slice %arg4[%add3A_264, %dma_start3A_267] : memref<10000x128xf32, #tpu.memory_space<hbm>> -> memref<200x128xf32, #tpu.memory_space<hbm>>
      tpu.enqueue_dma source(%dma_start3A_268 : memref<200x128xf32, #tpu.memory_space<hbm>>) target(%arg10 : memref<200x128xf32, #tpu.memory_space<vmem>>) target_semaphore(%arg15 : memref<!tpu.dma_semaphore, #tpu.memory_space<semaphore_mem>>)
      %dma_wait3A_269 = arith.constant 0 : i32
      %dma_wait3A_270 = tpu.memref_slice %arg4[%add3A_224, %dma_wait3A_269] : memref<10000x128xf32, #tpu.memory_space<hbm>> -> memref<200x128xf32, #tpu.memory_space<hbm>>
      %dma_wait3A_271 = arith.constant 0 : i32
      %dma_wait3A_272 = tpu.memref_slice %arg4[%add3A_224, %dma_wait3A_271] : memref<10000x128xf32, #tpu.memory_space<hbm>> -> memref<200x128xf32, #tpu.memory_space<hbm>>
      tpu.wait_dma2 semaphore(%arg13 : memref<!tpu.dma_semaphore, #tpu.memory_space<semaphore_mem>>) src(%dma_wait3A_272 : memref<200x128xf32, #tpu.memory_space<hbm>>) dst(%arg8 : memref<200x128xf32, #tpu.memory_space<vmem>>)
      %add3A_273 = arith.constant 2400 : i32
      %add3A_274 = arith.addi %add3A_20, %add3A_273 : i32
      %dma_start3A_275 = arith.constant 0 : i32
      %dma_start3A_276 = tpu.memref_slice %arg5[%add3A_274, %dma_start3A_275] : memref<160000x128xf32, #tpu.memory_space<hbm>> -> memref<200x128xf32, #tpu.memory_space<hbm>>
      %dma_start3A_277 = arith.constant 0 : i32
      %dma_start3A_278 = tpu.memref_slice %arg5[%add3A_274, %dma_start3A_277] : memref<160000x128xf32, #tpu.memory_space<hbm>> -> memref<200x128xf32, #tpu.memory_space<hbm>>
      tpu.enqueue_dma source(%arg8 : memref<200x128xf32, #tpu.memory_space<vmem>>) target(%dma_start3A_278 : memref<200x128xf32, #tpu.memory_space<hbm>>) target_semaphore(%arg18 : memref<!tpu.dma_semaphore, #tpu.memory_space<semaphore_mem>>)
      %dma_wait3A_279 = arith.constant 0 : i32
      %dma_wait3A_280 = tpu.memref_slice %arg5[%add3A_234, %dma_wait3A_279] : memref<160000x128xf32, #tpu.memory_space<hbm>> -> memref<200x128xf32, #tpu.memory_space<hbm>>
      %dma_wait3A_281 = arith.constant 0 : i32
      %dma_wait3A_282 = tpu.memref_slice %arg5[%add3A_234, %dma_wait3A_281] : memref<160000x128xf32, #tpu.memory_space<hbm>> -> memref<200x128xf32, #tpu.memory_space<hbm>>
      tpu.wait_dma2 semaphore(%arg16 : memref<!tpu.dma_semaphore, #tpu.memory_space<semaphore_mem>>) src(%arg6 : memref<200x128xf32, #tpu.memory_space<vmem>>) dst(%dma_wait3A_282 : memref<200x128xf32, #tpu.memory_space<hbm>>)
      %add3A_283 = arith.constant 3000 : i32
      %add3A_284 = arith.addi %mul3A_18, %add3A_283 : i32
      %dma_start3A_285 = arith.constant 0 : i32
      %dma_start3A_286 = tpu.memref_slice %arg4[%add3A_284, %dma_start3A_285] : memref<10000x128xf32, #tpu.memory_space<hbm>> -> memref<200x128xf32, #tpu.memory_space<hbm>>
      %dma_start3A_287 = arith.constant 0 : i32
      %dma_start3A_288 = tpu.memref_slice %arg4[%add3A_284, %dma_start3A_287] : memref<10000x128xf32, #tpu.memory_space<hbm>> -> memref<200x128xf32, #tpu.memory_space<hbm>>
      tpu.enqueue_dma source(%dma_start3A_288 : memref<200x128xf32, #tpu.memory_space<hbm>>) target(%arg6 : memref<200x128xf32, #tpu.memory_space<vmem>>) target_semaphore(%arg11 : memref<!tpu.dma_semaphore, #tpu.memory_space<semaphore_mem>>)
      %dma_wait3A_289 = arith.constant 0 : i32
      %dma_wait3A_290 = tpu.memref_slice %arg4[%add3A_244, %dma_wait3A_289] : memref<10000x128xf32, #tpu.memory_space<hbm>> -> memref<200x128xf32, #tpu.memory_space<hbm>>
      %dma_wait3A_291 = arith.constant 0 : i32
      %dma_wait3A_292 = tpu.memref_slice %arg4[%add3A_244, %dma_wait3A_291] : memref<10000x128xf32, #tpu.memory_space<hbm>> -> memref<200x128xf32, #tpu.memory_space<hbm>>
      tpu.wait_dma2 semaphore(%arg14 : memref<!tpu.dma_semaphore, #tpu.memory_space<semaphore_mem>>) src(%dma_wait3A_292 : memref<200x128xf32, #tpu.memory_space<hbm>>) dst(%arg9 : memref<200x128xf32, #tpu.memory_space<vmem>>)
      %add3A_293 = arith.constant 2600 : i32
      %add3A_294 = arith.addi %add3A_20, %add3A_293 : i32
      %dma_start3A_295 = arith.constant 0 : i32
      %dma_start3A_296 = tpu.memref_slice %arg5[%add3A_294, %dma_start3A_295] : memref<160000x128xf32, #tpu.memory_space<hbm>> -> memref<200x128xf32, #tpu.memory_space<hbm>>
      %dma_start3A_297 = arith.constant 0 : i32
      %dma_start3A_298 = tpu.memref_slice %arg5[%add3A_294, %dma_start3A_297] : memref<160000x128xf32, #tpu.memory_space<hbm>> -> memref<200x128xf32, #tpu.memory_space<hbm>>
      tpu.enqueue_dma source(%arg9 : memref<200x128xf32, #tpu.memory_space<vmem>>) target(%dma_start3A_298 : memref<200x128xf32, #tpu.memory_space<hbm>>) target_semaphore(%arg19 : memref<!tpu.dma_semaphore, #tpu.memory_space<semaphore_mem>>)
      %dma_wait3A_299 = arith.constant 0 : i32
      %dma_wait3A_300 = tpu.memref_slice %arg5[%add3A_254, %dma_wait3A_299] : memref<160000x128xf32, #tpu.memory_space<hbm>> -> memref<200x128xf32, #tpu.memory_space<hbm>>
      %dma_wait3A_301 = arith.constant 0 : i32
      %dma_wait3A_302 = tpu.memref_slice %arg5[%add3A_254, %dma_wait3A_301] : memref<160000x128xf32, #tpu.memory_space<hbm>> -> memref<200x128xf32, #tpu.memory_space<hbm>>
      tpu.wait_dma2 semaphore(%arg17 : memref<!tpu.dma_semaphore, #tpu.memory_space<semaphore_mem>>) src(%arg7 : memref<200x128xf32, #tpu.memory_space<vmem>>) dst(%dma_wait3A_302 : memref<200x128xf32, #tpu.memory_space<hbm>>)
      %add3A_303 = arith.constant 3200 : i32
      %add3A_304 = arith.addi %mul3A_18, %add3A_303 : i32
      %dma_start3A_305 = arith.constant 0 : i32
      %dma_start3A_306 = tpu.memref_slice %arg4[%add3A_304, %dma_start3A_305] : memref<10000x128xf32, #tpu.memory_space<hbm>> -> memref<200x128xf32, #tpu.memory_space<hbm>>
      %dma_start3A_307 = arith.constant 0 : i32
      %dma_start3A_308 = tpu.memref_slice %arg4[%add3A_304, %dma_start3A_307] : memref<10000x128xf32, #tpu.memory_space<hbm>> -> memref<200x128xf32, #tpu.memory_space<hbm>>
      tpu.enqueue_dma source(%dma_start3A_308 : memref<200x128xf32, #tpu.memory_space<hbm>>) target(%arg7 : memref<200x128xf32, #tpu.memory_space<vmem>>) target_semaphore(%arg12 : memref<!tpu.dma_semaphore, #tpu.memory_space<semaphore_mem>>)
      %dma_wait3A_309 = arith.constant 0 : i32
      %dma_wait3A_310 = tpu.memref_slice %arg4[%add3A_264, %dma_wait3A_309] : memref<10000x128xf32, #tpu.memory_space<hbm>> -> memref<200x128xf32, #tpu.memory_space<hbm>>
      %dma_wait3A_311 = arith.constant 0 : i32
      %dma_wait3A_312 = tpu.memref_slice %arg4[%add3A_264, %dma_wait3A_311] : memref<10000x128xf32, #tpu.memory_space<hbm>> -> memref<200x128xf32, #tpu.memory_space<hbm>>
      tpu.wait_dma2 semaphore(%arg15 : memref<!tpu.dma_semaphore, #tpu.memory_space<semaphore_mem>>) src(%dma_wait3A_312 : memref<200x128xf32, #tpu.memory_space<hbm>>) dst(%arg10 : memref<200x128xf32, #tpu.memory_space<vmem>>)
      %add3A_313 = arith.constant 2800 : i32
      %add3A_314 = arith.addi %add3A_20, %add3A_313 : i32
      %dma_start3A_315 = arith.constant 0 : i32
      %dma_start3A_316 = tpu.memref_slice %arg5[%add3A_314, %dma_start3A_315] : memref<160000x128xf32, #tpu.memory_space<hbm>> -> memref<200x128xf32, #tpu.memory_space<hbm>>
      %dma_start3A_317 = arith.constant 0 : i32
      %dma_start3A_318 = tpu.memref_slice %arg5[%add3A_314, %dma_start3A_317] : memref<160000x128xf32, #tpu.memory_space<hbm>> -> memref<200x128xf32, #tpu.memory_space<hbm>>
      tpu.enqueue_dma source(%arg10 : memref<200x128xf32, #tpu.memory_space<vmem>>) target(%dma_start3A_318 : memref<200x128xf32, #tpu.memory_space<hbm>>) target_semaphore(%arg20 : memref<!tpu.dma_semaphore, #tpu.memory_space<semaphore_mem>>)
      %dma_wait3A_319 = arith.constant 0 : i32
      %dma_wait3A_320 = tpu.memref_slice %arg5[%add3A_274, %dma_wait3A_319] : memref<160000x128xf32, #tpu.memory_space<hbm>> -> memref<200x128xf32, #tpu.memory_space<hbm>>
      %dma_wait3A_321 = arith.constant 0 : i32
      %dma_wait3A_322 = tpu.memref_slice %arg5[%add3A_274, %dma_wait3A_321] : memref<160000x128xf32, #tpu.memory_space<hbm>> -> memref<200x128xf32, #tpu.memory_space<hbm>>
      tpu.wait_dma2 semaphore(%arg18 : memref<!tpu.dma_semaphore, #tpu.memory_space<semaphore_mem>>) src(%arg8 : memref<200x128xf32, #tpu.memory_space<vmem>>) dst(%dma_wait3A_322 : memref<200x128xf32, #tpu.memory_space<hbm>>)
      %add3A_323 = arith.constant 3400 : i32
      %add3A_324 = arith.addi %mul3A_18, %add3A_323 : i32
      %dma_start3A_325 = arith.constant 0 : i32
      %dma_start3A_326 = tpu.memref_slice %arg4[%add3A_324, %dma_start3A_325] : memref<10000x128xf32, #tpu.memory_space<hbm>> -> memref<200x128xf32, #tpu.memory_space<hbm>>
      %dma_start3A_327 = arith.constant 0 : i32
      %dma_start3A_328 = tpu.memref_slice %arg4[%add3A_324, %dma_start3A_327] : memref<10000x128xf32, #tpu.memory_space<hbm>> -> memref<200x128xf32, #tpu.memory_space<hbm>>
      tpu.enqueue_dma source(%dma_start3A_328 : memref<200x128xf32, #tpu.memory_space<hbm>>) target(%arg8 : memref<200x128xf32, #tpu.memory_space<vmem>>) target_semaphore(%arg13 : memref<!tpu.dma_semaphore, #tpu.memory_space<semaphore_mem>>)
      %dma_wait3A_329 = arith.constant 0 : i32
      %dma_wait3A_330 = tpu.memref_slice %arg4[%add3A_284, %dma_wait3A_329] : memref<10000x128xf32, #tpu.memory_space<hbm>> -> memref<200x128xf32, #tpu.memory_space<hbm>>
      %dma_wait3A_331 = arith.constant 0 : i32
      %dma_wait3A_332 = tpu.memref_slice %arg4[%add3A_284, %dma_wait3A_331] : memref<10000x128xf32, #tpu.memory_space<hbm>> -> memref<200x128xf32, #tpu.memory_space<hbm>>
      tpu.wait_dma2 semaphore(%arg11 : memref<!tpu.dma_semaphore, #tpu.memory_space<semaphore_mem>>) src(%dma_wait3A_332 : memref<200x128xf32, #tpu.memory_space<hbm>>) dst(%arg6 : memref<200x128xf32, #tpu.memory_space<vmem>>)
      %add3A_333 = arith.constant 3000 : i32
      %add3A_334 = arith.addi %add3A_20, %add3A_333 : i32
      %dma_start3A_335 = arith.constant 0 : i32
      %dma_start3A_336 = tpu.memref_slice %arg5[%add3A_334, %dma_start3A_335] : memref<160000x128xf32, #tpu.memory_space<hbm>> -> memref<200x128xf32, #tpu.memory_space<hbm>>
      %dma_start3A_337 = arith.constant 0 : i32
      %dma_start3A_338 = tpu.memref_slice %arg5[%add3A_334, %dma_start3A_337] : memref<160000x128xf32, #tpu.memory_space<hbm>> -> memref<200x128xf32, #tpu.memory_space<hbm>>
      tpu.enqueue_dma source(%arg6 : memref<200x128xf32, #tpu.memory_space<vmem>>) target(%dma_start3A_338 : memref<200x128xf32, #tpu.memory_space<hbm>>) target_semaphore(%arg16 : memref<!tpu.dma_semaphore, #tpu.memory_space<semaphore_mem>>)
      %dma_wait3A_339 = arith.constant 0 : i32
      %dma_wait3A_340 = tpu.memref_slice %arg5[%add3A_294, %dma_wait3A_339] : memref<160000x128xf32, #tpu.memory_space<hbm>> -> memref<200x128xf32, #tpu.memory_space<hbm>>
      %dma_wait3A_341 = arith.constant 0 : i32
      %dma_wait3A_342 = tpu.memref_slice %arg5[%add3A_294, %dma_wait3A_341] : memref<160000x128xf32, #tpu.memory_space<hbm>> -> memref<200x128xf32, #tpu.memory_space<hbm>>
      tpu.wait_dma2 semaphore(%arg19 : memref<!tpu.dma_semaphore, #tpu.memory_space<semaphore_mem>>) src(%arg9 : memref<200x128xf32, #tpu.memory_space<vmem>>) dst(%dma_wait3A_342 : memref<200x128xf32, #tpu.memory_space<hbm>>)
      %add3A_343 = arith.constant 3600 : i32
      %add3A_344 = arith.addi %mul3A_18, %add3A_343 : i32
      %dma_start3A_345 = arith.constant 0 : i32
      %dma_start3A_346 = tpu.memref_slice %arg4[%add3A_344, %dma_start3A_345] : memref<10000x128xf32, #tpu.memory_space<hbm>> -> memref<200x128xf32, #tpu.memory_space<hbm>>
      %dma_start3A_347 = arith.constant 0 : i32
      %dma_start3A_348 = tpu.memref_slice %arg4[%add3A_344, %dma_start3A_347] : memref<10000x128xf32, #tpu.memory_space<hbm>> -> memref<200x128xf32, #tpu.memory_space<hbm>>
      tpu.enqueue_dma source(%dma_start3A_348 : memref<200x128xf32, #tpu.memory_space<hbm>>) target(%arg9 : memref<200x128xf32, #tpu.memory_space<vmem>>) target_semaphore(%arg14 : memref<!tpu.dma_semaphore, #tpu.memory_space<semaphore_mem>>)
      %dma_wait3A_349 = arith.constant 0 : i32
      %dma_wait3A_350 = tpu.memref_slice %arg4[%add3A_304, %dma_wait3A_349] : memref<10000x128xf32, #tpu.memory_space<hbm>> -> memref<200x128xf32, #tpu.memory_space<hbm>>
      %dma_wait3A_351 = arith.constant 0 : i32
      %dma_wait3A_352 = tpu.memref_slice %arg4[%add3A_304, %dma_wait3A_351] : memref<10000x128xf32, #tpu.memory_space<hbm>> -> memref<200x128xf32, #tpu.memory_space<hbm>>
      tpu.wait_dma2 semaphore(%arg12 : memref<!tpu.dma_semaphore, #tpu.memory_space<semaphore_mem>>) src(%dma_wait3A_352 : memref<200x128xf32, #tpu.memory_space<hbm>>) dst(%arg7 : memref<200x128xf32, #tpu.memory_space<vmem>>)
      %add3A_353 = arith.constant 3200 : i32
      %add3A_354 = arith.addi %add3A_20, %add3A_353 : i32
      %dma_start3A_355 = arith.constant 0 : i32
      %dma_start3A_356 = tpu.memref_slice %arg5[%add3A_354, %dma_start3A_355] : memref<160000x128xf32, #tpu.memory_space<hbm>> -> memref<200x128xf32, #tpu.memory_space<hbm>>
      %dma_start3A_357 = arith.constant 0 : i32
      %dma_start3A_358 = tpu.memref_slice %arg5[%add3A_354, %dma_start3A_357] : memref<160000x128xf32, #tpu.memory_space<hbm>> -> memref<200x128xf32, #tpu.memory_space<hbm>>
      tpu.enqueue_dma source(%arg7 : memref<200x128xf32, #tpu.memory_space<vmem>>) target(%dma_start3A_358 : memref<200x128xf32, #tpu.memory_space<hbm>>) target_semaphore(%arg17 : memref<!tpu.dma_semaphore, #tpu.memory_space<semaphore_mem>>)
      %dma_wait3A_359 = arith.constant 0 : i32
      %dma_wait3A_360 = tpu.memref_slice %arg5[%add3A_314, %dma_wait3A_359] : memref<160000x128xf32, #tpu.memory_space<hbm>> -> memref<200x128xf32, #tpu.memory_space<hbm>>
      %dma_wait3A_361 = arith.constant 0 : i32
      %dma_wait3A_362 = tpu.memref_slice %arg5[%add3A_314, %dma_wait3A_361] : memref<160000x128xf32, #tpu.memory_space<hbm>> -> memref<200x128xf32, #tpu.memory_space<hbm>>
      tpu.wait_dma2 semaphore(%arg20 : memref<!tpu.dma_semaphore, #tpu.memory_space<semaphore_mem>>) src(%arg10 : memref<200x128xf32, #tpu.memory_space<vmem>>) dst(%dma_wait3A_362 : memref<200x128xf32, #tpu.memory_space<hbm>>)
      %add3A_363 = arith.constant 3800 : i32
      %add3A_364 = arith.addi %mul3A_18, %add3A_363 : i32
      %dma_start3A_365 = arith.constant 0 : i32
      %dma_start3A_366 = tpu.memref_slice %arg4[%add3A_364, %dma_start3A_365] : memref<10000x128xf32, #tpu.memory_space<hbm>> -> memref<200x128xf32, #tpu.memory_space<hbm>>
      %dma_start3A_367 = arith.constant 0 : i32
      %dma_start3A_368 = tpu.memref_slice %arg4[%add3A_364, %dma_start3A_367] : memref<10000x128xf32, #tpu.memory_space<hbm>> -> memref<200x128xf32, #tpu.memory_space<hbm>>
      tpu.enqueue_dma source(%dma_start3A_368 : memref<200x128xf32, #tpu.memory_space<hbm>>) target(%arg10 : memref<200x128xf32, #tpu.memory_space<vmem>>) target_semaphore(%arg15 : memref<!tpu.dma_semaphore, #tpu.memory_space<semaphore_mem>>)
      %dma_wait3A_369 = arith.constant 0 : i32
      %dma_wait3A_370 = tpu.memref_slice %arg4[%add3A_324, %dma_wait3A_369] : memref<10000x128xf32, #tpu.memory_space<hbm>> -> memref<200x128xf32, #tpu.memory_space<hbm>>
      %dma_wait3A_371 = arith.constant 0 : i32
      %dma_wait3A_372 = tpu.memref_slice %arg4[%add3A_324, %dma_wait3A_371] : memref<10000x128xf32, #tpu.memory_space<hbm>> -> memref<200x128xf32, #tpu.memory_space<hbm>>
      tpu.wait_dma2 semaphore(%arg13 : memref<!tpu.dma_semaphore, #tpu.memory_space<semaphore_mem>>) src(%dma_wait3A_372 : memref<200x128xf32, #tpu.memory_space<hbm>>) dst(%arg8 : memref<200x128xf32, #tpu.memory_space<vmem>>)
      %add3A_373 = arith.constant 3400 : i32
      %add3A_374 = arith.addi %add3A_20, %add3A_373 : i32
      %dma_start3A_375 = arith.constant 0 : i32
      %dma_start3A_376 = tpu.memref_slice %arg5[%add3A_374, %dma_start3A_375] : memref<160000x128xf32, #tpu.memory_space<hbm>> -> memref<200x128xf32, #tpu.memory_space<hbm>>
      %dma_start3A_377 = arith.constant 0 : i32
      %dma_start3A_378 = tpu.memref_slice %arg5[%add3A_374, %dma_start3A_377] : memref<160000x128xf32, #tpu.memory_space<hbm>> -> memref<200x128xf32, #tpu.memory_space<hbm>>
      tpu.enqueue_dma source(%arg8 : memref<200x128xf32, #tpu.memory_space<vmem>>) target(%dma_start3A_378 : memref<200x128xf32, #tpu.memory_space<hbm>>) target_semaphore(%arg18 : memref<!tpu.dma_semaphore, #tpu.memory_space<semaphore_mem>>)
      %dma_wait3A_379 = arith.constant 0 : i32
      %dma_wait3A_380 = tpu.memref_slice %arg5[%add3A_334, %dma_wait3A_379] : memref<160000x128xf32, #tpu.memory_space<hbm>> -> memref<200x128xf32, #tpu.memory_space<hbm>>
      %dma_wait3A_381 = arith.constant 0 : i32
      %dma_wait3A_382 = tpu.memref_slice %arg5[%add3A_334, %dma_wait3A_381] : memref<160000x128xf32, #tpu.memory_space<hbm>> -> memref<200x128xf32, #tpu.memory_space<hbm>>
      tpu.wait_dma2 semaphore(%arg16 : memref<!tpu.dma_semaphore, #tpu.memory_space<semaphore_mem>>) src(%arg6 : memref<200x128xf32, #tpu.memory_space<vmem>>) dst(%dma_wait3A_382 : memref<200x128xf32, #tpu.memory_space<hbm>>)
      %add3A_383 = arith.constant 4000 : i32
      %add3A_384 = arith.addi %mul3A_18, %add3A_383 : i32
      %dma_start3A_385 = arith.constant 0 : i32
      %dma_start3A_386 = tpu.memref_slice %arg4[%add3A_384, %dma_start3A_385] : memref<10000x128xf32, #tpu.memory_space<hbm>> -> memref<200x128xf32, #tpu.memory_space<hbm>>
      %dma_start3A_387 = arith.constant 0 : i32
      %dma_start3A_388 = tpu.memref_slice %arg4[%add3A_384, %dma_start3A_387] : memref<10000x128xf32, #tpu.memory_space<hbm>> -> memref<200x128xf32, #tpu.memory_space<hbm>>
      tpu.enqueue_dma source(%dma_start3A_388 : memref<200x128xf32, #tpu.memory_space<hbm>>) target(%arg6 : memref<200x128xf32, #tpu.memory_space<vmem>>) target_semaphore(%arg11 : memref<!tpu.dma_semaphore, #tpu.memory_space<semaphore_mem>>)
      %dma_wait3A_389 = arith.constant 0 : i32
      %dma_wait3A_390 = tpu.memref_slice %arg4[%add3A_344, %dma_wait3A_389] : memref<10000x128xf32, #tpu.memory_space<hbm>> -> memref<200x128xf32, #tpu.memory_space<hbm>>
      %dma_wait3A_391 = arith.constant 0 : i32
      %dma_wait3A_392 = tpu.memref_slice %arg4[%add3A_344, %dma_wait3A_391] : memref<10000x128xf32, #tpu.memory_space<hbm>> -> memref<200x128xf32, #tpu.memory_space<hbm>>
      tpu.wait_dma2 semaphore(%arg14 : memref<!tpu.dma_semaphore, #tpu.memory_space<semaphore_mem>>) src(%dma_wait3A_392 : memref<200x128xf32, #tpu.memory_space<hbm>>) dst(%arg9 : memref<200x128xf32, #tpu.memory_space<vmem>>)
      %add3A_393 = arith.constant 3600 : i32
      %add3A_394 = arith.addi %add3A_20, %add3A_393 : i32
      %dma_start3A_395 = arith.constant 0 : i32
      %dma_start3A_396 = tpu.memref_slice %arg5[%add3A_394, %dma_start3A_395] : memref<160000x128xf32, #tpu.memory_space<hbm>> -> memref<200x128xf32, #tpu.memory_space<hbm>>
      %dma_start3A_397 = arith.constant 0 : i32
      %dma_start3A_398 = tpu.memref_slice %arg5[%add3A_394, %dma_start3A_397] : memref<160000x128xf32, #tpu.memory_space<hbm>> -> memref<200x128xf32, #tpu.memory_space<hbm>>
      tpu.enqueue_dma source(%arg9 : memref<200x128xf32, #tpu.memory_space<vmem>>) target(%dma_start3A_398 : memref<200x128xf32, #tpu.memory_space<hbm>>) target_semaphore(%arg19 : memref<!tpu.dma_semaphore, #tpu.memory_space<semaphore_mem>>)
      %dma_wait3A_399 = arith.constant 0 : i32
      %dma_wait3A_400 = tpu.memref_slice %arg5[%add3A_354, %dma_wait3A_399] : memref<160000x128xf32, #tpu.memory_space<hbm>> -> memref<200x128xf32, #tpu.memory_space<hbm>>
      %dma_wait3A_401 = arith.constant 0 : i32
      %dma_wait3A_402 = tpu.memref_slice %arg5[%add3A_354, %dma_wait3A_401] : memref<160000x128xf32, #tpu.memory_space<hbm>> -> memref<200x128xf32, #tpu.memory_space<hbm>>
      tpu.wait_dma2 semaphore(%arg17 : memref<!tpu.dma_semaphore, #tpu.memory_space<semaphore_mem>>) src(%arg7 : memref<200x128xf32, #tpu.memory_space<vmem>>) dst(%dma_wait3A_402 : memref<200x128xf32, #tpu.memory_space<hbm>>)
      %add3A_403 = arith.constant 4200 : i32
      %add3A_404 = arith.addi %mul3A_18, %add3A_403 : i32
      %dma_start3A_405 = arith.constant 0 : i32
      %dma_start3A_406 = tpu.memref_slice %arg4[%add3A_404, %dma_start3A_405] : memref<10000x128xf32, #tpu.memory_space<hbm>> -> memref<200x128xf32, #tpu.memory_space<hbm>>
      %dma_start3A_407 = arith.constant 0 : i32
      %dma_start3A_408 = tpu.memref_slice %arg4[%add3A_404, %dma_start3A_407] : memref<10000x128xf32, #tpu.memory_space<hbm>> -> memref<200x128xf32, #tpu.memory_space<hbm>>
      tpu.enqueue_dma source(%dma_start3A_408 : memref<200x128xf32, #tpu.memory_space<hbm>>) target(%arg7 : memref<200x128xf32, #tpu.memory_space<vmem>>) target_semaphore(%arg12 : memref<!tpu.dma_semaphore, #tpu.memory_space<semaphore_mem>>)
      %dma_wait3A_409 = arith.constant 0 : i32
      %dma_wait3A_410 = tpu.memref_slice %arg4[%add3A_364, %dma_wait3A_409] : memref<10000x128xf32, #tpu.memory_space<hbm>> -> memref<200x128xf32, #tpu.memory_space<hbm>>
      %dma_wait3A_411 = arith.constant 0 : i32
      %dma_wait3A_412 = tpu.memref_slice %arg4[%add3A_364, %dma_wait3A_411] : memref<10000x128xf32, #tpu.memory_space<hbm>> -> memref<200x128xf32, #tpu.memory_space<hbm>>
      tpu.wait_dma2 semaphore(%arg15 : memref<!tpu.dma_semaphore, #tpu.memory_space<semaphore_mem>>) src(%dma_wait3A_412 : memref<200x128xf32, #tpu.memory_space<hbm>>) dst(%arg10 : memref<200x128xf32, #tpu.memory_space<vmem>>)
      %add3A_413 = arith.constant 3800 : i32
      %add3A_414 = arith.addi %add3A_20, %add3A_413 : i32
      %dma_start3A_415 = arith.constant 0 : i32
      %dma_start3A_416 = tpu.memref_slice %arg5[%add3A_414, %dma_start3A_415] : memref<160000x128xf32, #tpu.memory_space<hbm>> -> memref<200x128xf32, #tpu.memory_space<hbm>>
      %dma_start3A_417 = arith.constant 0 : i32
      %dma_start3A_418 = tpu.memref_slice %arg5[%add3A_414, %dma_start3A_417] : memref<160000x128xf32, #tpu.memory_space<hbm>> -> memref<200x128xf32, #tpu.memory_space<hbm>>
      tpu.enqueue_dma source(%arg10 : memref<200x128xf32, #tpu.memory_space<vmem>>) target(%dma_start3A_418 : memref<200x128xf32, #tpu.memory_space<hbm>>) target_semaphore(%arg20 : memref<!tpu.dma_semaphore, #tpu.memory_space<semaphore_mem>>)
      %dma_wait3A_419 = arith.constant 0 : i32
      %dma_wait3A_420 = tpu.memref_slice %arg5[%add3A_374, %dma_wait3A_419] : memref<160000x128xf32, #tpu.memory_space<hbm>> -> memref<200x128xf32, #tpu.memory_space<hbm>>
      %dma_wait3A_421 = arith.constant 0 : i32
      %dma_wait3A_422 = tpu.memref_slice %arg5[%add3A_374, %dma_wait3A_421] : memref<160000x128xf32, #tpu.memory_space<hbm>> -> memref<200x128xf32, #tpu.memory_space<hbm>>
      tpu.wait_dma2 semaphore(%arg18 : memref<!tpu.dma_semaphore, #tpu.memory_space<semaphore_mem>>) src(%arg8 : memref<200x128xf32, #tpu.memory_space<vmem>>) dst(%dma_wait3A_422 : memref<200x128xf32, #tpu.memory_space<hbm>>)
      %add3A_423 = arith.constant 4400 : i32
      %add3A_424 = arith.addi %mul3A_18, %add3A_423 : i32
      %dma_start3A_425 = arith.constant 0 : i32
      %dma_start3A_426 = tpu.memref_slice %arg4[%add3A_424, %dma_start3A_425] : memref<10000x128xf32, #tpu.memory_space<hbm>> -> memref<200x128xf32, #tpu.memory_space<hbm>>
      %dma_start3A_427 = arith.constant 0 : i32
      %dma_start3A_428 = tpu.memref_slice %arg4[%add3A_424, %dma_start3A_427] : memref<10000x128xf32, #tpu.memory_space<hbm>> -> memref<200x128xf32, #tpu.memory_space<hbm>>
      tpu.enqueue_dma source(%dma_start3A_428 : memref<200x128xf32, #tpu.memory_space<hbm>>) target(%arg8 : memref<200x128xf32, #tpu.memory_space<vmem>>) target_semaphore(%arg13 : memref<!tpu.dma_semaphore, #tpu.memory_space<semaphore_mem>>)
      %dma_wait3A_429 = arith.constant 0 : i32
      %dma_wait3A_430 = tpu.memref_slice %arg4[%add3A_384, %dma_wait3A_429] : memref<10000x128xf32, #tpu.memory_space<hbm>> -> memref<200x128xf32, #tpu.memory_space<hbm>>
      %dma_wait3A_431 = arith.constant 0 : i32
      %dma_wait3A_432 = tpu.memref_slice %arg4[%add3A_384, %dma_wait3A_431] : memref<10000x128xf32, #tpu.memory_space<hbm>> -> memref<200x128xf32, #tpu.memory_space<hbm>>
      tpu.wait_dma2 semaphore(%arg11 : memref<!tpu.dma_semaphore, #tpu.memory_space<semaphore_mem>>) src(%dma_wait3A_432 : memref<200x128xf32, #tpu.memory_space<hbm>>) dst(%arg6 : memref<200x128xf32, #tpu.memory_space<vmem>>)
      %add3A_433 = arith.constant 4000 : i32
      %add3A_434 = arith.addi %add3A_20, %add3A_433 : i32
      %dma_start3A_435 = arith.constant 0 : i32
      %dma_start3A_436 = tpu.memref_slice %arg5[%add3A_434, %dma_start3A_435] : memref<160000x128xf32, #tpu.memory_space<hbm>> -> memref<200x128xf32, #tpu.memory_space<hbm>>
      %dma_start3A_437 = arith.constant 0 : i32
      %dma_start3A_438 = tpu.memref_slice %arg5[%add3A_434, %dma_start3A_437] : memref<160000x128xf32, #tpu.memory_space<hbm>> -> memref<200x128xf32, #tpu.memory_space<hbm>>
      tpu.enqueue_dma source(%arg6 : memref<200x128xf32, #tpu.memory_space<vmem>>) target(%dma_start3A_438 : memref<200x128xf32, #tpu.memory_space<hbm>>) target_semaphore(%arg16 : memref<!tpu.dma_semaphore, #tpu.memory_space<semaphore_mem>>)
      %dma_wait3A_439 = arith.constant 0 : i32
      %dma_wait3A_440 = tpu.memref_slice %arg5[%add3A_394, %dma_wait3A_439] : memref<160000x128xf32, #tpu.memory_space<hbm>> -> memref<200x128xf32, #tpu.memory_space<hbm>>
      %dma_wait3A_441 = arith.constant 0 : i32
      %dma_wait3A_442 = tpu.memref_slice %arg5[%add3A_394, %dma_wait3A_441] : memref<160000x128xf32, #tpu.memory_space<hbm>> -> memref<200x128xf32, #tpu.memory_space<hbm>>
      tpu.wait_dma2 semaphore(%arg19 : memref<!tpu.dma_semaphore, #tpu.memory_space<semaphore_mem>>) src(%arg9 : memref<200x128xf32, #tpu.memory_space<vmem>>) dst(%dma_wait3A_442 : memref<200x128xf32, #tpu.memory_space<hbm>>)
      %add3A_443 = arith.constant 4600 : i32
      %add3A_444 = arith.addi %mul3A_18, %add3A_443 : i32
      %dma_start3A_445 = arith.constant 0 : i32
      %dma_start3A_446 = tpu.memref_slice %arg4[%add3A_444, %dma_start3A_445] : memref<10000x128xf32, #tpu.memory_space<hbm>> -> memref<200x128xf32, #tpu.memory_space<hbm>>
      %dma_start3A_447 = arith.constant 0 : i32
      %dma_start3A_448 = tpu.memref_slice %arg4[%add3A_444, %dma_start3A_447] : memref<10000x128xf32, #tpu.memory_space<hbm>> -> memref<200x128xf32, #tpu.memory_space<hbm>>
      tpu.enqueue_dma source(%dma_start3A_448 : memref<200x128xf32, #tpu.memory_space<hbm>>) target(%arg9 : memref<200x128xf32, #tpu.memory_space<vmem>>) target_semaphore(%arg14 : memref<!tpu.dma_semaphore, #tpu.memory_space<semaphore_mem>>)
      %dma_wait3A_449 = arith.constant 0 : i32
      %dma_wait3A_450 = tpu.memref_slice %arg4[%add3A_404, %dma_wait3A_449] : memref<10000x128xf32, #tpu.memory_space<hbm>> -> memref<200x128xf32, #tpu.memory_space<hbm>>
      %dma_wait3A_451 = arith.constant 0 : i32
      %dma_wait3A_452 = tpu.memref_slice %arg4[%add3A_404, %dma_wait3A_451] : memref<10000x128xf32, #tpu.memory_space<hbm>> -> memref<200x128xf32, #tpu.memory_space<hbm>>
      tpu.wait_dma2 semaphore(%arg12 : memref<!tpu.dma_semaphore, #tpu.memory_space<semaphore_mem>>) src(%dma_wait3A_452 : memref<200x128xf32, #tpu.memory_space<hbm>>) dst(%arg7 : memref<200x128xf32, #tpu.memory_space<vmem>>)
      %add3A_453 = arith.constant 4200 : i32
      %add3A_454 = arith.addi %add3A_20, %add3A_453 : i32
      %dma_start3A_455 = arith.constant 0 : i32
      %dma_start3A_456 = tpu.memref_slice %arg5[%add3A_454, %dma_start3A_455] : memref<160000x128xf32, #tpu.memory_space<hbm>> -> memref<200x128xf32, #tpu.memory_space<hbm>>
      %dma_start3A_457 = arith.constant 0 : i32
      %dma_start3A_458 = tpu.memref_slice %arg5[%add3A_454, %dma_start3A_457] : memref<160000x128xf32, #tpu.memory_space<hbm>> -> memref<200x128xf32, #tpu.memory_space<hbm>>
      tpu.enqueue_dma source(%arg7 : memref<200x128xf32, #tpu.memory_space<vmem>>) target(%dma_start3A_458 : memref<200x128xf32, #tpu.memory_space<hbm>>) target_semaphore(%arg17 : memref<!tpu.dma_semaphore, #tpu.memory_space<semaphore_mem>>)
      %dma_wait3A_459 = arith.constant 0 : i32
      %dma_wait3A_460 = tpu.memref_slice %arg5[%add3A_414, %dma_wait3A_459] : memref<160000x128xf32, #tpu.memory_space<hbm>> -> memref<200x128xf32, #tpu.memory_space<hbm>>
      %dma_wait3A_461 = arith.constant 0 : i32
      %dma_wait3A_462 = tpu.memref_slice %arg5[%add3A_414, %dma_wait3A_461] : memref<160000x128xf32, #tpu.memory_space<hbm>> -> memref<200x128xf32, #tpu.memory_space<hbm>>
      tpu.wait_dma2 semaphore(%arg20 : memref<!tpu.dma_semaphore, #tpu.memory_space<semaphore_mem>>) src(%arg10 : memref<200x128xf32, #tpu.memory_space<vmem>>) dst(%dma_wait3A_462 : memref<200x128xf32, #tpu.memory_space<hbm>>)
      %add3A_463 = arith.constant 4800 : i32
      %add3A_464 = arith.addi %mul3A_18, %add3A_463 : i32
      %dma_start3A_465 = arith.constant 0 : i32
      %dma_start3A_466 = tpu.memref_slice %arg4[%add3A_464, %dma_start3A_465] : memref<10000x128xf32, #tpu.memory_space<hbm>> -> memref<200x128xf32, #tpu.memory_space<hbm>>
      %dma_start3A_467 = arith.constant 0 : i32
      %dma_start3A_468 = tpu.memref_slice %arg4[%add3A_464, %dma_start3A_467] : memref<10000x128xf32, #tpu.memory_space<hbm>> -> memref<200x128xf32, #tpu.memory_space<hbm>>
      tpu.enqueue_dma source(%dma_start3A_468 : memref<200x128xf32, #tpu.memory_space<hbm>>) target(%arg10 : memref<200x128xf32, #tpu.memory_space<vmem>>) target_semaphore(%arg15 : memref<!tpu.dma_semaphore, #tpu.memory_space<semaphore_mem>>)
      %dma_wait3A_469 = arith.constant 0 : i32
      %dma_wait3A_470 = tpu.memref_slice %arg4[%add3A_424, %dma_wait3A_469] : memref<10000x128xf32, #tpu.memory_space<hbm>> -> memref<200x128xf32, #tpu.memory_space<hbm>>
      %dma_wait3A_471 = arith.constant 0 : i32
      %dma_wait3A_472 = tpu.memref_slice %arg4[%add3A_424, %dma_wait3A_471] : memref<10000x128xf32, #tpu.memory_space<hbm>> -> memref<200x128xf32, #tpu.memory_space<hbm>>
      tpu.wait_dma2 semaphore(%arg13 : memref<!tpu.dma_semaphore, #tpu.memory_space<semaphore_mem>>) src(%dma_wait3A_472 : memref<200x128xf32, #tpu.memory_space<hbm>>) dst(%arg8 : memref<200x128xf32, #tpu.memory_space<vmem>>)
      %add3A_473 = arith.constant 4400 : i32
      %add3A_474 = arith.addi %add3A_20, %add3A_473 : i32
      %dma_start3A_475 = arith.constant 0 : i32
      %dma_start3A_476 = tpu.memref_slice %arg5[%add3A_474, %dma_start3A_475] : memref<160000x128xf32, #tpu.memory_space<hbm>> -> memref<200x128xf32, #tpu.memory_space<hbm>>
      %dma_start3A_477 = arith.constant 0 : i32
      %dma_start3A_478 = tpu.memref_slice %arg5[%add3A_474, %dma_start3A_477] : memref<160000x128xf32, #tpu.memory_space<hbm>> -> memref<200x128xf32, #tpu.memory_space<hbm>>
      tpu.enqueue_dma source(%arg8 : memref<200x128xf32, #tpu.memory_space<vmem>>) target(%dma_start3A_478 : memref<200x128xf32, #tpu.memory_space<hbm>>) target_semaphore(%arg18 : memref<!tpu.dma_semaphore, #tpu.memory_space<semaphore_mem>>)
      %dma_wait3A_479 = arith.constant 0 : i32
      %dma_wait3A_480 = tpu.memref_slice %arg4[%add3A_444, %dma_wait3A_479] : memref<10000x128xf32, #tpu.memory_space<hbm>> -> memref<200x128xf32, #tpu.memory_space<hbm>>
      %dma_wait3A_481 = arith.constant 0 : i32
      %dma_wait3A_482 = tpu.memref_slice %arg4[%add3A_444, %dma_wait3A_481] : memref<10000x128xf32, #tpu.memory_space<hbm>> -> memref<200x128xf32, #tpu.memory_space<hbm>>
      tpu.wait_dma2 semaphore(%arg14 : memref<!tpu.dma_semaphore, #tpu.memory_space<semaphore_mem>>) src(%dma_wait3A_482 : memref<200x128xf32, #tpu.memory_space<hbm>>) dst(%arg9 : memref<200x128xf32, #tpu.memory_space<vmem>>)
      %add3A_483 = arith.constant 4600 : i32
      %add3A_484 = arith.addi %add3A_20, %add3A_483 : i32
      %dma_start3A_485 = arith.constant 0 : i32
      %dma_start3A_486 = tpu.memref_slice %arg5[%add3A_484, %dma_start3A_485] : memref<160000x128xf32, #tpu.memory_space<hbm>> -> memref<200x128xf32, #tpu.memory_space<hbm>>
      %dma_start3A_487 = arith.constant 0 : i32
      %dma_start3A_488 = tpu.memref_slice %arg5[%add3A_484, %dma_start3A_487] : memref<160000x128xf32, #tpu.memory_space<hbm>> -> memref<200x128xf32, #tpu.memory_space<hbm>>
      tpu.enqueue_dma source(%arg9 : memref<200x128xf32, #tpu.memory_space<vmem>>) target(%dma_start3A_488 : memref<200x128xf32, #tpu.memory_space<hbm>>) target_semaphore(%arg19 : memref<!tpu.dma_semaphore, #tpu.memory_space<semaphore_mem>>)
      %dma_wait3A_489 = arith.constant 0 : i32
      %dma_wait3A_490 = tpu.memref_slice %arg4[%add3A_464, %dma_wait3A_489] : memref<10000x128xf32, #tpu.memory_space<hbm>> -> memref<200x128xf32, #tpu.memory_space<hbm>>
      %dma_wait3A_491 = arith.constant 0 : i32
      %dma_wait3A_492 = tpu.memref_slice %arg4[%add3A_464, %dma_wait3A_491] : memref<10000x128xf32, #tpu.memory_space<hbm>> -> memref<200x128xf32, #tpu.memory_space<hbm>>
      tpu.wait_dma2 semaphore(%arg15 : memref<!tpu.dma_semaphore, #tpu.memory_space<semaphore_mem>>) src(%dma_wait3A_492 : memref<200x128xf32, #tpu.memory_space<hbm>>) dst(%arg10 : memref<200x128xf32, #tpu.memory_space<vmem>>)
      %add3A_493 = arith.constant 4800 : i32
      %add3A_494 = arith.addi %add3A_20, %add3A_493 : i32
      %dma_start3A_495 = arith.constant 0 : i32
      %dma_start3A_496 = tpu.memref_slice %arg5[%add3A_494, %dma_start3A_495] : memref<160000x128xf32, #tpu.memory_space<hbm>> -> memref<200x128xf32, #tpu.memory_space<hbm>>
      %dma_start3A_497 = arith.constant 0 : i32
      %dma_start3A_498 = tpu.memref_slice %arg5[%add3A_494, %dma_start3A_497] : memref<160000x128xf32, #tpu.memory_space<hbm>> -> memref<200x128xf32, #tpu.memory_space<hbm>>
      tpu.enqueue_dma source(%arg10 : memref<200x128xf32, #tpu.memory_space<vmem>>) target(%dma_start3A_498 : memref<200x128xf32, #tpu.memory_space<hbm>>) target_semaphore(%arg20 : memref<!tpu.dma_semaphore, #tpu.memory_space<semaphore_mem>>)
      %dma_wait3A_499 = arith.constant 0 : i32
      %dma_wait3A_500 = tpu.memref_slice %arg5[%add3A_434, %dma_wait3A_499] : memref<160000x128xf32, #tpu.memory_space<hbm>> -> memref<200x128xf32, #tpu.memory_space<hbm>>
      %dma_wait3A_501 = arith.constant 0 : i32
      %dma_wait3A_502 = tpu.memref_slice %arg5[%add3A_434, %dma_wait3A_501] : memref<160000x128xf32, #tpu.memory_space<hbm>> -> memref<200x128xf32, #tpu.memory_space<hbm>>
      tpu.wait_dma2 semaphore(%arg16 : memref<!tpu.dma_semaphore, #tpu.memory_space<semaphore_mem>>) src(%arg6 : memref<200x128xf32, #tpu.memory_space<vmem>>) dst(%dma_wait3A_502 : memref<200x128xf32, #tpu.memory_space<hbm>>)
      %dma_wait3A_503 = arith.constant 0 : i32
      %dma_wait3A_504 = tpu.memref_slice %arg5[%add3A_454, %dma_wait3A_503] : memref<160000x128xf32, #tpu.memory_space<hbm>> -> memref<200x128xf32, #tpu.memory_space<hbm>>
      %dma_wait3A_505 = arith.constant 0 : i32
      %dma_wait3A_506 = tpu.memref_slice %arg5[%add3A_454, %dma_wait3A_505] : memref<160000x128xf32, #tpu.memory_space<hbm>> -> memref<200x128xf32, #tpu.memory_space<hbm>>
      tpu.wait_dma2 semaphore(%arg17 : memref<!tpu.dma_semaphore, #tpu.memory_space<semaphore_mem>>) src(%arg7 : memref<200x128xf32, #tpu.memory_space<vmem>>) dst(%dma_wait3A_506 : memref<200x128xf32, #tpu.memory_space<hbm>>)
      %dma_wait3A_507 = arith.constant 0 : i32
      %dma_wait3A_508 = tpu.memref_slice %arg5[%add3A_474, %dma_wait3A_507] : memref<160000x128xf32, #tpu.memory_space<hbm>> -> memref<200x128xf32, #tpu.memory_space<hbm>>
      %dma_wait3A_509 = arith.constant 0 : i32
      %dma_wait3A_510 = tpu.memref_slice %arg5[%add3A_474, %dma_wait3A_509] : memref<160000x128xf32, #tpu.memory_space<hbm>> -> memref<200x128xf32, #tpu.memory_space<hbm>>
      tpu.wait_dma2 semaphore(%arg18 : memref<!tpu.dma_semaphore, #tpu.memory_space<semaphore_mem>>) src(%arg8 : memref<200x128xf32, #tpu.memory_space<vmem>>) dst(%dma_wait3A_510 : memref<200x128xf32, #tpu.memory_space<hbm>>)
      %dma_wait3A_511 = arith.constant 0 : i32
      %dma_wait3A_512 = tpu.memref_slice %arg5[%add3A_484, %dma_wait3A_511] : memref<160000x128xf32, #tpu.memory_space<hbm>> -> memref<200x128xf32, #tpu.memory_space<hbm>>
      %dma_wait3A_513 = arith.constant 0 : i32
      %dma_wait3A_514 = tpu.memref_slice %arg5[%add3A_484, %dma_wait3A_513] : memref<160000x128xf32, #tpu.memory_space<hbm>> -> memref<200x128xf32, #tpu.memory_space<hbm>>
      tpu.wait_dma2 semaphore(%arg19 : memref<!tpu.dma_semaphore, #tpu.memory_space<semaphore_mem>>) src(%arg9 : memref<200x128xf32, #tpu.memory_space<vmem>>) dst(%dma_wait3A_514 : memref<200x128xf32, #tpu.memory_space<hbm>>)
      %dma_wait3A_515 = arith.constant 0 : i32
      %dma_wait3A_516 = tpu.memref_slice %arg5[%add3A_494, %dma_wait3A_515] : memref<160000x128xf32, #tpu.memory_space<hbm>> -> memref<200x128xf32, #tpu.memory_space<hbm>>
      %dma_wait3A_517 = arith.constant 0 : i32
      %dma_wait3A_518 = tpu.memref_slice %arg5[%add3A_494, %dma_wait3A_517] : memref<160000x128xf32, #tpu.memory_space<hbm>> -> memref<200x128xf32, #tpu.memory_space<hbm>>
      tpu.wait_dma2 semaphore(%arg20 : memref<!tpu.dma_semaphore, #tpu.memory_space<semaphore_mem>>) src(%arg10 : memref<200x128xf32, #tpu.memory_space<vmem>>) dst(%dma_wait3A_518 : memref<200x128xf32, #tpu.memory_space<hbm>>)
    } else {
    }
    return
  }
}

</mosaic_0001>

<sc_bundles>
// kernel: kernel.3.cloned.1.call-start
scs
__scs_entry_jumppad:
0x0: {  	(pc) =	sbr.rel $0x88, $3  }
0x1: {  	(tag) =	ssettag $0x0;
	lr =	simm.s32 $0x1  }
0x2: {  	[smem:$0x3F9E] =	sst lr;
	_ =	strace $0xD0000000  }
0x3: {  	_ = 	snop  }
0x4: {  	_ = 	snop  }
0x5: {  	_ = 	snop  }
0x6: {  	_ = 	snop  }
0x7: {  	_ = 	snop  }
__scs_overlays_trampoline_lowered:
0x8: {  	[smem:$0x3FAD] =	sst s0  }
0x9: {  	[smem:$0x3FAE] =	sst s1  }
0xa: {  	[smem:$0x3FAF] =	sst s2  }
0xb: {  	[smem:$0x3FB0] =	sst s3  }
0xc: {  	[smem:$0x3FB1] =	sst s4  }
0xd: {  	[smem:$0x3FB2] =	sst s5  }
0xe: {  	[smem:$0x3FB3] =	sst s6  }
0xf: {  	[smem:$0x3FB4] =	sst s7  }
0x10: {  	[smem:$0x3FB5] =	sst s8  }
0x11: {  	[smem:$0x3FB6] =	sst s9;
	s0 =	simm.s32 @!p0 $0x0  }
0x12: {  	s1 =	sld [smem:$0x3F9C];
	s0 =	simm.s32 @p0 $0x1  }
0x13: {  	[smem:$0x3FB7] =	sst s0;
	s0 =	simm.s32 @!p1 $0x0  }
0x14: {  	s2 =	sld [smem:$0x3F9B];
	s0 =	simm.s32 @p1 $0x1  }
0x15: {  	[smem:$0x3FB8] =	sst s0;
	s0 =	simm.s32 @!p2 $0x0  }
0x16: {  	s3 =	sld [smem:$0x3FDB];
	s0 =	simm.s32 @p2 $0x1  }
0x17: {  	s4 =	simm.s32 $0x1BF5;
	[smem:$0x3FBA] =	sst s0  }
0x18: {  	s0 =	sld [smem:$0x3F9D];
	_ =	swait.ge [sflag:s4], $0x0  }
0x19: {  	s7 =	sld [smem:$0x3F9E]  }
0x1a: {  	s8 =	sadd.s32 $0xFFFFE003, lr  }
0x1b: {  	s9 =	sadd.s32 $0xFFFFFEF7, lr;
	s5 =	simm.s32 $0xFFFFFFFF;
	p2 =	slt.u32 s8, $0xFFFFF086  }
0x1c: {  	p1 =	slt.u32 s9, $0xF7A;
	s5 =	simm.s32 @!p2 $0x0  }
0x1d: {  	s5 =	simm.s32 @p1 $0x1;
	p0 =	seq.s32 s7, s2  }
0x1e: {  	s7 =	smul.u32 @!p0 $0xF7A, s2;
	p2 =	seq.s32 @!p0 s5, $0x0  }
0x1f: {  	s9 =	smul.u32 $0xF7A, s1;
	s8 =	simm.s32 @!p0 $0x1BF5;
	p2 =	por !p2, p0  }
0x20: {  	[sflag:s8] =	ssyncset.s32 @!p0 $0xFFFFF086;
	s6 =	sadd.s32 @!p0 s3, s7;
	s7 =	simm.s32 @!p0 $0x108  }
0x21: {  	s3 =	sadd.s32 s3, s9;
	s6 =	sadd.s32 @!p0 $0x88, s6;
	s7 =	simm.s32 @p2 $0x1082  }
0x22: {  	[simem:s7], [sflag:s8] =	dma.local @!p0 [hbm:s6], $0xF7A  }
0x23: {  	s9 =	sor.u32 $0xD0000000, s2;
	s6 =	simm.s32 $0x108;
	_ =	swait.ge @!p0 [sflag:s8], $0x0  }
0x24: {  	s3 =	sadd.s32 $0x88, s3;
	s6 =	simm.s32 @!p1 $0x1082;
	[sflag:s4] =	ssyncset.s32 $0xFFFFF086  }
0x25: {  	[simem:s6], [sflag:s4] =	dma.local [hbm:s3], $0xF7A  }
0x26: {  	[smem:$0x3F9E] =	sst s1;
	(tag) =	ssettag s2;
	_ =	strace s9  }
0x27: {  	s1 =	sld [smem:$0x3FAE]  }
0x28: {  	s2 =	sld [smem:$0x3FAF]  }
0x29: {  	s4 =	sld [smem:$0x3FB1]  }
0x2a: {  	p0 =	seq.s32 s5, $0x0;
	s5 =	sld [smem:$0x3FB2]  }
0x2b: {  	s6 =	sld [smem:$0x3FB3]  }
0x2c: {  	s7 =	sld [smem:$0x3FB4]  }
0x2d: {  	s3 =	simm.s32 $0x108;
	s8 =	sld [smem:$0x3FB5]  }
0x2e: {  	s3 =	simm.s32 @!p0 $0x1082;
	s9 =	sld [smem:$0x3FB6]  }
0x2f: {  	lr =	sadd.s32 s0, s3;
	s0 =	sld [smem:$0x3FAD]  }
0x30: {  	s3 =	sld [smem:$0x3FB0]  }
0x31: {  	[smem:$0x3FB9] =	sst s10  }
0x32: {  	s10 =	sld [smem:$0x3FB7];
	_ =	sdelay $0x3  }
0x33: {  	p0 =	seq.s32 s10, $0x1;
	s10 =	sld [smem:$0x3FB9];
	_ =	sdelay $0x3  }
0x34: {  	[smem:$0x3FB9] =	sst s10  }
0x35: {  	s10 =	sld [smem:$0x3FB8];
	_ =	sdelay $0x3  }
0x36: {  	p1 =	seq.s32 s10, $0x1;
	s10 =	sld [smem:$0x3FB9];
	_ =	sdelay $0x3  }
0x37: {  	[smem:$0x3FB9] =	sst s10  }
0x38: {  	s10 =	sld [smem:$0x3FBA]  }
0x39: {  	_ = 	snop;
	(pc) =	sbr.ind lr, $3  }
0x3a: {  	_ = 	snop  }
0x3b: {  	_ = 	snop  }
0x3c: {  	p2 =	seq.s32 s10, $0x1;
	s10 =	sld [smem:$0x3FB9]  }
0x3d: {  	_ =	shalt  }
0x3e: {  	_ =	shalt  }
0x3f: {  	_ =	shalt  }
0x40: {  	_ =	shalt  }
0x41: {  	_ =	shalt  }
0x42: {  	_ =	shalt  }
0x43: {  	_ =	shalt  }
0x44: {  	_ =	shalt  }
0x45: {  	_ =	shalt  }
0x46: {  	_ =	shalt  }
0x47: {  	_ =	shalt  }
0x48: {  	_ =	shalt  }
0x49: {  	_ =	shalt  }
0x4a: {  	_ =	shalt  }
0x4b: {  	_ =	shalt  }
0x4c: {  	_ =	shalt  }
0x4d: {  	_ =	shalt  }
0x4e: {  	_ =	shalt  }
0x4f: {  	_ =	shalt  }
0x50: {  	_ =	shalt  }
0x51: {  	_ =	shalt  }
0x52: {  	_ =	shalt  }
0x53: {  	_ =	shalt  }
0x54: {  	_ =	shalt  }
0x55: {  	_ =	shalt  }
0x56: {  	_ =	shalt  }
0x57: {  	_ =	shalt  }
0x58: {  	_ =	shalt  }
0x59: {  	_ =	shalt  }
0x5a: {  	_ =	shalt  }
0x5b: {  	_ =	shalt  }
0x5c: {  	_ =	shalt  }
0x5d: {  	_ =	shalt  }
0x5e: {  	_ =	shalt  }
0x5f: {  	_ =	shalt  }
0x60: {  	_ =	shalt  }
0x61: {  	_ =	shalt  }
0x62: {  	_ =	shalt  }
0x63: {  	_ =	shalt  }
0x64: {  	_ =	shalt  }
0x65: {  	_ =	shalt  }
0x66: {  	_ =	shalt  }
0x67: {  	_ =	shalt  }
0x68: {  	_ =	shalt  }
0x69: {  	_ =	shalt  }
0x6a: {  	_ =	shalt  }
0x6b: {  	_ =	shalt  }
0x6c: {  	_ =	shalt  }
0x6d: {  	_ =	shalt  }
0x6e: {  	_ =	shalt  }
0x6f: {  	_ =	shalt  }
0x70: {  	_ =	shalt  }
0x71: {  	_ =	shalt  }
0x72: {  	_ =	shalt  }
0x73: {  	_ =	shalt  }
0x74: {  	_ =	shalt  }
0x75: {  	_ =	shalt  }
0x76: {  	_ =	shalt  }
0x77: {  	_ =	shalt  }
0x78: {  	_ =	shalt  }
0x79: {  	_ =	shalt  }
0x7a: {  	_ =	shalt  }
0x7b: {  	_ =	shalt  }
0x7c: {  	_ =	shalt  }
0x7d: {  	_ =	shalt  }
0x7e: {  	_ =	shalt  }
0x7f: {  	_ =	shalt  }
0x80: {  	_ =	shalt  }
0x81: {  	_ =	shalt  }
0x82: {  	_ =	shalt  }
0x83: {  	_ =	shalt  }
0x84: {  	_ =	shalt  }
0x85: {  	_ =	shalt  }
0x86: {  	_ =	shalt  }
0x87: {  	_ =	shalt  }
.Lfunc_end0:
.L_simem_size_0:
called_computation_lowered:
.L_overlay_start_0:
0x88: {  	s2 =	sld [smem:$0x3FD9]  }
0x89: {  	s3 =	sld [smem:$0x3FFE];
	_ =	sdelay $0x1  }
0x8a: {  	s1 =	srdreg.scid  }
0x8b: {  	s0 =	sand.u32 $0x1, s1  }
0x8c: {  	s18 =	sshll.u32 s0, $0xA;
	s2 =	sadd.s32 s3, s2  }
0x8d: {  	s2 =	sadd.s32 s2, s18  }
0x8e: {  	[smem:$0x3FC5] =	sst s2  }
0x8f: {  	_ = 	snop  }
0x90: {  	s2 =	sld [smem:$0x3FC9]  }
0x91: {  	s19 =	sld [smem:$0x3FC8]  }
0x92: {  	s4 =	sld [smem:$0x3FC7]  }
0x93: {  	s5 =	sld [smem:$0x3FD0];
	(tm) =	ssettm $0x1  }
0x94: {  	s6 =	sld [smem:$0x3FFB];
	_ =	sdelay $0x3  }
0x95: {  	_ =	strace s6  }
0x96: {  	s6 =	sld [smem:$0x3FFC];
	_ =	sdelay $0x3  }
0x97: {  	_ =	strace s6  }
0x98: {  	s6 =	sld [smem:$0x3FFD];
	_ =	sdelay $0x3  }
0x99: {  	_ =	strace s6  }
0x9a: {  	_ =	strace $0x8FFFFFFF  }
0x9b: {  	s20 =	sld [smem:$0x3FDB];
	_ =	sdelay $0x1  }
0x9c: {  	s7 =	simm.s32 $_scs_section_size  }
0x9d: {  	s8 =	simm.s32 $_size__tile_overlayer_lowered;
	s9 =	simm.s32 $_tile_overlayer_lowered  }
0x9e: {  	s23 =	simm.s32 $0x1BFF;
	s22 =	sshll.u32 s9, $0x1;
	s6 =	sadd.s32 s7, s20  }
0x9f: {  	s10 =	simm.s32 $0x0;
	s21 =	sshll.u32 s8, $0x1;
	s8 =	sadd.s32 s22, s6  }
0xa0: {  	[timem:s10], [sflag:s23] =	dma.local [hbm:s8], s21  }
0xa1: {  	_ =	swait.ge [sflag:s23], s21  }
0xa2: {  	s7 =	ssub.s32 $0x0, s21;
	[sflag:s23] =	ssyncset.done $0x0  }
0xa3: {  	[sflag:s23] =	ssyncadd.s32 s7;
	_ =	sdelay $0x1  }
0xa4: {  	s24 =	simm.s32 $0x1B8B  }
0xa5: {  	_ =	swait.ge [sflag:s24], $0x1  }
0xa6: {  	[sflag:s24] =	ssyncset.done $0x0  }
0xa7: {  	s25 =	simm.s32 $0x1B8E;
	[sflag:s24] =	ssyncadd.s32 $0xFFFFFFFF  }
0xa8: {  	s26 =	simm.s32 $execute0_lowered;
	[smem:$0x3FD2] =	sst s25  }
0xa9: {  	s7 =	sshll.u32 s26, $0x1;
	_ =	strace $0x80000046;
	[dreg:$0x1] =	wrdreg $0xFFFFFFFF  }
0xaa: {  	s28 =	simm.s32 $_size_execute0_lowered;
	s6 =	sadd.s32 s6, s7;
	[dreg:$0x0] =	wrdreg $0x0  }
0xab: {  	s7 =	sshll.u32 s28, $0x1;
	[dreg:$0x2] =	wrdreg s6  }
0xac: {  	[dreg:$0x3] =	wrdreg s7  }
0xad: {  	[dreg:$0x4] =	wrdreg $0xC0  }
0xae: {  	_ =	task [dreg:s10], $0x5FFFF  }
0xaf: {  	[dreg:$0x1] =	wrdreg $0xFFFFFFFF  }
0xb0: {  	[dreg:$0x0] =	wrdreg $0x60  }
0xb1: {  	[dreg:$0x2] =	wrdreg s2  }
0xb2: {  	[dreg:$0x3] =	wrdreg s19  }
0xb3: {  	[dreg:$0x4] =	wrdreg s4  }
0xb4: {  	[dreg:$0x5] =	wrdreg s5  }
0xb5: {  	[dreg:$0x6] =	wrdreg $0x9  }
0xb6: {  	_ =	task.clear_ibuf [dreg:s10], $0x7FFFF;
	_ =	strace $0x90000046  }
0xb7: {  	s29 =	simm.s32 $0x9;
	_ =	strace $0x80000048  }
0xb8: {  	_ =	swait.ge [sflag:s29], $0x1  }
0xb9: {  	[sflag:s29] =	ssyncadd.s32 $0xFFFFFFFF  }
0xba: {  	_ =	strace $0x90000048  }
0xbb: {  	_ =	sfence  }
0xbc: {  	s30 =	sld [smem:$0x0];
	_ =	sdelay $0x2  }
0xbd: {  	s31 =	sshll.u32 s1, $0xD;
	s1 =	sshrl.u32 s1, $0x2  }
0xbe: {  	s3 =	sand.u32 $0x4000, s31;
	s1 =	sadd.s32 s1, s30  }
0xbf: {  	s0 =	sor.u32 s3, s0;
	s1 =	sshll.u32 s1, $0x11  }
0xc0: {  	s0 =	sor.u32 s1, s0  }
0xc1: {  	s0 =	sadd.s32 $0x8F2B, s0  }
0xc2: {  	[sflag:s0] =	ssyncadd.remote.s32 $0x1  }
0xc3: {  	_ =	sfence.sel $0xFFFF  }
0xc4: {  	[dreg:$0x0] =	wrdreg $0xFFFFFFFF;
	(pc) =	sbr.abs _section_cstart, $3  }
0xc5: {  	[dreg:$0x1] =	wrdreg $0xFFFFFFFF  }
0xc6: {  	_ =	task.clear_ibuf [dreg:s10], $0x2FFFF;
	_ =	strace $0x9FFFFFFF  }
0xc7: {  	(tm) =	ssettm $0x7FFFFFFF  }
tec
execute0_lowered:
.L_overlay_start_1:
0x0: {  	(tag) =	ssettag $0x1  }
0x1: {  	s0 =	srdreg.scid;
	s4 =	rddreg [dreg:$0x0]  }
0x2: {  	s17 =	stileid.u32;
	s9 =	rddreg [dreg:$0x3];
	s1 =	simm.s32 $0x0  }
0x3: {  	s29 =	simm.s32 $0xC800;
	s0 =	sand.u32 $0x1, s0;
	s3 =	sshll.u32 s17, $0x1  }
0x4: {  	s31 =	simm.s32 $0x1;
	[smem:$0x7FF] =	sst s1;
	s6 =	sor.u32 s0, s3  }
0x5: {  	p1 =	sgt.u32 s17, $0x9;
	p2 =	sne.s32 s17, $0xF;
	s5 =	smul.u32 $0x9C400, s6  }
0x6: {  	s17 =	simm.s32 $0x5;
	s0 =	ssub.s32 $0x2, s0;
	s3 =	sadd.s32 $0xFFFFFFEC, s3  }
0x7: {  	s2 =	sshrl.u32 s0, $0x1;
	s7 =	smul.u32 $0x13880, s6;
	s8 =	sshrl.u32 s5, $0x3  }
0x8: {  	p0 =	sgt.u32 s3, $0x9;
	s2 =	ssub.s32 s0, s2;
	s16 =	sadd.s32 $0xC80, s8  }
0x9: {  	s18 =	sadd.s32 $0x1900, s8;
	s20 =	sadd.s32 $0x2580, s8;
	s21 =	sadd.s32 $0x3200, s8  }
0xa: {  	s23 =	sadd.s32 $0x3E80, s8;
	s26 =	sadd.s32 $0x4B00, s8;
	s10 =	sadd.s32 s4, s16  }
0xb: {  	s14 =	sadd.s32 $0x5780, s8;
	s19 =	sadd.s32 s4, s18;
	[dreg:$0x5] =	wrdreg s10  }
0xc: {  	s11 =	sadd.s32 s4, s20;
	s0 =	sadd.s32 s9, s16;
	[dreg:$0x6] =	wrdreg s19  }
0xd: {  	s22 =	sadd.s32 s4, s21;
	s25 =	sadd.s32 s9, s18;
	[dreg:$0x7] =	wrdreg s11  }
0xe: {  	s24 =	sadd.s32 s4, s23;
	s28 =	sadd.s32 s9, s20;
	[dreg:$0x16] =	wrdreg s0  }
0xf: {  	s13 =	sadd.s32 s4, s26;
	s30 =	sadd.s32 s9, s21;
	[dreg:$0x8] =	wrdreg s22  }
0x10: {  	s15 =	sadd.s32 s4, s14;
	s12 =	sadd.s32 s9, s23;
	[dreg:$0x9] =	wrdreg s24  }
0x11: {  	s16 =	sadd.s32 $0x6400, s8;
	s21 =	sadd.s32 $0x7D00, s8;
	[dreg:$0xa] =	wrdreg s13  }
0x12: {  	s23 =	sadd.s32 $0x8980, s8;
	[dreg:$0xb] =	wrdreg s15;
	s18 =	sadd.s32 s4, s16  }
0x13: {  	s19 =	sadd.s32 $0x7080, s8;
	s10 =	sadd.s32 s9, s26;
	s13 =	sadd.s32 s9, s14  }
0x14: {  	s14 =	sadd.s32 s9, s16;
	s22 =	sadd.s32 s4, s21;
	s24 =	sadd.s32 s4, s23  }
0x15: {  	s26 =	sadd.s32 $0x9600, s8;
	s11 =	sadd.s32 $0xA280, s8;
	[dreg:$0xc] =	wrdreg s18  }
0x16: {  	s0 =	smov.u32 s12;
	s12 =	sadd.s32 $0xD480, s8;
	[dreg:$0xe] =	wrdreg s22  }
0x17: {  	s20 =	sadd.s32 s4, s19;
	s15 =	sadd.s32 s9, s19;
	[dreg:$0xf] =	wrdreg s24  }
0x18: {  	s24 =	sadd.s32 s9, s23;
	s6 =	sadd.s32 s4, s26;
	s16 =	sadd.s32 s9, s26  }
0x19: {  	s18 =	sadd.s32 s4, s11;
	s19 =	sadd.s32 $0xAF00, s8;
	[dreg:$0xd] =	wrdreg s20  }
0x1a: {  	s22 =	sadd.s32 $0xBB80, s8;
	s26 =	sadd.s32 $0xC800, s8;
	[dreg:$0x10] =	wrdreg s6  }
0x1b: {  	s3 =	smov.u32 s10;
	s10 =	sadd.s32 s9, s12;
	[dreg:$0x11] =	wrdreg s18  }
0x1c: {  	s20 =	sadd.s32 s9, s21;
	s21 =	sadd.s32 s4, s19;
	[dreg:$0x19] =	wrdreg s10  }
0x1d: {  	s18 =	sadd.s32 s9, s11;
	s23 =	sadd.s32 s4, s22;
	[dreg:$0x12] =	wrdreg s21  }
0x1e: {  	s11 =	sadd.s32 s4, s26;
	s6 =	sadd.s32 s9, s26;
	[dreg:$0x13] =	wrdreg s23  }
0x1f: {  	s10 =	smov.u32 s14;
	s21 =	sadd.s32 s9, s22;
	[dreg:$0x15] =	wrdreg s11  }
0x20: {  	[dreg:$0x17] =	wrdreg s6;
	s22 =	sadd.s32 s4, s12;
	s23 =	sadd.s32 $0xE100, s8  }
0x21: {  	s6 =	smov.u32 s13;
	[dreg:$0x18] =	wrdreg s22;
	s26 =	sadd.s32 s4, s23  }
0x22: {  	s13 =	sadd.s32 $0xED80, s8;
	s11 =	sadd.s32 s9, s23;
	[dreg:$0x1a] =	wrdreg s26  }
0x23: {  	s14 =	smov.u32 s15;
	s15 =	sadd.s32 s4, s13;
	[dreg:$0x1b] =	wrdreg s11  }
0x24: {  	s22 =	sadd.s32 $0xFA00, s8;
	s12 =	sadd.s32 s9, s13;
	[dreg:$0x1c] =	wrdreg s15  }
0x25: {  	s19 =	sadd.s32 s9, s19;
	[dreg:$0x1d] =	wrdreg s12;
	s23 =	sadd.s32 s4, s22  }
0x26: {  	s26 =	sadd.s32 $0x10680, s8;
	s11 =	sadd.s32 s9, s22;
	[dreg:$0x1e] =	wrdreg s23  }
0x27: {  	s12 =	sadd.s32 $0x11F80, s8;
	s22 =	sadd.s32 s4, s7;
	[dreg:$0x1f] =	wrdreg s11  }
0x28: {  	s13 =	sadd.s32 s4, s26;
	s15 =	sadd.s32 s9, s26;
	[smem:$0x7C4] =	sst s22  }
0x29: {  	s11 =	sadd.s32 $0x11300, s8;
	s26 =	sadd.s32 s4, s12;
	[smem:$0x7C2] =	sst s13  }
0x2a: {  	s22 =	sadd.s32 $0xFF3D1400, s5;
	[smem:$0x7C3] =	sst s15;
	s13 =	sadd.s32 $0x12C00, s8  }
0x2b: {  	s8 =	smov.u32 s18;
	s23 =	sadd.s32 s4, s11;
	[smem:$0x7C6] =	sst s26  }
0x2c: {  	s11 =	sadd.s32 s9, s11;
	s18 =	sadd.s32 s9, s12;
	[smem:$0x7C5] =	sst s23  }
0x2d: {  	s12 =	smov.u32 s19;
	s26 =	sadd.s32 $0xFF3D7800, s5;
	[smem:$0x7C8] =	sst s11  }
0x2e: {  	s15 =	sadd.s32 $0xFF3DDC00, s5;
	s4 =	sadd.s32 s4, s13;
	[smem:$0x7C9] =	sst s18  }
0x2f: {  	s19 =	sadd.s32 $0xFF3E4000, s5;
	s23 =	sshrl.u32 s22, $0x3;
	[smem:$0x7C7] =	sst s4  }
0x30: {  	s4 =	smov.u32 s16;
	s16 =	smov.u32 s21;
	s21 =	sadd.s32 s9, s13  }
0x31: {  	s22 =	sadd.s32 $0xFF3EA400, s5;
	s9 =	sadd.s32 s9, s7;
	[smem:$0x7CA] =	sst s21  }
0x32: {  	s18 =	sshrl.u32 s15, $0x3;
	s15 =	sadd.s32 $0xFF3F6C00, s5;
	[smem:$0x7CB] =	sst s9  }
0x33: {  	s13 =	sshrl.u32 s26, $0x3;
	s26 =	sadd.s32 $0xFF3F0800, s5;
	s9 =	rddreg [dreg:$0x1]  }
0x34: {  	s21 =	sshrl.u32 s19, $0x3;
	s19 =	sadd.s32 $0xFF3FD000, s5;
	s11 =	sadd.s32 s9, s23  }
0x35: {  	s23 =	sshrl.u32 s22, $0x3;
	s22 =	sadd.s32 $0xFF403400, s5;
	[smem:$0x7CC] =	sst s11  }
0x36: {  	s11 =	sadd.s32 s9, s13;
	s13 =	sshrl.u32 s26, $0x3;
	s26 =	sadd.s32 $0xFF409800, s5  }
0x37: {  	[smem:$0x7CD] =	sst s11;
	s11 =	sadd.s32 s9, s18;
	s18 =	sshrl.u32 s15, $0x3  }
0x38: {  	s15 =	sadd.s32 $0xFF40FC00, s5;
	[smem:$0x7CE] =	sst s11;
	s11 =	sadd.s32 s9, s21  }
0x39: {  	s21 =	sshrl.u32 s19, $0x3;
	s19 =	sadd.s32 $0xFF416000, s5;
	[smem:$0x7CF] =	sst s11  }
0x3a: {  	s11 =	sadd.s32 s9, s23;
	s23 =	sshrl.u32 s22, $0x3;
	s22 =	sadd.s32 $0xFF41C400, s5  }
0x3b: {  	[smem:$0x7D0] =	sst s11;
	s11 =	sadd.s32 s9, s13;
	s13 =	sshrl.u32 s26, $0x3  }
0x3c: {  	s26 =	sadd.s32 $0xFF422800, s5;
	[smem:$0x7D1] =	sst s11;
	s11 =	sadd.s32 s9, s18  }
0x3d: {  	s18 =	sshrl.u32 s15, $0x3;
	s15 =	sadd.s32 $0xFF428C00, s5;
	[smem:$0x7D2] =	sst s11  }
0x3e: {  	s11 =	sadd.s32 s9, s21;
	s21 =	sshrl.u32 s19, $0x3;
	s19 =	sadd.s32 $0xFF42F000, s5  }
0x3f: {  	[smem:$0x7D3] =	sst s11;
	s11 =	sadd.s32 s9, s23;
	s23 =	sshrl.u32 s22, $0x3  }
0x40: {  	s22 =	sadd.s32 $0xFF435400, s5;
	[smem:$0x7D4] =	sst s11;
	s11 =	sadd.s32 s9, s13  }
0x41: {  	s13 =	sshrl.u32 s26, $0x3;
	s26 =	sadd.s32 $0xFF43B800, s5;
	[smem:$0x7D5] =	sst s11  }
0x42: {  	s11 =	sadd.s32 s9, s18;
	s18 =	sshrl.u32 s15, $0x3;
	s15 =	sadd.s32 $0xFF441C00, s5  }
0x43: {  	[smem:$0x7D6] =	sst s11;
	s11 =	sadd.s32 s9, s21;
	s21 =	sshrl.u32 s19, $0x3  }
0x44: {  	s19 =	sadd.s32 $0xFF448000, s5;
	[smem:$0x7D7] =	sst s11;
	s11 =	sadd.s32 s9, s23  }
0x45: {  	s23 =	sshrl.u32 s22, $0x3;
	s22 =	sadd.s32 $0xFF44E400, s5;
	[smem:$0x7D8] =	sst s11  }
0x46: {  	s11 =	sadd.s32 s9, s13;
	s13 =	sshrl.u32 s26, $0x3;
	s26 =	sadd.s32 $0xFF454800, s5  }
0x47: {  	[smem:$0x7D9] =	sst s11;
	s11 =	sadd.s32 s9, s18;
	s18 =	sshrl.u32 s15, $0x3  }
0x48: {  	s15 =	sadd.s32 $0xFF45AC00, s5;
	[smem:$0x7DA] =	sst s11;
	s11 =	sadd.s32 s9, s21  }
0x49: {  	s21 =	sshrl.u32 s19, $0x3;
	[smem:$0x7DB] =	sst s11;
	s11 =	sadd.s32 s9, s23  }
0x4a: {  	s23 =	sshrl.u32 s22, $0x3;
	[smem:$0x7DC] =	sst s11;
	s11 =	sadd.s32 s9, s13  }
0x4b: {  	s13 =	sshrl.u32 s26, $0x3;
	[smem:$0x7DD] =	sst s11;
	s11 =	sadd.s32 s9, s18  }
0x4c: {  	s22 =	sadd.s32 $0xFEDBD000, s5;
	s13 =	sadd.s32 s9, s13;
	[smem:$0x7DE] =	sst s11  }
0x4d: {  	s26 =	sadd.s32 $0xFEDC3400, s5;
	s11 =	sadd.s32 s9, s21;
	[smem:$0x7E1] =	sst s13  }
0x4e: {  	s18 =	sadd.s32 $0xFF461000, s5;
	[smem:$0x7DF] =	sst s11;
	s11 =	sadd.s32 s9, s23  }
0x4f: {  	s21 =	sadd.s32 $0xFEDB6C00, s5;
	[smem:$0x7E0] =	sst s11;
	s11 =	sshrl.u32 s15, $0x3  }
0x50: {  	s13 =	sshrl.u32 s21, $0x3;
	s15 =	sshrl.u32 s18, $0x3;
	s11 =	sadd.s32 s9, s11  }
0x51: {  	s23 =	sshrl.u32 s22, $0x3;
	s19 =	sadd.s32 s9, s15;
	[smem:$0x7E2] =	sst s11  }
0x52: {  	s22 =	sadd.s32 $0xFEDCFC00, s5;
	s18 =	sshrl.u32 s26, $0x3;
	[smem:$0x7E3] =	sst s19  }
0x53: {  	s26 =	sadd.s32 $0xFEDD6000, s5;
	s9 =	sadd.s32 s7, s9;
	s11 =	rddreg [dreg:$0x2]  }
0x54: {  	s19 =	sadd.s32 $0xFEDC9800, s5;
	s7 =	sadd.s32 s7, s11;
	s13 =	sadd.s32 s11, s13  }
0x55: {  	s21 =	sshrl.u32 s19, $0x3;
	s19 =	sadd.s32 $0xFEDDC400, s5;
	[smem:$0x7E4] =	sst s13  }
0x56: {  	s13 =	sadd.s32 s11, s23;
	s23 =	sshrl.u32 s22, $0x3;
	s22 =	sadd.s32 $0xFEDE2800, s5  }
0x57: {  	[smem:$0x7E5] =	sst s13;
	s13 =	sadd.s32 s11, s18;
	s18 =	sshrl.u32 s26, $0x3  }
0x58: {  	s26 =	sadd.s32 $0xFEDE8C00, s5;
	[smem:$0x7E6] =	sst s13;
	s13 =	sadd.s32 s11, s21  }
0x59: {  	s21 =	sshrl.u32 s19, $0x3;
	s19 =	sadd.s32 $0xFEDEF000, s5;
	[smem:$0x7E7] =	sst s13  }
0x5a: {  	s13 =	sadd.s32 s11, s23;
	s23 =	sshrl.u32 s22, $0x3;
	s22 =	sadd.s32 $0xFEDF5400, s5  }
0x5b: {  	[smem:$0x7E8] =	sst s13;
	s13 =	sadd.s32 s11, s18;
	s18 =	sshrl.u32 s26, $0x3  }
0x5c: {  	s26 =	sadd.s32 $0xFEDFB800, s5;
	[smem:$0x7E9] =	sst s13;
	s13 =	sadd.s32 s11, s21  }
0x5d: {  	s21 =	sshrl.u32 s19, $0x3;
	s19 =	sadd.s32 $0xFEE01C00, s5;
	[smem:$0x7EA] =	sst s13  }
0x5e: {  	s13 =	sadd.s32 s11, s23;
	s23 =	sshrl.u32 s22, $0x3;
	s22 =	sadd.s32 $0xFEE08000, s5  }
0x5f: {  	[smem:$0x7EB] =	sst s13;
	s13 =	sadd.s32 s11, s18;
	s18 =	sshrl.u32 s26, $0x3  }
0x60: {  	s26 =	sadd.s32 $0xFEE0E400, s5;
	[smem:$0x7EC] =	sst s13;
	s13 =	sadd.s32 s11, s21  }
0x61: {  	s21 =	sshrl.u32 s19, $0x3;
	s19 =	sadd.s32 $0xFEE14800, s5;
	[smem:$0x7ED] =	sst s13  }
0x62: {  	s13 =	sadd.s32 s11, s23;
	s23 =	sshrl.u32 s22, $0x3;
	s22 =	sadd.s32 $0xFEE1AC00, s5  }
0x63: {  	[smem:$0x7EE] =	sst s13;
	s13 =	sadd.s32 s11, s18;
	s18 =	sshrl.u32 s26, $0x3  }
0x64: {  	s26 =	sadd.s32 $0xFEE21000, s5;
	[smem:$0x7EF] =	sst s13;
	s13 =	sadd.s32 s11, s21  }
0x65: {  	s21 =	sshrl.u32 s19, $0x3;
	s19 =	sadd.s32 $0xFEE27400, s5;
	[smem:$0x7F0] =	sst s13  }
0x66: {  	s13 =	sadd.s32 s11, s23;
	s23 =	sshrl.u32 s22, $0x3;
	s22 =	sadd.s32 $0xFEE2D800, s5  }
0x67: {  	[smem:$0x7F1] =	sst s13;
	s13 =	sadd.s32 s11, s18;
	s18 =	sshrl.u32 s26, $0x3  }
0x68: {  	s26 =	sadd.s32 $0xFEE33C00, s5;
	[smem:$0x7F2] =	sst s13;
	s13 =	sadd.s32 s11, s21  }
0x69: {  	s21 =	sshrl.u32 s19, $0x3;
	s15 =	sshrl.u32 s26, $0x3;
	s26 =	sadd.s32 $0xFFDB6100, s7  }
0x6a: {  	s7 =	simm.s32 $0x19000;
	[smem:$0x7F3] =	sst s13;
	s13 =	sadd.s32 s11, s23  }
0x6b: {  	s23 =	sshrl.u32 s22, $0x3;
	[smem:$0x7F4] =	sst s13;
	s13 =	sadd.s32 s11, s18  }
0x6c: {  	s18 =	sadd.s32 $0xFEE3A000, s5;
	[smem:$0x7F5] =	sst s13;
	s13 =	sadd.s32 s11, s21  }
0x6d: {  	s19 =	sshrl.u32 s18, $0x3;
	s21 =	sadd.s32 $0xFEE40400, s5;
	s5 =	sadd.s32 $0xFEE46800, s5  }
0x6e: {  	s18 =	simm.s32 $0x8;
	[smem:$0x7F6] =	sst s13;
	s13 =	sadd.s32 s11, s23  }
0x6f: {  	s22 =	sshrl.u32 s21, $0x3;
	s5 =	sshrl.u32 s5, $0x3;
	s23 =	sadd.s32 $0xFFE79600, s9  }
0x70: {  	s9 =	simm.s32 $0x3;
	[smem:$0x7F7] =	sst s13;
	s13 =	sadd.s32 s11, s15  }
0x71: {  	s21 =	simm.s32 $0xA;
	s5 =	sadd.s32 s11, s5;
	[smem:$0x7F8] =	sst s13  }
0x72: {  	s15 =	simm.s32 $0x7;
	s13 =	sadd.s32 s11, s19;
	[smem:$0x7FB] =	sst s5  }
.Ltmp0:
0x73: {  	[smem:$0x7F9] =	sst s13;
	s13 =	sadd.s32 s11, s22;
	(pc) =	sbr.rel .LBB2_1-.Ltmp0, $4  }
0x74: {  	s5 =	simm.s32 $0x2;
	s19 =	simm.s32 $0x9;
	[smem:$0x7FA] =	sst s13  }
0x75: {  	s22 =	smax.u32 s2, $0x1;
	_ =	strace $0x80000047;
	[smem:$0x7FC] =	sst s23  }
0x76: {  	s2 =	simm.s32 $0x12C00;
	s11 =	simm.s32 $0x6;
	[smem:$0x7FD] =	sst s26  }
0x77: {  	s13 =	simm.s32 $0x4;
	s26 =	simm.s32 $0x6400;
	[dreg:$0x14] =	wrdreg s16  }
.LBB2_7:
0x78: {  	s22 =	sadd.s32 $0xFFFFFFFF, s22  }
0x79: {  	p3 =	sne.s32 s22, $0x0  }
.Ltmp1:
0x7a: {  	_ = 	snop;
	(pc) =	sbr.rel @!p3 .LBB2_8-.Ltmp1, $1  }
0x7b: {  	_ =	sdelay $0x3  }
.LBB2_1:
.Ltmp2:
0x7c: {  	(pc) =	sbr.rel @p1 .LBB2_3-.Ltmp2, $1  }
0x7d: {  	_ =	sdelay $0x3  }
0x7e: {  	s23 =	sld [smem:$0x7C4];
	s16 =	smov.u32 s12;
	s12 =	smov.u32 s8  }
0x7f: {  	s8 =	smov.u32 s4;
	s4 =	smov.u32 s24;
	s24 =	smov.u32 s20  }
0x80: {  	s20 =	smov.u32 s14;
	s14 =	smov.u32 s10;
	s10 =	smov.u32 s6  }
0x81: {  	s6 =	smov.u32 s3;
	s3 =	smov.u32 s0;
	s0 =	smov.u32 s30  }
0x82: {  	[tilespmem:s1], [sflag:$0x1] =	stream.linear.gather [hbm4b:s23+s1], $0x6400, $0x38;
	[tilespmem:$0x1F400] =	vst v63  }
0x83: {  	s30 =	smov.u32 s28;
	s28 =	smov.u32 s25;
	s25 =	rddreg [dreg:$0x5]  }
0x84: {  	[tilespmem:s26], [sflag:$0x2] =	stream.linear.gather [hbm4b:s25+s1], $0x6400, $0x38;
	[tilespmem:$0x1F400] =	vst v63  }
0x85: {  	s25 =	rddreg [dreg:$0x6]  }
0x86: {  	[tilespmem:s29], [sflag:$0x3] =	stream.linear.gather [hbm4b:s25+s1], $0x6400, $0x38;
	[tilespmem:$0x1F400] =	vst v63  }
0x87: {  	_ =	swait.ge [sflag:s31], $0x6400  }
0x88: {  	s25 =	sld [smem:$0x7CB]  }
0x89: {  	[sflag:s31] =	ssyncset.done $0x0  }
0x8a: {  	[sflag:s31] =	ssyncadd.s32 $0xFFFF9C00  }
0x8b: {  	[hbm4b:s25+s1] =	stream.linear.scatter [tilespmem:s1], [sflag:$0x6], $0x6400, $0x38;
	[tilespmem:$0x1F400] =	vst v63  }
0x8c: {  	s25 =	rddreg [dreg:$0x7]  }
0x8d: {  	[tilespmem:s2], [sflag:$0x4] =	stream.linear.gather [hbm4b:s25+s1], $0x6400, $0x38;
	[tilespmem:$0x1F400] =	vst v63  }
0x8e: {  	s25 =	rddreg [dreg:$0x16];
	_ =	swait.ge [sflag:s5], $0x6400  }
0x8f: {  	[sflag:s5] =	ssyncset.done $0x0  }
0x90: {  	[sflag:s5] =	ssyncadd.s32 $0xFFFF9C00  }
0x91: {  	[hbm4b:s25+s1] =	stream.linear.scatter [tilespmem:s26], [sflag:$0x7], $0x6400, $0x38;
	[tilespmem:$0x1F400] =	vst v63  }
0x92: {  	s23 =	rddreg [dreg:$0x8]  }
0x93: {  	[tilespmem:s7], [sflag:$0x5] =	stream.linear.gather [hbm4b:s23+s1], $0x6400, $0x38;
	[tilespmem:$0x1F400] =	vst v63  }
0x94: {  	_ =	swait.ge [sflag:s9], $0x6400  }
0x95: {  	[sflag:s9] =	ssyncset.done $0x0  }
0x96: {  	[sflag:s9] =	ssyncadd.s32 $0xFFFF9C00  }
0x97: {  	[hbm4b:s28+s1] =	stream.linear.scatter [tilespmem:s29], [sflag:$0x8], $0x6400, $0x38;
	[tilespmem:$0x1F400] =	vst v63  }
0x98: {  	_ =	swait.ge [sflag:s11], $0x6400  }
0x99: {  	[sflag:s11] =	ssyncset.done $0x0  }
0x9a: {  	s25 =	smov.u32 s28;
	s28 =	rddreg [dreg:$0x9];
	[sflag:s11] =	ssyncadd.s32 $0xFFFF9C00  }
0x9b: {  	[tilespmem:s1], [sflag:$0x1] =	stream.linear.gather [hbm4b:s28+s1], $0x6400, $0x38;
	[tilespmem:$0x1F400] =	vst v63  }
0x9c: {  	_ =	swait.ge [sflag:s13], $0x6400  }
0x9d: {  	[sflag:s13] =	ssyncset.done $0x0  }
0x9e: {  	[sflag:s13] =	ssyncadd.s32 $0xFFFF9C00  }
0x9f: {  	[hbm4b:s30+s1] =	stream.linear.scatter [tilespmem:s2], [sflag:$0x9], $0x6400, $0x38;
	[tilespmem:$0x1F400] =	vst v63  }
0xa0: {  	_ =	swait.ge [sflag:s15], $0x6400  }
0xa1: {  	[sflag:s15] =	ssyncset.done $0x0  }
0xa2: {  	s28 =	smov.u32 s30;
	s30 =	rddreg [dreg:$0xa];
	[sflag:s15] =	ssyncadd.s32 $0xFFFF9C00  }
0xa3: {  	[tilespmem:s26], [sflag:$0x2] =	stream.linear.gather [hbm4b:s30+s1], $0x6400, $0x38;
	[tilespmem:$0x1F400] =	vst v63  }
0xa4: {  	_ =	swait.ge [sflag:s17], $0x6400  }
0xa5: {  	[sflag:s17] =	ssyncset.done $0x0  }
0xa6: {  	[sflag:s17] =	ssyncadd.s32 $0xFFFF9C00  }
0xa7: {  	[hbm4b:s0+s1] =	stream.linear.scatter [tilespmem:s7], [sflag:$0xA], $0x6400, $0x38;
	[tilespmem:$0x1F400] =	vst v63  }
0xa8: {  	_ =	swait.ge [sflag:s18], $0x6400  }
0xa9: {  	[sflag:s18] =	ssyncset.done $0x0  }
0xaa: {  	s23 =	rddreg [dreg:$0xb];
	[sflag:s18] =	ssyncadd.s32 $0xFFFF9C00  }
0xab: {  	[tilespmem:s29], [sflag:$0x3] =	stream.linear.gather [hbm4b:s23+s1], $0x6400, $0x38;
	[tilespmem:$0x1F400] =	vst v63  }
0xac: {  	_ =	swait.ge [sflag:s31], $0x6400  }
0xad: {  	[sflag:s31] =	ssyncset.done $0x0  }
0xae: {  	[sflag:s31] =	ssyncadd.s32 $0xFFFF9C00  }
0xaf: {  	[hbm4b:s3+s1] =	stream.linear.scatter [tilespmem:s1], [sflag:$0x6], $0x6400, $0x38;
	[tilespmem:$0x1F400] =	vst v63  }
0xb0: {  	_ =	swait.ge [sflag:s19], $0x6400  }
0xb1: {  	[sflag:s19] =	ssyncset.done $0x0  }
0xb2: {  	s23 =	rddreg [dreg:$0xc];
	[sflag:s19] =	ssyncadd.s32 $0xFFFF9C00  }
0xb3: {  	[tilespmem:s2], [sflag:$0x4] =	stream.linear.gather [hbm4b:s23+s1], $0x6400, $0x38;
	[tilespmem:$0x1F400] =	vst v63  }
0xb4: {  	_ =	swait.ge [sflag:s5], $0x6400  }
0xb5: {  	[sflag:s5] =	ssyncset.done $0x0  }
0xb6: {  	[sflag:s5] =	ssyncadd.s32 $0xFFFF9C00  }
0xb7: {  	[hbm4b:s6+s1] =	stream.linear.scatter [tilespmem:s26], [sflag:$0x7], $0x6400, $0x38;
	[tilespmem:$0x1F400] =	vst v63  }
0xb8: {  	_ =	swait.ge [sflag:s21], $0x6400  }
0xb9: {  	[sflag:s21] =	ssyncset.done $0x0  }
0xba: {  	s23 =	rddreg [dreg:$0xd];
	[sflag:s21] =	ssyncadd.s32 $0xFFFF9C00  }
0xbb: {  	[tilespmem:s7], [sflag:$0x5] =	stream.linear.gather [hbm4b:s23+s1], $0x6400, $0x38;
	[tilespmem:$0x1F400] =	vst v63  }
0xbc: {  	_ =	swait.ge [sflag:s9], $0x6400  }
0xbd: {  	s30 =	smov.u32 s0;
	s0 =	smov.u32 s3;
	[sflag:s9] =	ssyncset.done $0x0  }
0xbe: {  	s3 =	smov.u32 s6;
	s6 =	smov.u32 s10;
	[sflag:s9] =	ssyncadd.s32 $0xFFFF9C00  }
0xbf: {  	[hbm4b:s6+s1] =	stream.linear.scatter [tilespmem:s29], [sflag:$0x8], $0x6400, $0x38;
	[tilespmem:$0x1F400] =	vst v63  }
0xc0: {  	_ =	swait.ge [sflag:s11], $0x6400  }
0xc1: {  	[sflag:s11] =	ssyncset.done $0x0  }
0xc2: {  	s23 =	rddreg [dreg:$0xe];
	[sflag:s11] =	ssyncadd.s32 $0xFFFF9C00  }
0xc3: {  	[tilespmem:s1], [sflag:$0x1] =	stream.linear.gather [hbm4b:s23+s1], $0x6400, $0x38;
	[tilespmem:$0x1F400] =	vst v63  }
0xc4: {  	_ =	swait.ge [sflag:s13], $0x6400  }
0xc5: {  	[sflag:s13] =	ssyncset.done $0x0  }
0xc6: {  	s10 =	smov.u32 s14;
	[sflag:s13] =	ssyncadd.s32 $0xFFFF9C00  }
0xc7: {  	[hbm4b:s10+s1] =	stream.linear.scatter [tilespmem:s2], [sflag:$0x9], $0x6400, $0x38;
	[tilespmem:$0x1F400] =	vst v63  }
0xc8: {  	_ =	swait.ge [sflag:s15], $0x6400  }
0xc9: {  	[sflag:s15] =	ssyncset.done $0x0  }
0xca: {  	s23 =	rddreg [dreg:$0xf];
	[sflag:s15] =	ssyncadd.s32 $0xFFFF9C00  }
0xcb: {  	[tilespmem:s26], [sflag:$0x2] =	stream.linear.gather [hbm4b:s23+s1], $0x6400, $0x38;
	[tilespmem:$0x1F400] =	vst v63  }
0xcc: {  	_ =	swait.ge [sflag:s17], $0x6400  }
0xcd: {  	[sflag:s17] =	ssyncset.done $0x0  }
0xce: {  	s14 =	smov.u32 s20;
	[sflag:s17] =	ssyncadd.s32 $0xFFFF9C00  }
0xcf: {  	[hbm4b:s14+s1] =	stream.linear.scatter [tilespmem:s7], [sflag:$0xA], $0x6400, $0x38;
	[tilespmem:$0x1F400] =	vst v63  }
0xd0: {  	_ =	swait.ge [sflag:s18], $0x6400  }
0xd1: {  	[sflag:s18] =	ssyncset.done $0x0  }
0xd2: {  	s23 =	rddreg [dreg:$0x10];
	[sflag:s18] =	ssyncadd.s32 $0xFFFF9C00  }
0xd3: {  	[tilespmem:s29], [sflag:$0x3] =	stream.linear.gather [hbm4b:s23+s1], $0x6400, $0x38;
	[tilespmem:$0x1F400] =	vst v63  }
0xd4: {  	_ =	swait.ge [sflag:s31], $0x6400  }
0xd5: {  	[sflag:s31] =	ssyncset.done $0x0  }
0xd6: {  	s20 =	smov.u32 s24;
	[sflag:s31] =	ssyncadd.s32 $0xFFFF9C00  }
0xd7: {  	[hbm4b:s20+s1] =	stream.linear.scatter [tilespmem:s1], [sflag:$0x6], $0x6400, $0x38;
	[tilespmem:$0x1F400] =	vst v63  }
0xd8: {  	_ =	swait.ge [sflag:s19], $0x6400  }
0xd9: {  	[sflag:s19] =	ssyncset.done $0x0  }
0xda: {  	s23 =	rddreg [dreg:$0x11];
	[sflag:s19] =	ssyncadd.s32 $0xFFFF9C00  }
0xdb: {  	[tilespmem:s2], [sflag:$0x4] =	stream.linear.gather [hbm4b:s23+s1], $0x6400, $0x38;
	[tilespmem:$0x1F400] =	vst v63  }
0xdc: {  	_ =	swait.ge [sflag:s5], $0x6400  }
0xdd: {  	[sflag:s5] =	ssyncset.done $0x0  }
0xde: {  	s24 =	smov.u32 s4;
	[sflag:s5] =	ssyncadd.s32 $0xFFFF9C00  }
0xdf: {  	[hbm4b:s24+s1] =	stream.linear.scatter [tilespmem:s26], [sflag:$0x7], $0x6400, $0x38;
	[tilespmem:$0x1F400] =	vst v63  }
0xe0: {  	_ =	swait.ge [sflag:s21], $0x6400  }
0xe1: {  	[sflag:s21] =	ssyncset.done $0x0  }
0xe2: {  	s23 =	rddreg [dreg:$0x12];
	[sflag:s21] =	ssyncadd.s32 $0xFFFF9C00  }
0xe3: {  	[tilespmem:s7], [sflag:$0x5] =	stream.linear.gather [hbm4b:s23+s1], $0x6400, $0x38;
	[tilespmem:$0x1F400] =	vst v63  }
0xe4: {  	_ =	swait.ge [sflag:s9], $0x6400  }
0xe5: {  	[sflag:s9] =	ssyncset.done $0x0  }
0xe6: {  	s4 =	smov.u32 s8;
	[sflag:s9] =	ssyncadd.s32 $0xFFFF9C00  }
0xe7: {  	[hbm4b:s4+s1] =	stream.linear.scatter [tilespmem:s29], [sflag:$0x8], $0x6400, $0x38;
	[tilespmem:$0x1F400] =	vst v63  }
0xe8: {  	_ =	swait.ge [sflag:s11], $0x6400  }
0xe9: {  	[sflag:s11] =	ssyncset.done $0x0  }
0xea: {  	s8 =	smov.u32 s12;
	s23 =	rddreg [dreg:$0x13];
	[sflag:s11] =	ssyncadd.s32 $0xFFFF9C00  }
0xeb: {  	[tilespmem:s1], [sflag:$0x1] =	stream.linear.gather [hbm4b:s23+s1], $0x6400, $0x38;
	[tilespmem:$0x1F400] =	vst v63  }
0xec: {  	s12 =	smov.u32 s16;
	s16 =	rddreg [dreg:$0x14];
	_ =	swait.ge [sflag:s13], $0x6400  }
0xed: {  	[sflag:s13] =	ssyncset.done $0x0  }
0xee: {  	[sflag:s13] =	ssyncadd.s32 $0xFFFF9C00  }
0xef: {  	[hbm4b:s8+s1] =	stream.linear.scatter [tilespmem:s2], [sflag:$0x9], $0x6400, $0x38;
	[tilespmem:$0x1F400] =	vst v63  }
0xf0: {  	_ =	swait.ge [sflag:s15], $0x6400  }
0xf1: {  	[sflag:s15] =	ssyncset.done $0x0  }
0xf2: {  	s23 =	rddreg [dreg:$0x15];
	[sflag:s15] =	ssyncadd.s32 $0xFFFF9C00  }
0xf3: {  	[tilespmem:s26], [sflag:$0x2] =	stream.linear.gather [hbm4b:s23+s1], $0x6400, $0x38;
	[tilespmem:$0x1F400] =	vst v63  }
0xf4: {  	_ =	swait.ge [sflag:s17], $0x6400  }
0xf5: {  	[sflag:s17] =	ssyncset.done $0x0  }
0xf6: {  	[sflag:s17] =	ssyncadd.s32 $0xFFFF9C00  }
0xf7: {  	[hbm4b:s12+s1] =	stream.linear.scatter [tilespmem:s7], [sflag:$0xA], $0x6400, $0x38;
	[tilespmem:$0x1F400] =	vst v63  }
0xf8: {  	_ =	swait.ge [sflag:s18], $0x6400  }
0xf9: {  	[sflag:s18] =	ssyncset.done $0x0  }
0xfa: {  	s23 =	rddreg [dreg:$0x18];
	[sflag:s18] =	ssyncadd.s32 $0xFFFF9C00  }
0xfb: {  	[tilespmem:s29], [sflag:$0x3] =	stream.linear.gather [hbm4b:s23+s1], $0x6400, $0x38;
	[tilespmem:$0x1F400] =	vst v63  }
0xfc: {  	_ =	swait.ge [sflag:s31], $0x6400  }
0xfd: {  	[sflag:s31] =	ssyncset.done $0x0  }
0xfe: {  	[sflag:s31] =	ssyncadd.s32 $0xFFFF9C00  }
0xff: {  	[hbm4b:s16+s1] =	stream.linear.scatter [tilespmem:s1], [sflag:$0x6], $0x6400, $0x38;
	[tilespmem:$0x1F400] =	vst v63  }
0x100: {  	_ =	swait.ge [sflag:s19], $0x6400  }
0x101: {  	[sflag:s19] =	ssyncset.done $0x0  }
0x102: {  	s23 =	rddreg [dreg:$0x1a];
	[sflag:s19] =	ssyncadd.s32 $0xFFFF9C00  }
0x103: {  	[tilespmem:s2], [sflag:$0x4] =	stream.linear.gather [hbm4b:s23+s1], $0x6400, $0x38;
	[tilespmem:$0x1F400] =	vst v63  }
0x104: {  	_ =	swait.ge [sflag:s5], $0x6400  }
0x105: {  	[sflag:s5] =	ssyncset.done $0x0  }
0x106: {  	s23 =	rddreg [dreg:$0x17];
	[sflag:s5] =	ssyncadd.s32 $0xFFFF9C00  }
0x107: {  	[hbm4b:s23+s1] =	stream.linear.scatter [tilespmem:s26], [sflag:$0x7], $0x6400, $0x38;
	[tilespmem:$0x1F400] =	vst v63  }
0x108: {  	_ =	swait.ge [sflag:s21], $0x6400  }
0x109: {  	[sflag:s21] =	ssyncset.done $0x0  }
0x10a: {  	s23 =	rddreg [dreg:$0x1c];
	[sflag:s21] =	ssyncadd.s32 $0xFFFF9C00  }
0x10b: {  	[tilespmem:s7], [sflag:$0x5] =	stream.linear.gather [hbm4b:s23+s1], $0x6400, $0x38;
	[tilespmem:$0x1F400] =	vst v63  }
0x10c: {  	_ =	swait.ge [sflag:s9], $0x6400  }
0x10d: {  	[sflag:s9] =	ssyncset.done $0x0  }
0x10e: {  	s23 =	rddreg [dreg:$0x19];
	[sflag:s9] =	ssyncadd.s32 $0xFFFF9C00  }
0x10f: {  	[hbm4b:s23+s1] =	stream.linear.scatter [tilespmem:s29], [sflag:$0x8], $0x6400, $0x38;
	[tilespmem:$0x1F400] =	vst v63  }
0x110: {  	_ =	swait.ge [sflag:s11], $0x6400  }
0x111: {  	[sflag:s11] =	ssyncset.done $0x0  }
0x112: {  	s23 =	rddreg [dreg:$0x1e];
	[sflag:s11] =	ssyncadd.s32 $0xFFFF9C00  }
0x113: {  	[tilespmem:s1], [sflag:$0x1] =	stream.linear.gather [hbm4b:s23+s1], $0x6400, $0x38;
	[tilespmem:$0x1F400] =	vst v63  }
0x114: {  	_ =	swait.ge [sflag:s13], $0x6400  }
0x115: {  	[sflag:s13] =	ssyncset.done $0x0  }
0x116: {  	s23 =	rddreg [dreg:$0x1b];
	[sflag:s13] =	ssyncadd.s32 $0xFFFF9C00  }
0x117: {  	[hbm4b:s23+s1] =	stream.linear.scatter [tilespmem:s2], [sflag:$0x9], $0x6400, $0x38;
	[tilespmem:$0x1F400] =	vst v63  }
0x118: {  	_ =	swait.ge [sflag:s15], $0x6400  }
0x119: {  	s23 =	sld [smem:$0x7C2]  }
0x11a: {  	[sflag:s15] =	ssyncset.done $0x0  }
0x11b: {  	[sflag:s15] =	ssyncadd.s32 $0xFFFF9C00  }
0x11c: {  	[tilespmem:s26], [sflag:$0x2] =	stream.linear.gather [hbm4b:s23+s1], $0x6400, $0x38;
	[tilespmem:$0x1F400] =	vst v63  }
0x11d: {  	_ =	swait.ge [sflag:s17], $0x6400  }
0x11e: {  	[sflag:s17] =	ssyncset.done $0x0  }
0x11f: {  	s23 =	rddreg [dreg:$0x1d];
	[sflag:s17] =	ssyncadd.s32 $0xFFFF9C00  }
0x120: {  	[hbm4b:s23+s1] =	stream.linear.scatter [tilespmem:s7], [sflag:$0xA], $0x6400, $0x38;
	[tilespmem:$0x1F400] =	vst v63  }
0x121: {  	_ =	swait.ge [sflag:s18], $0x6400  }
0x122: {  	s23 =	sld [smem:$0x7C5]  }
0x123: {  	[sflag:s18] =	ssyncset.done $0x0  }
0x124: {  	[sflag:s18] =	ssyncadd.s32 $0xFFFF9C00  }
0x125: {  	[tilespmem:s29], [sflag:$0x3] =	stream.linear.gather [hbm4b:s23+s1], $0x6400, $0x38;
	[tilespmem:$0x1F400] =	vst v63  }
0x126: {  	_ =	swait.ge [sflag:s31], $0x6400  }
0x127: {  	[sflag:s31] =	ssyncset.done $0x0  }
0x128: {  	s23 =	rddreg [dreg:$0x1f];
	[sflag:s31] =	ssyncadd.s32 $0xFFFF9C00  }
0x129: {  	[hbm4b:s23+s1] =	stream.linear.scatter [tilespmem:s1], [sflag:$0x6], $0x6400, $0x38;
	[tilespmem:$0x1F400] =	vst v63  }
0x12a: {  	_ =	swait.ge [sflag:s19], $0x6400  }
0x12b: {  	s23 =	sld [smem:$0x7C6]  }
0x12c: {  	[sflag:s19] =	ssyncset.done $0x0  }
0x12d: {  	[sflag:s19] =	ssyncadd.s32 $0xFFFF9C00  }
0x12e: {  	[tilespmem:s2], [sflag:$0x4] =	stream.linear.gather [hbm4b:s23+s1], $0x6400, $0x38;
	[tilespmem:$0x1F400] =	vst v63  }
0x12f: {  	_ =	swait.ge [sflag:s5], $0x6400  }
0x130: {  	s23 =	sld [smem:$0x7C3]  }
0x131: {  	[sflag:s5] =	ssyncset.done $0x0  }
0x132: {  	[sflag:s5] =	ssyncadd.s32 $0xFFFF9C00  }
0x133: {  	[hbm4b:s23+s1] =	stream.linear.scatter [tilespmem:s26], [sflag:$0x7], $0x6400, $0x38;
	[tilespmem:$0x1F400] =	vst v63  }
0x134: {  	_ =	swait.ge [sflag:s21], $0x6400  }
0x135: {  	s23 =	sld [smem:$0x7C7]  }
0x136: {  	[sflag:s21] =	ssyncset.done $0x0  }
0x137: {  	[sflag:s21] =	ssyncadd.s32 $0xFFFF9C00  }
0x138: {  	[tilespmem:s7], [sflag:$0x5] =	stream.linear.gather [hbm4b:s23+s1], $0x6400, $0x38;
	[tilespmem:$0x1F400] =	vst v63  }
0x139: {  	_ =	swait.ge [sflag:s9], $0x6400  }
0x13a: {  	s23 =	sld [smem:$0x7C8]  }
0x13b: {  	[sflag:s9] =	ssyncset.done $0x0  }
0x13c: {  	[sflag:s9] =	ssyncadd.s32 $0xFFFF9C00  }
0x13d: {  	[hbm4b:s23+s1] =	stream.linear.scatter [tilespmem:s29], [sflag:$0x8], $0x6400, $0x38;
	[tilespmem:$0x1F400] =	vst v63  }
0x13e: {  	_ =	swait.ge [sflag:s13], $0x6400  }
0x13f: {  	s23 =	sld [smem:$0x7C9]  }
0x140: {  	[sflag:s13] =	ssyncset.done $0x0  }
0x141: {  	[sflag:s13] =	ssyncadd.s32 $0xFFFF9C00  }
0x142: {  	[hbm4b:s23+s1] =	stream.linear.scatter [tilespmem:s2], [sflag:$0x9], $0x6400, $0x38;
	[tilespmem:$0x1F400] =	vst v63  }
0x143: {  	_ =	swait.ge [sflag:s17], $0x6400  }
0x144: {  	s23 =	sld [smem:$0x7CA]  }
0x145: {  	[sflag:s17] =	ssyncset.done $0x0  }
0x146: {  	[sflag:s17] =	ssyncadd.s32 $0xFFFF9C00  }
0x147: {  	[hbm4b:s23+s1] =	stream.linear.scatter [tilespmem:s7], [sflag:$0xA], $0x6400, $0x38;
	[tilespmem:$0x1F400] =	vst v63  }
0x148: {  	_ =	swait.ge [sflag:s11], $0x6400  }
0x149: {  	[sflag:s11] =	ssyncset.done $0x0  }
0x14a: {  	[sflag:s11] =	ssyncadd.s32 $0xFFFF9C00  }
0x14b: {  	_ =	swait.ge [sflag:s15], $0x6400  }
0x14c: {  	[sflag:s15] =	ssyncset.done $0x0  }
0x14d: {  	[sflag:s15] =	ssyncadd.s32 $0xFFFF9C00  }
0x14e: {  	_ =	swait.ge [sflag:s18], $0x6400  }
0x14f: {  	[sflag:s18] =	ssyncset.done $0x0  }
0x150: {  	[sflag:s18] =	ssyncadd.s32 $0xFFFF9C00  }
0x151: {  	_ =	swait.ge [sflag:s19], $0x6400  }
0x152: {  	[sflag:s19] =	ssyncset.done $0x0  }
0x153: {  	[sflag:s19] =	ssyncadd.s32 $0xFFFF9C00  }
0x154: {  	_ =	swait.ge [sflag:s21], $0x6400  }
0x155: {  	[sflag:s21] =	ssyncset.done $0x0  }
0x156: {  	[sflag:s21] =	ssyncadd.s32 $0xFFFF9C00  }
.LBB2_3:
.Ltmp3:
0x157: {  	(pc) =	sbr.rel @p0 .LBB2_5-.Ltmp3, $1  }
0x158: {  	_ =	sdelay $0x3  }
0x159: {  	s23 =	sld [smem:$0x7FC];
	_ =	sdelay $0x2  }
0x15a: {  	[tilespmem:s1], [sflag:$0x1] =	stream.linear.gather [hbm4b:s23+s1], $0x6400, $0x38;
	[tilespmem:$0x1F400] =	vst v63  }
0x15b: {  	s23 =	sld [smem:$0x7CC];
	_ =	sdelay $0x2  }
0x15c: {  	[tilespmem:s26], [sflag:$0x2] =	stream.linear.gather [hbm4b:s23+s1], $0x6400, $0x38;
	[tilespmem:$0x1F400] =	vst v63  }
0x15d: {  	s23 =	sld [smem:$0x7CD];
	_ =	sdelay $0x2  }
0x15e: {  	[tilespmem:s29], [sflag:$0x3] =	stream.linear.gather [hbm4b:s23+s1], $0x6400, $0x38;
	[tilespmem:$0x1F400] =	vst v63  }
0x15f: {  	_ =	swait.ge [sflag:s31], $0x6400  }
0x160: {  	s23 =	sld [smem:$0x7CB]  }
0x161: {  	[sflag:s31] =	ssyncset.done $0x0  }
0x162: {  	[sflag:s31] =	ssyncadd.s32 $0xFFFF9C00  }
0x163: {  	[hbm4b:s23+s1] =	stream.linear.scatter [tilespmem:s1], [sflag:$0x6], $0x6400, $0x38;
	[tilespmem:$0x1F400] =	vst v63  }
0x164: {  	s23 =	sld [smem:$0x7CE];
	_ =	sdelay $0x2  }
0x165: {  	[tilespmem:s2], [sflag:$0x4] =	stream.linear.gather [hbm4b:s23+s1], $0x6400, $0x38;
	[tilespmem:$0x1F400] =	vst v63  }
0x166: {  	_ =	swait.ge [sflag:s5], $0x6400  }
0x167: {  	[sflag:s5] =	ssyncset.done $0x0  }
0x168: {  	s23 =	rddreg [dreg:$0x16];
	[sflag:s5] =	ssyncadd.s32 $0xFFFF9C00  }
0x169: {  	[hbm4b:s23+s1] =	stream.linear.scatter [tilespmem:s26], [sflag:$0x7], $0x6400, $0x38;
	[tilespmem:$0x1F400] =	vst v63  }
0x16a: {  	s23 =	sld [smem:$0x7CF];
	_ =	sdelay $0x2  }
0x16b: {  	[tilespmem:s7], [sflag:$0x5] =	stream.linear.gather [hbm4b:s23+s1], $0x6400, $0x38;
	[tilespmem:$0x1F400] =	vst v63  }
0x16c: {  	_ =	swait.ge [sflag:s9], $0x6400  }
0x16d: {  	[sflag:s9] =	ssyncset.done $0x0  }
0x16e: {  	[sflag:s9] =	ssyncadd.s32 $0xFFFF9C00  }
0x16f: {  	[hbm4b:s25+s1] =	stream.linear.scatter [tilespmem:s29], [sflag:$0x8], $0x6400, $0x38;
	[tilespmem:$0x1F400] =	vst v63  }
0x170: {  	_ =	swait.ge [sflag:s11], $0x6400  }
0x171: {  	s23 =	sld [smem:$0x7D0]  }
0x172: {  	[sflag:s11] =	ssyncset.done $0x0  }
0x173: {  	[sflag:s11] =	ssyncadd.s32 $0xFFFF9C00  }
0x174: {  	[tilespmem:s1], [sflag:$0x1] =	stream.linear.gather [hbm4b:s23+s1], $0x6400, $0x38;
	[tilespmem:$0x1F400] =	vst v63  }
0x175: {  	_ =	swait.ge [sflag:s13], $0x6400  }
0x176: {  	[sflag:s13] =	ssyncset.done $0x0  }
0x177: {  	[sflag:s13] =	ssyncadd.s32 $0xFFFF9C00  }
0x178: {  	[hbm4b:s28+s1] =	stream.linear.scatter [tilespmem:s2], [sflag:$0x9], $0x6400, $0x38;
	[tilespmem:$0x1F400] =	vst v63  }
0x179: {  	_ =	swait.ge [sflag:s15], $0x6400  }
0x17a: {  	s23 =	sld [smem:$0x7D1]  }
0x17b: {  	[sflag:s15] =	ssyncset.done $0x0  }
0x17c: {  	[sflag:s15] =	ssyncadd.s32 $0xFFFF9C00  }
0x17d: {  	[tilespmem:s26], [sflag:$0x2] =	stream.linear.gather [hbm4b:s23+s1], $0x6400, $0x38;
	[tilespmem:$0x1F400] =	vst v63  }
0x17e: {  	_ =	swait.ge [sflag:s17], $0x6400  }
0x17f: {  	[sflag:s17] =	ssyncset.done $0x0  }
0x180: {  	[sflag:s17] =	ssyncadd.s32 $0xFFFF9C00  }
0x181: {  	[hbm4b:s30+s1] =	stream.linear.scatter [tilespmem:s7], [sflag:$0xA], $0x6400, $0x38;
	[tilespmem:$0x1F400] =	vst v63  }
0x182: {  	_ =	swait.ge [sflag:s18], $0x6400  }
0x183: {  	s23 =	sld [smem:$0x7D2]  }
0x184: {  	[sflag:s18] =	ssyncset.done $0x0  }
0x185: {  	[sflag:s18] =	ssyncadd.s32 $0xFFFF9C00  }
0x186: {  	[tilespmem:s29], [sflag:$0x3] =	stream.linear.gather [hbm4b:s23+s1], $0x6400, $0x38;
	[tilespmem:$0x1F400] =	vst v63  }
0x187: {  	_ =	swait.ge [sflag:s31], $0x6400  }
0x188: {  	[sflag:s31] =	ssyncset.done $0x0  }
0x189: {  	[sflag:s31] =	ssyncadd.s32 $0xFFFF9C00  }
0x18a: {  	[hbm4b:s0+s1] =	stream.linear.scatter [tilespmem:s1], [sflag:$0x6], $0x6400, $0x38;
	[tilespmem:$0x1F400] =	vst v63  }
0x18b: {  	_ =	swait.ge [sflag:s19], $0x6400  }
0x18c: {  	s23 =	sld [smem:$0x7D3]  }
0x18d: {  	[sflag:s19] =	ssyncset.done $0x0  }
0x18e: {  	[sflag:s19] =	ssyncadd.s32 $0xFFFF9C00  }
0x18f: {  	[tilespmem:s2], [sflag:$0x4] =	stream.linear.gather [hbm4b:s23+s1], $0x6400, $0x38;
	[tilespmem:$0x1F400] =	vst v63  }
0x190: {  	_ =	swait.ge [sflag:s5], $0x6400  }
0x191: {  	[sflag:s5] =	ssyncset.done $0x0  }
0x192: {  	[sflag:s5] =	ssyncadd.s32 $0xFFFF9C00  }
0x193: {  	[hbm4b:s3+s1] =	stream.linear.scatter [tilespmem:s26], [sflag:$0x7], $0x6400, $0x38;
	[tilespmem:$0x1F400] =	vst v63  }
0x194: {  	_ =	swait.ge [sflag:s21], $0x6400  }
0x195: {  	s23 =	sld [smem:$0x7D4]  }
0x196: {  	[sflag:s21] =	ssyncset.done $0x0  }
0x197: {  	[sflag:s21] =	ssyncadd.s32 $0xFFFF9C00  }
0x198: {  	[tilespmem:s7], [sflag:$0x5] =	stream.linear.gather [hbm4b:s23+s1], $0x6400, $0x38;
	[tilespmem:$0x1F400] =	vst v63  }
0x199: {  	_ =	swait.ge [sflag:s9], $0x6400  }
0x19a: {  	[sflag:s9] =	ssyncset.done $0x0  }
0x19b: {  	[sflag:s9] =	ssyncadd.s32 $0xFFFF9C00  }
0x19c: {  	[hbm4b:s6+s1] =	stream.linear.scatter [tilespmem:s29], [sflag:$0x8], $0x6400, $0x38;
	[tilespmem:$0x1F400] =	vst v63  }
0x19d: {  	_ =	swait.ge [sflag:s11], $0x6400  }
0x19e: {  	s23 =	sld [smem:$0x7D5]  }
0x19f: {  	[sflag:s11] =	ssyncset.done $0x0  }
0x1a0: {  	[sflag:s11] =	ssyncadd.s32 $0xFFFF9C00  }
0x1a1: {  	[tilespmem:s1], [sflag:$0x1] =	stream.linear.gather [hbm4b:s23+s1], $0x6400, $0x38;
	[tilespmem:$0x1F400] =	vst v63  }
0x1a2: {  	_ =	swait.ge [sflag:s13], $0x6400  }
0x1a3: {  	[sflag:s13] =	ssyncset.done $0x0  }
0x1a4: {  	[sflag:s13] =	ssyncadd.s32 $0xFFFF9C00  }
0x1a5: {  	[hbm4b:s10+s1] =	stream.linear.scatter [tilespmem:s2], [sflag:$0x9], $0x6400, $0x38;
	[tilespmem:$0x1F400] =	vst v63  }
0x1a6: {  	_ =	swait.ge [sflag:s15], $0x6400  }
0x1a7: {  	s23 =	sld [smem:$0x7D6]  }
0x1a8: {  	[sflag:s15] =	ssyncset.done $0x0  }
0x1a9: {  	[sflag:s15] =	ssyncadd.s32 $0xFFFF9C00  }
0x1aa: {  	[tilespmem:s26], [sflag:$0x2] =	stream.linear.gather [hbm4b:s23+s1], $0x6400, $0x38;
	[tilespmem:$0x1F400] =	vst v63  }
0x1ab: {  	_ =	swait.ge [sflag:s17], $0x6400  }
0x1ac: {  	[sflag:s17] =	ssyncset.done $0x0  }
0x1ad: {  	[sflag:s17] =	ssyncadd.s32 $0xFFFF9C00  }
0x1ae: {  	[hbm4b:s14+s1] =	stream.linear.scatter [tilespmem:s7], [sflag:$0xA], $0x6400, $0x38;
	[tilespmem:$0x1F400] =	vst v63  }
0x1af: {  	_ =	swait.ge [sflag:s18], $0x6400  }
0x1b0: {  	s23 =	sld [smem:$0x7D7]  }
0x1b1: {  	[sflag:s18] =	ssyncset.done $0x0  }
0x1b2: {  	[sflag:s18] =	ssyncadd.s32 $0xFFFF9C00  }
0x1b3: {  	[tilespmem:s29], [sflag:$0x3] =	stream.linear.gather [hbm4b:s23+s1], $0x6400, $0x38;
	[tilespmem:$0x1F400] =	vst v63  }
0x1b4: {  	_ =	swait.ge [sflag:s31], $0x6400  }
0x1b5: {  	[sflag:s31] =	ssyncset.done $0x0  }
0x1b6: {  	[sflag:s31] =	ssyncadd.s32 $0xFFFF9C00  }
0x1b7: {  	[hbm4b:s20+s1] =	stream.linear.scatter [tilespmem:s1], [sflag:$0x6], $0x6400, $0x38;
	[tilespmem:$0x1F400] =	vst v63  }
0x1b8: {  	_ =	swait.ge [sflag:s19], $0x6400  }
0x1b9: {  	s23 =	sld [smem:$0x7D8]  }
0x1ba: {  	[sflag:s19] =	ssyncset.done $0x0  }
0x1bb: {  	[sflag:s19] =	ssyncadd.s32 $0xFFFF9C00  }
0x1bc: {  	[tilespmem:s2], [sflag:$0x4] =	stream.linear.gather [hbm4b:s23+s1], $0x6400, $0x38;
	[tilespmem:$0x1F400] =	vst v63  }
0x1bd: {  	_ =	swait.ge [sflag:s5], $0x6400  }
0x1be: {  	[sflag:s5] =	ssyncset.done $0x0  }
0x1bf: {  	[sflag:s5] =	ssyncadd.s32 $0xFFFF9C00  }
0x1c0: {  	[hbm4b:s24+s1] =	stream.linear.scatter [tilespmem:s26], [sflag:$0x7], $0x6400, $0x38;
	[tilespmem:$0x1F400] =	vst v63  }
0x1c1: {  	_ =	swait.ge [sflag:s21], $0x6400  }
0x1c2: {  	s23 =	sld [smem:$0x7D9]  }
0x1c3: {  	[sflag:s21] =	ssyncset.done $0x0  }
0x1c4: {  	[sflag:s21] =	ssyncadd.s32 $0xFFFF9C00  }
0x1c5: {  	[tilespmem:s7], [sflag:$0x5] =	stream.linear.gather [hbm4b:s23+s1], $0x6400, $0x38;
	[tilespmem:$0x1F400] =	vst v63  }
0x1c6: {  	_ =	swait.ge [sflag:s9], $0x6400  }
0x1c7: {  	[sflag:s9] =	ssyncset.done $0x0  }
0x1c8: {  	[sflag:s9] =	ssyncadd.s32 $0xFFFF9C00  }
0x1c9: {  	[hbm4b:s4+s1] =	stream.linear.scatter [tilespmem:s29], [sflag:$0x8], $0x6400, $0x38;
	[tilespmem:$0x1F400] =	vst v63  }
0x1ca: {  	_ =	swait.ge [sflag:s11], $0x6400  }
0x1cb: {  	s23 =	sld [smem:$0x7DA]  }
0x1cc: {  	[sflag:s11] =	ssyncset.done $0x0  }
0x1cd: {  	[sflag:s11] =	ssyncadd.s32 $0xFFFF9C00  }
0x1ce: {  	[tilespmem:s1], [sflag:$0x1] =	stream.linear.gather [hbm4b:s23+s1], $0x6400, $0x38;
	[tilespmem:$0x1F400] =	vst v63  }
0x1cf: {  	_ =	swait.ge [sflag:s13], $0x6400  }
0x1d0: {  	[sflag:s13] =	ssyncset.done $0x0  }
0x1d1: {  	[sflag:s13] =	ssyncadd.s32 $0xFFFF9C00  }
0x1d2: {  	[hbm4b:s8+s1] =	stream.linear.scatter [tilespmem:s2], [sflag:$0x9], $0x6400, $0x38;
	[tilespmem:$0x1F400] =	vst v63  }
0x1d3: {  	_ =	swait.ge [sflag:s15], $0x6400  }
0x1d4: {  	s23 =	sld [smem:$0x7DB]  }
0x1d5: {  	[sflag:s15] =	ssyncset.done $0x0  }
0x1d6: {  	[sflag:s15] =	ssyncadd.s32 $0xFFFF9C00  }
0x1d7: {  	[tilespmem:s26], [sflag:$0x2] =	stream.linear.gather [hbm4b:s23+s1], $0x6400, $0x38;
	[tilespmem:$0x1F400] =	vst v63  }
0x1d8: {  	_ =	swait.ge [sflag:s17], $0x6400  }
0x1d9: {  	[sflag:s17] =	ssyncset.done $0x0  }
0x1da: {  	[sflag:s17] =	ssyncadd.s32 $0xFFFF9C00  }
0x1db: {  	[hbm4b:s12+s1] =	stream.linear.scatter [tilespmem:s7], [sflag:$0xA], $0x6400, $0x38;
	[tilespmem:$0x1F400] =	vst v63  }
0x1dc: {  	_ =	swait.ge [sflag:s18], $0x6400  }
0x1dd: {  	s23 =	sld [smem:$0x7DC]  }
0x1de: {  	[sflag:s18] =	ssyncset.done $0x0  }
0x1df: {  	[sflag:s18] =	ssyncadd.s32 $0xFFFF9C00  }
0x1e0: {  	[tilespmem:s29], [sflag:$0x3] =	stream.linear.gather [hbm4b:s23+s1], $0x6400, $0x38;
	[tilespmem:$0x1F400] =	vst v63  }
0x1e1: {  	_ =	swait.ge [sflag:s31], $0x6400  }
0x1e2: {  	[sflag:s31] =	ssyncset.done $0x0  }
0x1e3: {  	[sflag:s31] =	ssyncadd.s32 $0xFFFF9C00  }
0x1e4: {  	[hbm4b:s16+s1] =	stream.linear.scatter [tilespmem:s1], [sflag:$0x6], $0x6400, $0x38;
	[tilespmem:$0x1F400] =	vst v63  }
0x1e5: {  	_ =	swait.ge [sflag:s19], $0x6400  }
0x1e6: {  	s23 =	sld [smem:$0x7DD]  }
0x1e7: {  	[sflag:s19] =	ssyncset.done $0x0  }
0x1e8: {  	[sflag:s19] =	ssyncadd.s32 $0xFFFF9C00  }
0x1e9: {  	[tilespmem:s2], [sflag:$0x4] =	stream.linear.gather [hbm4b:s23+s1], $0x6400, $0x38;
	[tilespmem:$0x1F400] =	vst v63  }
0x1ea: {  	_ =	swait.ge [sflag:s5], $0x6400  }
0x1eb: {  	[sflag:s5] =	ssyncset.done $0x0  }
0x1ec: {  	s23 =	rddreg [dreg:$0x17];
	[sflag:s5] =	ssyncadd.s32 $0xFFFF9C00  }
0x1ed: {  	[hbm4b:s23+s1] =	stream.linear.scatter [tilespmem:s26], [sflag:$0x7], $0x6400, $0x38;
	[tilespmem:$0x1F400] =	vst v63  }
0x1ee: {  	_ =	swait.ge [sflag:s21], $0x6400  }
0x1ef: {  	s23 =	sld [smem:$0x7DE]  }
0x1f0: {  	[sflag:s21] =	ssyncset.done $0x0  }
0x1f1: {  	[sflag:s21] =	ssyncadd.s32 $0xFFFF9C00  }
0x1f2: {  	[tilespmem:s7], [sflag:$0x5] =	stream.linear.gather [hbm4b:s23+s1], $0x6400, $0x38;
	[tilespmem:$0x1F400] =	vst v63  }
0x1f3: {  	_ =	swait.ge [sflag:s9], $0x6400  }
0x1f4: {  	[sflag:s9] =	ssyncset.done $0x0  }
0x1f5: {  	s23 =	rddreg [dreg:$0x19];
	[sflag:s9] =	ssyncadd.s32 $0xFFFF9C00  }
0x1f6: {  	[hbm4b:s23+s1] =	stream.linear.scatter [tilespmem:s29], [sflag:$0x8], $0x6400, $0x38;
	[tilespmem:$0x1F400] =	vst v63  }
0x1f7: {  	_ =	swait.ge [sflag:s11], $0x6400  }
0x1f8: {  	s23 =	sld [smem:$0x7DF]  }
0x1f9: {  	[sflag:s11] =	ssyncset.done $0x0  }
0x1fa: {  	[sflag:s11] =	ssyncadd.s32 $0xFFFF9C00  }
0x1fb: {  	[tilespmem:s1], [sflag:$0x1] =	stream.linear.gather [hbm4b:s23+s1], $0x6400, $0x38;
	[tilespmem:$0x1F400] =	vst v63  }
0x1fc: {  	_ =	swait.ge [sflag:s13], $0x6400  }
0x1fd: {  	[sflag:s13] =	ssyncset.done $0x0  }
0x1fe: {  	s23 =	rddreg [dreg:$0x1b];
	[sflag:s13] =	ssyncadd.s32 $0xFFFF9C00  }
0x1ff: {  	[hbm4b:s23+s1] =	stream.linear.scatter [tilespmem:s2], [sflag:$0x9], $0x6400, $0x38;
	[tilespmem:$0x1F400] =	vst v63  }
0x200: {  	_ =	swait.ge [sflag:s15], $0x6400  }
0x201: {  	s23 =	sld [smem:$0x7E0]  }
0x202: {  	[sflag:s15] =	ssyncset.done $0x0  }
0x203: {  	[sflag:s15] =	ssyncadd.s32 $0xFFFF9C00  }
0x204: {  	[tilespmem:s26], [sflag:$0x2] =	stream.linear.gather [hbm4b:s23+s1], $0x6400, $0x38;
	[tilespmem:$0x1F400] =	vst v63  }
0x205: {  	_ =	swait.ge [sflag:s17], $0x6400  }
0x206: {  	[sflag:s17] =	ssyncset.done $0x0  }
0x207: {  	s23 =	rddreg [dreg:$0x1d];
	[sflag:s17] =	ssyncadd.s32 $0xFFFF9C00  }
0x208: {  	[hbm4b:s23+s1] =	stream.linear.scatter [tilespmem:s7], [sflag:$0xA], $0x6400, $0x38;
	[tilespmem:$0x1F400] =	vst v63  }
0x209: {  	_ =	swait.ge [sflag:s18], $0x6400  }
0x20a: {  	s23 =	sld [smem:$0x7E1]  }
0x20b: {  	[sflag:s18] =	ssyncset.done $0x0  }
0x20c: {  	[sflag:s18] =	ssyncadd.s32 $0xFFFF9C00  }
0x20d: {  	[tilespmem:s29], [sflag:$0x3] =	stream.linear.gather [hbm4b:s23+s1], $0x6400, $0x38;
	[tilespmem:$0x1F400] =	vst v63  }
0x20e: {  	_ =	swait.ge [sflag:s31], $0x6400  }
0x20f: {  	[sflag:s31] =	ssyncset.done $0x0  }
0x210: {  	s23 =	rddreg [dreg:$0x1f];
	[sflag:s31] =	ssyncadd.s32 $0xFFFF9C00  }
0x211: {  	[hbm4b:s23+s1] =	stream.linear.scatter [tilespmem:s1], [sflag:$0x6], $0x6400, $0x38;
	[tilespmem:$0x1F400] =	vst v63  }
0x212: {  	_ =	swait.ge [sflag:s19], $0x6400  }
0x213: {  	s23 =	sld [smem:$0x7E2]  }
0x214: {  	[sflag:s19] =	ssyncset.done $0x0  }
0x215: {  	[sflag:s19] =	ssyncadd.s32 $0xFFFF9C00  }
0x216: {  	[tilespmem:s2], [sflag:$0x4] =	stream.linear.gather [hbm4b:s23+s1], $0x6400, $0x38;
	[tilespmem:$0x1F400] =	vst v63  }
0x217: {  	_ =	swait.ge [sflag:s5], $0x6400  }
0x218: {  	s23 =	sld [smem:$0x7C3]  }
0x219: {  	[sflag:s5] =	ssyncset.done $0x0  }
0x21a: {  	[sflag:s5] =	ssyncadd.s32 $0xFFFF9C00  }
0x21b: {  	[hbm4b:s23+s1] =	stream.linear.scatter [tilespmem:s26], [sflag:$0x7], $0x6400, $0x38;
	[tilespmem:$0x1F400] =	vst v63  }
0x21c: {  	_ =	swait.ge [sflag:s21], $0x6400  }
0x21d: {  	s23 =	sld [smem:$0x7E3]  }
0x21e: {  	[sflag:s21] =	ssyncset.done $0x0  }
0x21f: {  	[sflag:s21] =	ssyncadd.s32 $0xFFFF9C00  }
0x220: {  	[tilespmem:s7], [sflag:$0x5] =	stream.linear.gather [hbm4b:s23+s1], $0x6400, $0x38;
	[tilespmem:$0x1F400] =	vst v63  }
0x221: {  	_ =	swait.ge [sflag:s9], $0x6400  }
0x222: {  	s23 =	sld [smem:$0x7C8]  }
0x223: {  	[sflag:s9] =	ssyncset.done $0x0  }
0x224: {  	[sflag:s9] =	ssyncadd.s32 $0xFFFF9C00  }
0x225: {  	[hbm4b:s23+s1] =	stream.linear.scatter [tilespmem:s29], [sflag:$0x8], $0x6400, $0x38;
	[tilespmem:$0x1F400] =	vst v63  }
0x226: {  	_ =	swait.ge [sflag:s13], $0x6400  }
0x227: {  	s23 =	sld [smem:$0x7C9]  }
0x228: {  	[sflag:s13] =	ssyncset.done $0x0  }
0x229: {  	[sflag:s13] =	ssyncadd.s32 $0xFFFF9C00  }
0x22a: {  	[hbm4b:s23+s1] =	stream.linear.scatter [tilespmem:s2], [sflag:$0x9], $0x6400, $0x38;
	[tilespmem:$0x1F400] =	vst v63  }
0x22b: {  	_ =	swait.ge [sflag:s17], $0x6400  }
0x22c: {  	s23 =	sld [smem:$0x7CA]  }
0x22d: {  	[sflag:s17] =	ssyncset.done $0x0  }
0x22e: {  	[sflag:s17] =	ssyncadd.s32 $0xFFFF9C00  }
0x22f: {  	[hbm4b:s23+s1] =	stream.linear.scatter [tilespmem:s7], [sflag:$0xA], $0x6400, $0x38;
	[tilespmem:$0x1F400] =	vst v63  }
0x230: {  	_ =	swait.ge [sflag:s11], $0x6400  }
0x231: {  	[sflag:s11] =	ssyncset.done $0x0  }
0x232: {  	[sflag:s11] =	ssyncadd.s32 $0xFFFF9C00  }
0x233: {  	_ =	swait.ge [sflag:s15], $0x6400  }
0x234: {  	[sflag:s15] =	ssyncset.done $0x0  }
0x235: {  	[sflag:s15] =	ssyncadd.s32 $0xFFFF9C00  }
0x236: {  	_ =	swait.ge [sflag:s18], $0x6400  }
0x237: {  	[sflag:s18] =	ssyncset.done $0x0  }
0x238: {  	[sflag:s18] =	ssyncadd.s32 $0xFFFF9C00  }
0x239: {  	_ =	swait.ge [sflag:s19], $0x6400  }
0x23a: {  	[sflag:s19] =	ssyncset.done $0x0  }
0x23b: {  	[sflag:s19] =	ssyncadd.s32 $0xFFFF9C00  }
0x23c: {  	_ =	swait.ge [sflag:s21], $0x6400  }
0x23d: {  	[sflag:s21] =	ssyncset.done $0x0  }
0x23e: {  	[sflag:s21] =	ssyncadd.s32 $0xFFFF9C00  }
.LBB2_5:
.Ltmp4:
0x23f: {  	(pc) =	sbr.rel @p2 .LBB2_7-.Ltmp4, $1  }
0x240: {  	_ =	sdelay $0x3  }
0x241: {  	s23 =	sld [smem:$0x7FD];
	_ =	sdelay $0x2  }
0x242: {  	[tilespmem:s1], [sflag:$0x1] =	stream.linear.gather [hbm4b:s23+s1], $0x6400, $0x38;
	[tilespmem:$0x1F400] =	vst v63  }
0x243: {  	s23 =	sld [smem:$0x7E4];
	_ =	sdelay $0x2  }
0x244: {  	[tilespmem:s26], [sflag:$0x2] =	stream.linear.gather [hbm4b:s23+s1], $0x6400, $0x38;
	[tilespmem:$0x1F400] =	vst v63  }
0x245: {  	s23 =	sld [smem:$0x7E5];
	_ =	sdelay $0x2  }
0x246: {  	[tilespmem:s29], [sflag:$0x3] =	stream.linear.gather [hbm4b:s23+s1], $0x6400, $0x38;
	[tilespmem:$0x1F400] =	vst v63  }
0x247: {  	_ =	swait.ge [sflag:s31], $0x6400  }
0x248: {  	s23 =	sld [smem:$0x7CB]  }
0x249: {  	[sflag:s31] =	ssyncset.done $0x0  }
0x24a: {  	[sflag:s31] =	ssyncadd.s32 $0xFFFF9C00  }
0x24b: {  	[hbm4b:s23+s1] =	stream.linear.scatter [tilespmem:s1], [sflag:$0x6], $0x6400, $0x38;
	[tilespmem:$0x1F400] =	vst v63  }
0x24c: {  	s23 =	sld [smem:$0x7E6];
	_ =	sdelay $0x2  }
0x24d: {  	[tilespmem:s2], [sflag:$0x4] =	stream.linear.gather [hbm4b:s23+s1], $0x6400, $0x38;
	[tilespmem:$0x1F400] =	vst v63  }
0x24e: {  	_ =	swait.ge [sflag:s5], $0x6400  }
0x24f: {  	[sflag:s5] =	ssyncset.done $0x0  }
0x250: {  	s23 =	rddreg [dreg:$0x16];
	[sflag:s5] =	ssyncadd.s32 $0xFFFF9C00  }
0x251: {  	[hbm4b:s23+s1] =	stream.linear.scatter [tilespmem:s26], [sflag:$0x7], $0x6400, $0x38;
	[tilespmem:$0x1F400] =	vst v63  }
0x252: {  	s23 =	sld [smem:$0x7E7];
	_ =	sdelay $0x2  }
0x253: {  	[tilespmem:s7], [sflag:$0x5] =	stream.linear.gather [hbm4b:s23+s1], $0x6400, $0x38;
	[tilespmem:$0x1F400] =	vst v63  }
0x254: {  	_ =	swait.ge [sflag:s9], $0x6400  }
0x255: {  	[sflag:s9] =	ssyncset.done $0x0  }
0x256: {  	[sflag:s9] =	ssyncadd.s32 $0xFFFF9C00  }
0x257: {  	[hbm4b:s25+s1] =	stream.linear.scatter [tilespmem:s29], [sflag:$0x8], $0x6400, $0x38;
	[tilespmem:$0x1F400] =	vst v63  }
0x258: {  	_ =	swait.ge [sflag:s11], $0x6400  }
0x259: {  	s23 =	sld [smem:$0x7E8]  }
0x25a: {  	[sflag:s11] =	ssyncset.done $0x0  }
0x25b: {  	[sflag:s11] =	ssyncadd.s32 $0xFFFF9C00  }
0x25c: {  	[tilespmem:s1], [sflag:$0x1] =	stream.linear.gather [hbm4b:s23+s1], $0x6400, $0x38;
	[tilespmem:$0x1F400] =	vst v63  }
0x25d: {  	_ =	swait.ge [sflag:s13], $0x6400  }
0x25e: {  	[sflag:s13] =	ssyncset.done $0x0  }
0x25f: {  	[sflag:s13] =	ssyncadd.s32 $0xFFFF9C00  }
0x260: {  	[hbm4b:s28+s1] =	stream.linear.scatter [tilespmem:s2], [sflag:$0x9], $0x6400, $0x38;
	[tilespmem:$0x1F400] =	vst v63  }
0x261: {  	_ =	swait.ge [sflag:s15], $0x6400  }
0x262: {  	s23 =	sld [smem:$0x7E9]  }
0x263: {  	[sflag:s15] =	ssyncset.done $0x0  }
0x264: {  	[sflag:s15] =	ssyncadd.s32 $0xFFFF9C00  }
0x265: {  	[tilespmem:s26], [sflag:$0x2] =	stream.linear.gather [hbm4b:s23+s1], $0x6400, $0x38;
	[tilespmem:$0x1F400] =	vst v63  }
0x266: {  	_ =	swait.ge [sflag:s17], $0x6400  }
0x267: {  	[sflag:s17] =	ssyncset.done $0x0  }
0x268: {  	[sflag:s17] =	ssyncadd.s32 $0xFFFF9C00  }
0x269: {  	[hbm4b:s30+s1] =	stream.linear.scatter [tilespmem:s7], [sflag:$0xA], $0x6400, $0x38;
	[tilespmem:$0x1F400] =	vst v63  }
0x26a: {  	_ =	swait.ge [sflag:s18], $0x6400  }
0x26b: {  	s23 =	sld [smem:$0x7EA]  }
0x26c: {  	[sflag:s18] =	ssyncset.done $0x0  }
0x26d: {  	[sflag:s18] =	ssyncadd.s32 $0xFFFF9C00  }
0x26e: {  	[tilespmem:s29], [sflag:$0x3] =	stream.linear.gather [hbm4b:s23+s1], $0x6400, $0x38;
	[tilespmem:$0x1F400] =	vst v63  }
0x26f: {  	_ =	swait.ge [sflag:s31], $0x6400  }
0x270: {  	[sflag:s31] =	ssyncset.done $0x0  }
0x271: {  	[sflag:s31] =	ssyncadd.s32 $0xFFFF9C00  }
0x272: {  	[hbm4b:s0+s1] =	stream.linear.scatter [tilespmem:s1], [sflag:$0x6], $0x6400, $0x38;
	[tilespmem:$0x1F400] =	vst v63  }
0x273: {  	_ =	swait.ge [sflag:s19], $0x6400  }
0x274: {  	s23 =	sld [smem:$0x7EB]  }
0x275: {  	[sflag:s19] =	ssyncset.done $0x0  }
0x276: {  	[sflag:s19] =	ssyncadd.s32 $0xFFFF9C00  }
0x277: {  	[tilespmem:s2], [sflag:$0x4] =	stream.linear.gather [hbm4b:s23+s1], $0x6400, $0x38;
	[tilespmem:$0x1F400] =	vst v63  }
0x278: {  	_ =	swait.ge [sflag:s5], $0x6400  }
0x279: {  	[sflag:s5] =	ssyncset.done $0x0  }
0x27a: {  	[sflag:s5] =	ssyncadd.s32 $0xFFFF9C00  }
0x27b: {  	[hbm4b:s3+s1] =	stream.linear.scatter [tilespmem:s26], [sflag:$0x7], $0x6400, $0x38;
	[tilespmem:$0x1F400] =	vst v63  }
0x27c: {  	_ =	swait.ge [sflag:s21], $0x6400  }
0x27d: {  	s23 =	sld [smem:$0x7EC]  }
0x27e: {  	[sflag:s21] =	ssyncset.done $0x0  }
0x27f: {  	[sflag:s21] =	ssyncadd.s32 $0xFFFF9C00  }
0x280: {  	[tilespmem:s7], [sflag:$0x5] =	stream.linear.gather [hbm4b:s23+s1], $0x6400, $0x38;
	[tilespmem:$0x1F400] =	vst v63  }
0x281: {  	_ =	swait.ge [sflag:s9], $0x6400  }
0x282: {  	[sflag:s9] =	ssyncset.done $0x0  }
0x283: {  	[sflag:s9] =	ssyncadd.s32 $0xFFFF9C00  }
0x284: {  	[hbm4b:s6+s1] =	stream.linear.scatter [tilespmem:s29], [sflag:$0x8], $0x6400, $0x38;
	[tilespmem:$0x1F400] =	vst v63  }
0x285: {  	_ =	swait.ge [sflag:s11], $0x6400  }
0x286: {  	s23 =	sld [smem:$0x7ED]  }
0x287: {  	[sflag:s11] =	ssyncset.done $0x0  }
0x288: {  	[sflag:s11] =	ssyncadd.s32 $0xFFFF9C00  }
0x289: {  	[tilespmem:s1], [sflag:$0x1] =	stream.linear.gather [hbm4b:s23+s1], $0x6400, $0x38;
	[tilespmem:$0x1F400] =	vst v63  }
0x28a: {  	_ =	swait.ge [sflag:s13], $0x6400  }
0x28b: {  	[sflag:s13] =	ssyncset.done $0x0  }
0x28c: {  	[sflag:s13] =	ssyncadd.s32 $0xFFFF9C00  }
0x28d: {  	[hbm4b:s10+s1] =	stream.linear.scatter [tilespmem:s2], [sflag:$0x9], $0x6400, $0x38;
	[tilespmem:$0x1F400] =	vst v63  }
0x28e: {  	_ =	swait.ge [sflag:s15], $0x6400  }
0x28f: {  	s23 =	sld [smem:$0x7EE]  }
0x290: {  	[sflag:s15] =	ssyncset.done $0x0  }
0x291: {  	[sflag:s15] =	ssyncadd.s32 $0xFFFF9C00  }
0x292: {  	[tilespmem:s26], [sflag:$0x2] =	stream.linear.gather [hbm4b:s23+s1], $0x6400, $0x38;
	[tilespmem:$0x1F400] =	vst v63  }
0x293: {  	_ =	swait.ge [sflag:s17], $0x6400  }
0x294: {  	[sflag:s17] =	ssyncset.done $0x0  }
0x295: {  	[sflag:s17] =	ssyncadd.s32 $0xFFFF9C00  }
0x296: {  	[hbm4b:s14+s1] =	stream.linear.scatter [tilespmem:s7], [sflag:$0xA], $0x6400, $0x38;
	[tilespmem:$0x1F400] =	vst v63  }
0x297: {  	_ =	swait.ge [sflag:s18], $0x6400  }
0x298: {  	s23 =	sld [smem:$0x7EF]  }
0x299: {  	[sflag:s18] =	ssyncset.done $0x0  }
0x29a: {  	[sflag:s18] =	ssyncadd.s32 $0xFFFF9C00  }
0x29b: {  	[tilespmem:s29], [sflag:$0x3] =	stream.linear.gather [hbm4b:s23+s1], $0x6400, $0x38;
	[tilespmem:$0x1F400] =	vst v63  }
0x29c: {  	_ =	swait.ge [sflag:s31], $0x6400  }
0x29d: {  	[sflag:s31] =	ssyncset.done $0x0  }
0x29e: {  	[sflag:s31] =	ssyncadd.s32 $0xFFFF9C00  }
0x29f: {  	[hbm4b:s20+s1] =	stream.linear.scatter [tilespmem:s1], [sflag:$0x6], $0x6400, $0x38;
	[tilespmem:$0x1F400] =	vst v63  }
0x2a0: {  	_ =	swait.ge [sflag:s19], $0x6400  }
0x2a1: {  	s23 =	sld [smem:$0x7F0]  }
0x2a2: {  	[sflag:s19] =	ssyncset.done $0x0  }
0x2a3: {  	[sflag:s19] =	ssyncadd.s32 $0xFFFF9C00  }
0x2a4: {  	[tilespmem:s2], [sflag:$0x4] =	stream.linear.gather [hbm4b:s23+s1], $0x6400, $0x38;
	[tilespmem:$0x1F400] =	vst v63  }
0x2a5: {  	_ =	swait.ge [sflag:s5], $0x6400  }
0x2a6: {  	[sflag:s5] =	ssyncset.done $0x0  }
0x2a7: {  	[sflag:s5] =	ssyncadd.s32 $0xFFFF9C00  }
0x2a8: {  	[hbm4b:s24+s1] =	stream.linear.scatter [tilespmem:s26], [sflag:$0x7], $0x6400, $0x38;
	[tilespmem:$0x1F400] =	vst v63  }
0x2a9: {  	_ =	swait.ge [sflag:s21], $0x6400  }
0x2aa: {  	s23 =	sld [smem:$0x7F1]  }
0x2ab: {  	[sflag:s21] =	ssyncset.done $0x0  }
0x2ac: {  	[sflag:s21] =	ssyncadd.s32 $0xFFFF9C00  }
0x2ad: {  	[tilespmem:s7], [sflag:$0x5] =	stream.linear.gather [hbm4b:s23+s1], $0x6400, $0x38;
	[tilespmem:$0x1F400] =	vst v63  }
0x2ae: {  	_ =	swait.ge [sflag:s9], $0x6400  }
0x2af: {  	[sflag:s9] =	ssyncset.done $0x0  }
0x2b0: {  	[sflag:s9] =	ssyncadd.s32 $0xFFFF9C00  }
0x2b1: {  	[hbm4b:s4+s1] =	stream.linear.scatter [tilespmem:s29], [sflag:$0x8], $0x6400, $0x38;
	[tilespmem:$0x1F400] =	vst v63  }
0x2b2: {  	_ =	swait.ge [sflag:s11], $0x6400  }
0x2b3: {  	s23 =	sld [smem:$0x7F2]  }
0x2b4: {  	[sflag:s11] =	ssyncset.done $0x0  }
0x2b5: {  	[sflag:s11] =	ssyncadd.s32 $0xFFFF9C00  }
0x2b6: {  	[tilespmem:s1], [sflag:$0x1] =	stream.linear.gather [hbm4b:s23+s1], $0x6400, $0x38;
	[tilespmem:$0x1F400] =	vst v63  }
0x2b7: {  	_ =	swait.ge [sflag:s13], $0x6400  }
0x2b8: {  	[sflag:s13] =	ssyncset.done $0x0  }
0x2b9: {  	[sflag:s13] =	ssyncadd.s32 $0xFFFF9C00  }
0x2ba: {  	[hbm4b:s8+s1] =	stream.linear.scatter [tilespmem:s2], [sflag:$0x9], $0x6400, $0x38;
	[tilespmem:$0x1F400] =	vst v63  }
0x2bb: {  	_ =	swait.ge [sflag:s15], $0x6400  }
0x2bc: {  	s23 =	sld [smem:$0x7F3]  }
0x2bd: {  	[sflag:s15] =	ssyncset.done $0x0  }
0x2be: {  	[sflag:s15] =	ssyncadd.s32 $0xFFFF9C00  }
0x2bf: {  	[tilespmem:s26], [sflag:$0x2] =	stream.linear.gather [hbm4b:s23+s1], $0x6400, $0x38;
	[tilespmem:$0x1F400] =	vst v63  }
0x2c0: {  	_ =	swait.ge [sflag:s17], $0x6400  }
0x2c1: {  	[sflag:s17] =	ssyncset.done $0x0  }
0x2c2: {  	[sflag:s17] =	ssyncadd.s32 $0xFFFF9C00  }
0x2c3: {  	[hbm4b:s12+s1] =	stream.linear.scatter [tilespmem:s7], [sflag:$0xA], $0x6400, $0x38;
	[tilespmem:$0x1F400] =	vst v63  }
0x2c4: {  	_ =	swait.ge [sflag:s18], $0x6400  }
0x2c5: {  	s23 =	sld [smem:$0x7F4]  }
0x2c6: {  	[sflag:s18] =	ssyncset.done $0x0  }
0x2c7: {  	[sflag:s18] =	ssyncadd.s32 $0xFFFF9C00  }
0x2c8: {  	[tilespmem:s29], [sflag:$0x3] =	stream.linear.gather [hbm4b:s23+s1], $0x6400, $0x38;
	[tilespmem:$0x1F400] =	vst v63  }
0x2c9: {  	_ =	swait.ge [sflag:s31], $0x6400  }
0x2ca: {  	[sflag:s31] =	ssyncset.done $0x0  }
0x2cb: {  	[sflag:s31] =	ssyncadd.s32 $0xFFFF9C00  }
0x2cc: {  	[hbm4b:s16+s1] =	stream.linear.scatter [tilespmem:s1], [sflag:$0x6], $0x6400, $0x38;
	[tilespmem:$0x1F400] =	vst v63  }
0x2cd: {  	_ =	swait.ge [sflag:s19], $0x6400  }
0x2ce: {  	s23 =	sld [smem:$0x7F5]  }
0x2cf: {  	[sflag:s19] =	ssyncset.done $0x0  }
0x2d0: {  	[sflag:s19] =	ssyncadd.s32 $0xFFFF9C00  }
0x2d1: {  	[tilespmem:s2], [sflag:$0x4] =	stream.linear.gather [hbm4b:s23+s1], $0x6400, $0x38;
	[tilespmem:$0x1F400] =	vst v63  }
0x2d2: {  	_ =	swait.ge [sflag:s5], $0x6400  }
0x2d3: {  	[sflag:s5] =	ssyncset.done $0x0  }
0x2d4: {  	s23 =	rddreg [dreg:$0x17];
	[sflag:s5] =	ssyncadd.s32 $0xFFFF9C00  }
0x2d5: {  	[hbm4b:s23+s1] =	stream.linear.scatter [tilespmem:s26], [sflag:$0x7], $0x6400, $0x38;
	[tilespmem:$0x1F400] =	vst v63  }
0x2d6: {  	_ =	swait.ge [sflag:s21], $0x6400  }
0x2d7: {  	s23 =	sld [smem:$0x7F6]  }
0x2d8: {  	[sflag:s21] =	ssyncset.done $0x0  }
0x2d9: {  	[sflag:s21] =	ssyncadd.s32 $0xFFFF9C00  }
0x2da: {  	[tilespmem:s7], [sflag:$0x5] =	stream.linear.gather [hbm4b:s23+s1], $0x6400, $0x38;
	[tilespmem:$0x1F400] =	vst v63  }
0x2db: {  	_ =	swait.ge [sflag:s9], $0x6400  }
0x2dc: {  	[sflag:s9] =	ssyncset.done $0x0  }
0x2dd: {  	s23 =	rddreg [dreg:$0x19];
	[sflag:s9] =	ssyncadd.s32 $0xFFFF9C00  }
0x2de: {  	[hbm4b:s23+s1] =	stream.linear.scatter [tilespmem:s29], [sflag:$0x8], $0x6400, $0x38;
	[tilespmem:$0x1F400] =	vst v63  }
0x2df: {  	_ =	swait.ge [sflag:s11], $0x6400  }
0x2e0: {  	s23 =	sld [smem:$0x7F7]  }
0x2e1: {  	[sflag:s11] =	ssyncset.done $0x0  }
0x2e2: {  	[sflag:s11] =	ssyncadd.s32 $0xFFFF9C00  }
0x2e3: {  	[tilespmem:s1], [sflag:$0x1] =	stream.linear.gather [hbm4b:s23+s1], $0x6400, $0x38;
	[tilespmem:$0x1F400] =	vst v63  }
0x2e4: {  	_ =	swait.ge [sflag:s13], $0x6400  }
0x2e5: {  	[sflag:s13] =	ssyncset.done $0x0  }
0x2e6: {  	s23 =	rddreg [dreg:$0x1b];
	[sflag:s13] =	ssyncadd.s32 $0xFFFF9C00  }
0x2e7: {  	[hbm4b:s23+s1] =	stream.linear.scatter [tilespmem:s2], [sflag:$0x9], $0x6400, $0x38;
	[tilespmem:$0x1F400] =	vst v63  }
0x2e8: {  	_ =	swait.ge [sflag:s15], $0x6400  }
0x2e9: {  	s23 =	sld [smem:$0x7F8]  }
0x2ea: {  	[sflag:s15] =	ssyncset.done $0x0  }
0x2eb: {  	[sflag:s15] =	ssyncadd.s32 $0xFFFF9C00  }
0x2ec: {  	[tilespmem:s26], [sflag:$0x2] =	stream.linear.gather [hbm4b:s23+s1], $0x6400, $0x38;
	[tilespmem:$0x1F400] =	vst v63  }
0x2ed: {  	_ =	swait.ge [sflag:s17], $0x6400  }
0x2ee: {  	[sflag:s17] =	ssyncset.done $0x0  }
0x2ef: {  	s23 =	rddreg [dreg:$0x1d];
	[sflag:s17] =	ssyncadd.s32 $0xFFFF9C00  }
0x2f0: {  	[hbm4b:s23+s1] =	stream.linear.scatter [tilespmem:s7], [sflag:$0xA], $0x6400, $0x38;
	[tilespmem:$0x1F400] =	vst v63  }
0x2f1: {  	_ =	swait.ge [sflag:s18], $0x6400  }
0x2f2: {  	s23 =	sld [smem:$0x7F9]  }
0x2f3: {  	[sflag:s18] =	ssyncset.done $0x0  }
0x2f4: {  	[sflag:s18] =	ssyncadd.s32 $0xFFFF9C00  }
0x2f5: {  	[tilespmem:s29], [sflag:$0x3] =	stream.linear.gather [hbm4b:s23+s1], $0x6400, $0x38;
	[tilespmem:$0x1F400] =	vst v63  }
0x2f6: {  	_ =	swait.ge [sflag:s31], $0x6400  }
0x2f7: {  	[sflag:s31] =	ssyncset.done $0x0  }
0x2f8: {  	s23 =	rddreg [dreg:$0x1f];
	[sflag:s31] =	ssyncadd.s32 $0xFFFF9C00  }
0x2f9: {  	[hbm4b:s23+s1] =	stream.linear.scatter [tilespmem:s1], [sflag:$0x6], $0x6400, $0x38;
	[tilespmem:$0x1F400] =	vst v63  }
0x2fa: {  	_ =	swait.ge [sflag:s19], $0x6400  }
0x2fb: {  	s23 =	sld [smem:$0x7FA]  }
0x2fc: {  	[sflag:s19] =	ssyncset.done $0x0  }
0x2fd: {  	[sflag:s19] =	ssyncadd.s32 $0xFFFF9C00  }
0x2fe: {  	[tilespmem:s2], [sflag:$0x4] =	stream.linear.gather [hbm4b:s23+s1], $0x6400, $0x38;
	[tilespmem:$0x1F400] =	vst v63  }
0x2ff: {  	_ =	swait.ge [sflag:s5], $0x6400  }
0x300: {  	s23 =	sld [smem:$0x7C3]  }
0x301: {  	[sflag:s5] =	ssyncset.done $0x0  }
0x302: {  	[sflag:s5] =	ssyncadd.s32 $0xFFFF9C00  }
0x303: {  	[hbm4b:s23+s1] =	stream.linear.scatter [tilespmem:s26], [sflag:$0x7], $0x6400, $0x38;
	[tilespmem:$0x1F400] =	vst v63  }
0x304: {  	_ =	swait.ge [sflag:s21], $0x6400  }
0x305: {  	s23 =	sld [smem:$0x7FB]  }
0x306: {  	[sflag:s21] =	ssyncset.done $0x0  }
0x307: {  	[sflag:s21] =	ssyncadd.s32 $0xFFFF9C00  }
0x308: {  	[tilespmem:s7], [sflag:$0x5] =	stream.linear.gather [hbm4b:s23+s1], $0x6400, $0x38;
	[tilespmem:$0x1F400] =	vst v63  }
0x309: {  	_ =	swait.ge [sflag:s9], $0x6400  }
0x30a: {  	s23 =	sld [smem:$0x7C8]  }
0x30b: {  	[sflag:s9] =	ssyncset.done $0x0  }
0x30c: {  	[sflag:s9] =	ssyncadd.s32 $0xFFFF9C00  }
0x30d: {  	[hbm4b:s23+s1] =	stream.linear.scatter [tilespmem:s29], [sflag:$0x8], $0x6400, $0x38;
	[tilespmem:$0x1F400] =	vst v63  }
0x30e: {  	_ =	swait.ge [sflag:s13], $0x6400  }
0x30f: {  	s23 =	sld [smem:$0x7C9]  }
0x310: {  	[sflag:s13] =	ssyncset.done $0x0  }
0x311: {  	[sflag:s13] =	ssyncadd.s32 $0xFFFF9C00  }
0x312: {  	[hbm4b:s23+s1] =	stream.linear.scatter [tilespmem:s2], [sflag:$0x9], $0x6400, $0x38;
	[tilespmem:$0x1F400] =	vst v63  }
0x313: {  	_ =	swait.ge [sflag:s17], $0x6400  }
0x314: {  	s23 =	sld [smem:$0x7CA]  }
0x315: {  	[sflag:s17] =	ssyncset.done $0x0  }
0x316: {  	[sflag:s17] =	ssyncadd.s32 $0xFFFF9C00  }
0x317: {  	[hbm4b:s23+s1] =	stream.linear.scatter [tilespmem:s7], [sflag:$0xA], $0x6400, $0x38;
	[tilespmem:$0x1F400] =	vst v63  }
0x318: {  	_ =	swait.ge [sflag:s11], $0x6400  }
0x319: {  	[sflag:s11] =	ssyncset.done $0x0  }
0x31a: {  	[sflag:s11] =	ssyncadd.s32 $0xFFFF9C00  }
0x31b: {  	_ =	swait.ge [sflag:s15], $0x6400  }
0x31c: {  	[sflag:s15] =	ssyncset.done $0x0  }
0x31d: {  	[sflag:s15] =	ssyncadd.s32 $0xFFFF9C00  }
0x31e: {  	_ =	swait.ge [sflag:s18], $0x6400  }
0x31f: {  	[sflag:s18] =	ssyncset.done $0x0  }
0x320: {  	[sflag:s18] =	ssyncadd.s32 $0xFFFF9C00  }
0x321: {  	_ =	swait.ge [sflag:s19], $0x6400  }
.Ltmp5:
0x322: {  	[sflag:s19] =	ssyncset.done $0x0;
	(pc) =	sbr.rel .LBB2_7-.Ltmp5, $4  }
0x323: {  	[sflag:s19] =	ssyncadd.s32 $0xFFFF9C00  }
0x324: {  	_ =	swait.ge [sflag:s21], $0x6400  }
0x325: {  	[sflag:s21] =	ssyncset.done $0x0  }
0x326: {  	[sflag:s21] =	ssyncadd.s32 $0xFFFF9C00  }
.LBB2_8:
0x327: {  	_ =	sfence.sel $0x180000  }
0x328: {  	[bflag:$0x0] =	sbarrier.arrive $0xFFFF  }
0x329: {  	_ =	strace $0x90000047  }
0x32a: {  	s0 =	stileid.u32;
	[bflag:$0x2] =	sbarrier.arrive $0xFFFF  }
0x32b: {  	p0 =	sne.s32 s0, $0x0;
	s0 =	rddreg [dreg:$0x4]  }
0x32c: {  	s0 =	sadd.s32 @!p0 $0x100000, s0  }
0x32d: {  	[sflag:s0] =	ssyncadd.tile.s32 @!p0 $0x1;
	_ =	shalt  }
.Lfunc_end2:
_tile_overlayer_lowered:
.L_overlay_start_2:
0x32e: {  	(tag) =	ssettag $0x2  }
0x32f: {  	s0 =	rddreg [dreg:$0x0];
	s2 =	stileid.u32  }
0x330: {  	s1 =	rddreg [dreg:$0x1];
	p0 =	sne.s32 s2, $0x0  }
0x331: {  	s3 =	rddreg [dreg:$0x2];
	[bflag:$0x3] =	sbarrier.arrive $0xFFFF;
	s2 =	simm.s32 @!p0 $0x1C0B  }
0x332: {  	[timem:s3], [sflag:s2] =	dma.local @!p0 [hbm:s0], s1  }
0x333: {  	s0 =	simm.s32 @!p0 $0xB  }
0x334: {  	_ =	swait.ge @!p0 [sflag:s0], s1  }
0x335: {  	s1 =	ssub.s32 @!p0 $0x0, s1;
	[sflag:s0] =	ssyncset.done @!p0 $0x0  }
0x336: {  	[sflag:s0] =	ssyncadd.s32 @!p0 s1  }
0x337: {  	[bflag:$0x3] =	sbarrier.arrive $0xFFFF  }
0x338: {  	_ =	shalt  }

</sc_bundles>
